<compile_context>
chip_gen: v7x
topology: tpu7x:2x2x1
jax: 0.10.2.dev20260603
libtpu: 0.0.44.dev20260713+nightly
codegen_flags: <defaults>
</compile_context>

<pallas_src>
import functools

import jax
import jax.numpy as jnp
from jax import lax
from jax.experimental import pallas as pl
from jax.experimental.pallas import tpu as pltpu
from jax.experimental.pallas import tpu_sc as plsc

_N = 1024
_NC = 1
_NS = 16
_NW = _NC * _NS
_ROWS = _N // _NW
_CHUNKS = _N // 16

_mesh = plsc.VectorSubcoreMesh(
    core_axis_name="c", subcore_axis_name="s", num_cores=_NC
)


@functools.partial(
    pl.kernel,
    mesh=_mesh,
    compiler_params=pltpu.CompilerParams(needs_layout_passes=False),
    out_type=jax.ShapeDtypeStruct((_N, _N), jnp.float32),
    scratch_types=[
        pltpu.VMEM((63, 63), jnp.float32),
        pltpu.VMEM((63, 64), jnp.float32),
        pltpu.VMEM((_ROWS, _N), jnp.float32),
        pltpu.SemaphoreType.DMA,
    ],
)
def _position_bias_sc(table_hbm, out_hbm, table_v, rev_v, out_v, dma_sem):
    wid = lax.axis_index("s") * _NC + lax.axis_index("c")
    lo = pltpu.async_copy(table_hbm.at[pl.ds(0, 32)], table_v.at[pl.ds(0, 32)],
                          dma_sem)
    hi = pltpu.async_copy(table_hbm.at[pl.ds(32, 31)],
                          table_v.at[pl.ds(32, 31)], dma_sem)
    lo.wait()

    def rev_body(i, carry):
        for src, dst in ((47, 0), (31, 16), (15, 32), (0, 47)):
            rev_v[i, pl.ds(dst, 16)] = lax.rev(table_v[i, pl.ds(src, 16)], (0,))
        return carry

    lax.fori_loop(0, 32, rev_body, None)
    hi.wait()
    lax.fori_loop(32, 63, rev_body, None)

    _LAG = 6

    def row_body(wi, carry):
        wi_l = wi & 31
        c_even = 31 - wi_l
        c_odd = 47 - wi_l
        row0 = 31 + 2 * wid + (wi >> 5)
        vals = {}
        for t in range(_CHUNKS + _LAG):
            if t < _CHUNKS:
                vals[t] = rev_v[
                    row0 - (t >> 1), pl.ds(c_odd if t & 1 else c_even, 16)
                ]
            if t >= _LAG:
                jj = t - _LAG
                out_v[wi, pl.ds(jj * 16, 16)] = vals.pop(jj)
        return carry

    _B = _ROWS // 4
    copies = []
    for b in range(4):
        lax.fori_loop(b * _B, (b + 1) * _B, row_body, None)
        copies.append(
            pltpu.async_copy(
                out_v.at[pl.ds(b * _B, _B)],
                out_hbm.at[pl.ds(wid * _ROWS + b * _B, _B)],
                dma_sem,
            )
        )
    for c in copies:
        c.wait()


def kernel(bias_table, rel_idx):
    del rel_idx
    return _position_bias_sc(bias_table)

# --- scband reference (transcript-rebuilt; emitter-appended) ---
"""Pipeline reference for scband-position-bias-79267916415443 (READ-ONLY COPY).

The authoritative reference and input builder live on the scoring server;
editing this copy changes nothing except your own understanding.
"""

import jax, jax.numpy as jnp
import numpy as np

GRID_H = 32
GRID_W = 32
MAX_REL_H = 2 * GRID_H - 1
MAX_REL_W = 2 * GRID_W - 1


def _build_rel_idx():
    coords_h = np.arange(GRID_H)
    coords_w = np.arange(GRID_W)
    ch, cw = np.meshgrid(coords_h, coords_w, indexing='ij')
    coords = np.stack([ch, cw])  # [2, H, W]
    coords_flat = coords.reshape(2, -1)  # [2, H*W]
    relative_coords = coords_flat[:, :, None] - coords_flat[:, None, :]  # [2, N, N]
    relative_coords[0] += GRID_H - 1
    relative_coords[1] += GRID_W - 1
    rel_idx = relative_coords[0] * MAX_REL_W + relative_coords[1]
    return jnp.asarray(rel_idx, dtype=jnp.int64 if jax.config.jax_enable_x64 else jnp.int32)


def setup_inputs(seed: int = 0) -> dict:
    key = jax.random.key(seed)
    # learned parameter: trunc-normal(std=0.02) initialized bias table
    bias_table = jax.random.normal(key, (MAX_REL_H, MAX_REL_W), dtype=jnp.float32) * 0.02
    rel_idx = _build_rel_idx()
    return {"bias_table": bias_table, "rel_idx": rel_idx}


def reference(bias_table, rel_idx):
    # faithful to: self.bias_table.view(-1)[self.rel_idx]
    flat = bias_table.reshape(-1)
    return jnp.take(flat, rel_idx)

if __name__ == "__main__":
    import jax
    _d = setup_inputs()
    print(jax.jit(kernel)(*tuple(_d.values())))

</pallas_src>

<mosaic_0001>
#map = affine_map<(d0, d1) -> (0, 0)>
module attributes {stable_mosaic.version = 14 : i64} {
  func.func @_position_bias_sc(%arg0: i32, %arg1: i32, %arg2: memref<63x63xf32, #tpu.memory_space<hbm>>, %arg3: memref<1024x1024xf32, #tpu.memory_space<hbm>>, %arg4: memref<63x63xf32, #tpu.memory_space<vmem>>, %arg5: memref<63x64xf32, #tpu.memory_space<vmem>>, %arg6: memref<64x1024xf32, #tpu.memory_space<vmem>>, %arg7: memref<!tpu.dma_semaphore, #tpu.memory_space<semaphore_mem>>) attributes {dimension_semantics = [#tpu.dimension_semantics<core_parallel>, #tpu.dimension_semantics<subcore_parallel>], iteration_bounds = array<i64: 1, 16>, scalar_prefetch = 0 : i64, scratch_operands = 4 : i64, tpu.core_type = #tpu.core_type<sc_vector_subcore>, window_params = [{transform_indices = #map}, {transform_indices = #map}]} {
    %mul3A = arith.constant 1 : i32
    %mul3A_0 = arith.muli %arg1, %mul3A : i32
    %add3A = arith.addi %mul3A_0, %arg0 : i32
    %dma_start3A = arith.constant 0 : i32
    %dma_start3A_1 = arith.constant 0 : i32
    %dma_start3A_2 = tpu.memref_slice %arg4[%dma_start3A, %dma_start3A_1] : memref<63x63xf32, #tpu.memory_space<vmem>> -> memref<32x63xf32, #tpu.memory_space<vmem>>
    %dma_start3A_3 = arith.constant 0 : i32
    %dma_start3A_4 = arith.constant 0 : i32
    %dma_start3A_5 = tpu.memref_slice %arg2[%dma_start3A_3, %dma_start3A_4] : memref<63x63xf32, #tpu.memory_space<hbm>> -> memref<32x63xf32, #tpu.memory_space<hbm>>
    %dma_start3A_6 = arith.constant 0 : i32
    %dma_start3A_7 = arith.constant 0 : i32
    %dma_start3A_8 = tpu.memref_slice %arg4[%dma_start3A_6, %dma_start3A_7] : memref<63x63xf32, #tpu.memory_space<vmem>> -> memref<32x63xf32, #tpu.memory_space<vmem>>
    %dma_start3A_9 = arith.constant 0 : i32
    %dma_start3A_10 = arith.constant 0 : i32
    %dma_start3A_11 = tpu.memref_slice %arg2[%dma_start3A_9, %dma_start3A_10] : memref<63x63xf32, #tpu.memory_space<hbm>> -> memref<32x63xf32, #tpu.memory_space<hbm>>
    tpu.enqueue_dma source(%dma_start3A_11 : memref<32x63xf32, #tpu.memory_space<hbm>>) target(%dma_start3A_8 : memref<32x63xf32, #tpu.memory_space<vmem>>) target_semaphore(%arg7 : memref<!tpu.dma_semaphore, #tpu.memory_space<semaphore_mem>>)
    %dma_start3A_12 = arith.constant 32 : i32
    %dma_start3A_13 = arith.constant 0 : i32
    %dma_start3A_14 = tpu.memref_slice %arg4[%dma_start3A_12, %dma_start3A_13] : memref<63x63xf32, #tpu.memory_space<vmem>> -> memref<31x63xf32, #tpu.memory_space<vmem>>
    %dma_start3A_15 = arith.constant 32 : i32
    %dma_start3A_16 = arith.constant 0 : i32
    %dma_start3A_17 = tpu.memref_slice %arg2[%dma_start3A_15, %dma_start3A_16] : memref<63x63xf32, #tpu.memory_space<hbm>> -> memref<31x63xf32, #tpu.memory_space<hbm>>
    %dma_start3A_18 = arith.constant 32 : i32
    %dma_start3A_19 = arith.constant 0 : i32
    %dma_start3A_20 = tpu.memref_slice %arg4[%dma_start3A_18, %dma_start3A_19] : memref<63x63xf32, #tpu.memory_space<vmem>> -> memref<31x63xf32, #tpu.memory_space<vmem>>
    %dma_start3A_21 = arith.constant 32 : i32
    %dma_start3A_22 = arith.constant 0 : i32
    %dma_start3A_23 = tpu.memref_slice %arg2[%dma_start3A_21, %dma_start3A_22] : memref<63x63xf32, #tpu.memory_space<hbm>> -> memref<31x63xf32, #tpu.memory_space<hbm>>
    tpu.enqueue_dma source(%dma_start3A_23 : memref<31x63xf32, #tpu.memory_space<hbm>>) target(%dma_start3A_20 : memref<31x63xf32, #tpu.memory_space<vmem>>) target_semaphore(%arg7 : memref<!tpu.dma_semaphore, #tpu.memory_space<semaphore_mem>>)
    %dma_wait3A = arith.constant 0 : i32
    %dma_wait3A_24 = arith.constant 0 : i32
    %dma_wait3A_25 = tpu.memref_slice %arg4[%dma_wait3A, %dma_wait3A_24] : memref<63x63xf32, #tpu.memory_space<vmem>> -> memref<32x63xf32, #tpu.memory_space<vmem>>
    %dma_wait3A_26 = arith.constant 0 : i32
    %dma_wait3A_27 = arith.constant 0 : i32
    %dma_wait3A_28 = tpu.memref_slice %arg2[%dma_wait3A_26, %dma_wait3A_27] : memref<63x63xf32, #tpu.memory_space<hbm>> -> memref<32x63xf32, #tpu.memory_space<hbm>>
    %dma_wait3A_29 = arith.constant 0 : i32
    %dma_wait3A_30 = arith.constant 0 : i32
    %dma_wait3A_31 = tpu.memref_slice %arg4[%dma_wait3A_29, %dma_wait3A_30] : memref<63x63xf32, #tpu.memory_space<vmem>> -> memref<32x63xf32, #tpu.memory_space<vmem>>
    %dma_wait3A_32 = arith.constant 0 : i32
    %dma_wait3A_33 = arith.constant 0 : i32
    %dma_wait3A_34 = tpu.memref_slice %arg2[%dma_wait3A_32, %dma_wait3A_33] : memref<63x63xf32, #tpu.memory_space<hbm>> -> memref<32x63xf32, #tpu.memory_space<hbm>>
    tpu.wait_dma2 semaphore(%arg7 : memref<!tpu.dma_semaphore, #tpu.memory_space<semaphore_mem>>) src(%dma_wait3A_34 : memref<32x63xf32, #tpu.memory_space<hbm>>) dst(%dma_wait3A_31 : memref<32x63xf32, #tpu.memory_space<vmem>>)
    %scan3A = arith.constant 0 : i32
    %scan3A_35 = arith.constant 32 : i32
    %scan3A_36 = arith.addi %scan3A, %scan3A_35 : i32
    %scan3A_37 = arith.constant 1 : i32
    scf.for %scan3A_172 = %scan3A to %scan3A_36 step %scan3A_37  : i32 {
      %get3A = arith.index_cast %scan3A_172 : i32 to index
      %get3A_173 = arith.constant 47 : index
      %get3A_174 = tpu.vector_load %arg4[%get3A, %get3A_173] {strides = array<i32>} : memref<63x63xf32, #tpu.memory_space<vmem>>, vector<16xf32>,
      %rev3A = arith.constant 15 : i32
      %rev3A_175 = vector.broadcast %rev3A : i32 to vector<16xi32>
      %rev3A_176 = tpu.iota {dimensions = array<i32: 0>} : vector<16xi32>
      %rev3A_177 = arith.subi %rev3A_175, %rev3A_176 : vector<16xi32>
      %rev3A_178 = tpu.dynamic_gather %get3A_174[%rev3A_177] in [0] : vector<16xf32>, vector<16xi32> -> vector<16xf32>
      %swap3A = arith.index_cast %scan3A_172 : i32 to index
      %swap3A_179 = arith.constant 0 : index
      %swap3A_180 = tpu.vector_load %arg5[%swap3A, %swap3A_179] {strides = array<i32>} : memref<63x64xf32, #tpu.memory_space<vmem>>, vector<16xf32>,
      tpu.vector_store %arg5[%swap3A, %swap3A_179], %rev3A_178 {strides = array<i32>} : memref<63x64xf32, #tpu.memory_space<vmem>>, vector<16xf32>,
      %get3A_181 = arith.index_cast %scan3A_172 : i32 to index
      %get3A_182 = arith.constant 31 : index
      %get3A_183 = tpu.vector_load %arg4[%get3A_181, %get3A_182] {strides = array<i32>} : memref<63x63xf32, #tpu.memory_space<vmem>>, vector<16xf32>,
      %rev3A_184 = arith.constant 15 : i32
      %rev3A_185 = vector.broadcast %rev3A_184 : i32 to vector<16xi32>
      %rev3A_186 = tpu.iota {dimensions = array<i32: 0>} : vector<16xi32>
      %rev3A_187 = arith.subi %rev3A_185, %rev3A_186 : vector<16xi32>
      %rev3A_188 = tpu.dynamic_gather %get3A_183[%rev3A_187] in [0] : vector<16xf32>, vector<16xi32> -> vector<16xf32>
      %swap3A_189 = arith.index_cast %scan3A_172 : i32 to index
      %swap3A_190 = arith.constant 16 : index
      %swap3A_191 = tpu.vector_load %arg5[%swap3A_189, %swap3A_190] {strides = array<i32>} : memref<63x64xf32, #tpu.memory_space<vmem>>, vector<16xf32>,
      tpu.vector_store %arg5[%swap3A_189, %swap3A_190], %rev3A_188 {strides = array<i32>} : memref<63x64xf32, #tpu.memory_space<vmem>>, vector<16xf32>,
      %get3A_192 = arith.index_cast %scan3A_172 : i32 to index
      %get3A_193 = arith.constant 15 : index
      %get3A_194 = tpu.vector_load %arg4[%get3A_192, %get3A_193] {strides = array<i32>} : memref<63x63xf32, #tpu.memory_space<vmem>>, vector<16xf32>,
      %rev3A_195 = arith.constant 15 : i32
      %rev3A_196 = vector.broadcast %rev3A_195 : i32 to vector<16xi32>
      %rev3A_197 = tpu.iota {dimensions = array<i32: 0>} : vector<16xi32>
      %rev3A_198 = arith.subi %rev3A_196, %rev3A_197 : vector<16xi32>
      %rev3A_199 = tpu.dynamic_gather %get3A_194[%rev3A_198] in [0] : vector<16xf32>, vector<16xi32> -> vector<16xf32>
      %swap3A_200 = arith.index_cast %scan3A_172 : i32 to index
      %swap3A_201 = arith.constant 32 : index
      %swap3A_202 = tpu.vector_load %arg5[%swap3A_200, %swap3A_201] {strides = array<i32>} : memref<63x64xf32, #tpu.memory_space<vmem>>, vector<16xf32>,
      tpu.vector_store %arg5[%swap3A_200, %swap3A_201], %rev3A_199 {strides = array<i32>} : memref<63x64xf32, #tpu.memory_space<vmem>>, vector<16xf32>,
      %get3A_203 = arith.index_cast %scan3A_172 : i32 to index
      %get3A_204 = arith.constant 0 : index
      %get3A_205 = tpu.vector_load %arg4[%get3A_203, %get3A_204] {strides = array<i32>} : memref<63x63xf32, #tpu.memory_space<vmem>>, vector<16xf32>,
      %rev3A_206 = arith.constant 15 : i32
      %rev3A_207 = vector.broadcast %rev3A_206 : i32 to vector<16xi32>
      %rev3A_208 = tpu.iota {dimensions = array<i32: 0>} : vector<16xi32>
      %rev3A_209 = arith.subi %rev3A_207, %rev3A_208 : vector<16xi32>
      %rev3A_210 = tpu.dynamic_gather %get3A_205[%rev3A_209] in [0] : vector<16xf32>, vector<16xi32> -> vector<16xf32>
      %swap3A_211 = arith.index_cast %scan3A_172 : i32 to index
      %swap3A_212 = arith.constant 47 : index
      %swap3A_213 = tpu.vector_load %arg5[%swap3A_211, %swap3A_212] {strides = array<i32>} : memref<63x64xf32, #tpu.memory_space<vmem>>, vector<16xf32>,
      tpu.vector_store %arg5[%swap3A_211, %swap3A_212], %rev3A_210 {strides = array<i32>} : memref<63x64xf32, #tpu.memory_space<vmem>>, vector<16xf32>,
    }
    %scan3A_38 = arith.constant 32 : i32
    %dma_wait3A_39 = arith.constant 32 : i32
    %dma_wait3A_40 = arith.constant 0 : i32
    %dma_wait3A_41 = tpu.memref_slice %arg4[%dma_wait3A_39, %dma_wait3A_40] : memref<63x63xf32, #tpu.memory_space<vmem>> -> memref<31x63xf32, #tpu.memory_space<vmem>>
    %dma_wait3A_42 = arith.constant 32 : i32
    %dma_wait3A_43 = arith.constant 0 : i32
    %dma_wait3A_44 = tpu.memref_slice %arg2[%dma_wait3A_42, %dma_wait3A_43] : memref<63x63xf32, #tpu.memory_space<hbm>> -> memref<31x63xf32, #tpu.memory_space<hbm>>
    %dma_wait3A_45 = arith.constant 32 : i32
    %dma_wait3A_46 = arith.constant 0 : i32
    %dma_wait3A_47 = tpu.memref_slice %arg4[%dma_wait3A_45, %dma_wait3A_46] : memref<63x63xf32, #tpu.memory_space<vmem>> -> memref<31x63xf32, #tpu.memory_space<vmem>>
    %dma_wait3A_48 = arith.constant 32 : i32
    %dma_wait3A_49 = arith.constant 0 : i32
    %dma_wait3A_50 = tpu.memref_slice %arg2[%dma_wait3A_48, %dma_wait3A_49] : memref<63x63xf32, #tpu.memory_space<hbm>> -> memref<31x63xf32, #tpu.memory_space<hbm>>
    tpu.wait_dma2 semaphore(%arg7 : memref<!tpu.dma_semaphore, #tpu.memory_space<semaphore_mem>>) src(%dma_wait3A_50 : memref<31x63xf32, #tpu.memory_space<hbm>>) dst(%dma_wait3A_47 : memref<31x63xf32, #tpu.memory_space<vmem>>)
    %scan3A_51 = arith.constant 32 : i32
    %scan3A_52 = arith.constant 31 : i32
    %scan3A_53 = arith.addi %scan3A_51, %scan3A_52 : i32
    %scan3A_54 = arith.constant 1 : i32
    scf.for %scan3A_172 = %scan3A_51 to %scan3A_53 step %scan3A_54  : i32 {
      %get3A = arith.index_cast %scan3A_172 : i32 to index
      %get3A_173 = arith.constant 47 : index
      %get3A_174 = tpu.vector_load %arg4[%get3A, %get3A_173] {strides = array<i32>} : memref<63x63xf32, #tpu.memory_space<vmem>>, vector<16xf32>,
      %rev3A = arith.constant 15 : i32
      %rev3A_175 = vector.broadcast %rev3A : i32 to vector<16xi32>
      %rev3A_176 = tpu.iota {dimensions = array<i32: 0>} : vector<16xi32>
      %rev3A_177 = arith.subi %rev3A_175, %rev3A_176 : vector<16xi32>
      %rev3A_178 = tpu.dynamic_gather %get3A_174[%rev3A_177] in [0] : vector<16xf32>, vector<16xi32> -> vector<16xf32>
      %swap3A = arith.index_cast %scan3A_172 : i32 to index
      %swap3A_179 = arith.constant 0 : index
      %swap3A_180 = tpu.vector_load %arg5[%swap3A, %swap3A_179] {strides = array<i32>} : memref<63x64xf32, #tpu.memory_space<vmem>>, vector<16xf32>,
      tpu.vector_store %arg5[%swap3A, %swap3A_179], %rev3A_178 {strides = array<i32>} : memref<63x64xf32, #tpu.memory_space<vmem>>, vector<16xf32>,
      %get3A_181 = arith.index_cast %scan3A_172 : i32 to index
      %get3A_182 = arith.constant 31 : index
      %get3A_183 = tpu.vector_load %arg4[%get3A_181, %get3A_182] {strides = array<i32>} : memref<63x63xf32, #tpu.memory_space<vmem>>, vector<16xf32>,
      %rev3A_184 = arith.constant 15 : i32
      %rev3A_185 = vector.broadcast %rev3A_184 : i32 to vector<16xi32>
      %rev3A_186 = tpu.iota {dimensions = array<i32: 0>} : vector<16xi32>
      %rev3A_187 = arith.subi %rev3A_185, %rev3A_186 : vector<16xi32>
      %rev3A_188 = tpu.dynamic_gather %get3A_183[%rev3A_187] in [0] : vector<16xf32>, vector<16xi32> -> vector<16xf32>
      %swap3A_189 = arith.index_cast %scan3A_172 : i32 to index
      %swap3A_190 = arith.constant 16 : index
      %swap3A_191 = tpu.vector_load %arg5[%swap3A_189, %swap3A_190] {strides = array<i32>} : memref<63x64xf32, #tpu.memory_space<vmem>>, vector<16xf32>,
      tpu.vector_store %arg5[%swap3A_189, %swap3A_190], %rev3A_188 {strides = array<i32>} : memref<63x64xf32, #tpu.memory_space<vmem>>, vector<16xf32>,
      %get3A_192 = arith.index_cast %scan3A_172 : i32 to index
      %get3A_193 = arith.constant 15 : index
      %get3A_194 = tpu.vector_load %arg4[%get3A_192, %get3A_193] {strides = array<i32>} : memref<63x63xf32, #tpu.memory_space<vmem>>, vector<16xf32>,
      %rev3A_195 = arith.constant 15 : i32
      %rev3A_196 = vector.broadcast %rev3A_195 : i32 to vector<16xi32>
      %rev3A_197 = tpu.iota {dimensions = array<i32: 0>} : vector<16xi32>
      %rev3A_198 = arith.subi %rev3A_196, %rev3A_197 : vector<16xi32>
      %rev3A_199 = tpu.dynamic_gather %get3A_194[%rev3A_198] in [0] : vector<16xf32>, vector<16xi32> -> vector<16xf32>
      %swap3A_200 = arith.index_cast %scan3A_172 : i32 to index
      %swap3A_201 = arith.constant 32 : index
      %swap3A_202 = tpu.vector_load %arg5[%swap3A_200, %swap3A_201] {strides = array<i32>} : memref<63x64xf32, #tpu.memory_space<vmem>>, vector<16xf32>,
      tpu.vector_store %arg5[%swap3A_200, %swap3A_201], %rev3A_199 {strides = array<i32>} : memref<63x64xf32, #tpu.memory_space<vmem>>, vector<16xf32>,
      %get3A_203 = arith.index_cast %scan3A_172 : i32 to index
      %get3A_204 = arith.constant 0 : index
      %get3A_205 = tpu.vector_load %arg4[%get3A_203, %get3A_204] {strides = array<i32>} : memref<63x63xf32, #tpu.memory_space<vmem>>, vector<16xf32>,
      %rev3A_206 = arith.constant 15 : i32
      %rev3A_207 = vector.broadcast %rev3A_206 : i32 to vector<16xi32>
      %rev3A_208 = tpu.iota {dimensions = array<i32: 0>} : vector<16xi32>
      %rev3A_209 = arith.subi %rev3A_207, %rev3A_208 : vector<16xi32>
      %rev3A_210 = tpu.dynamic_gather %get3A_205[%rev3A_209] in [0] : vector<16xf32>, vector<16xi32> -> vector<16xf32>
      %swap3A_211 = arith.index_cast %scan3A_172 : i32 to index
      %swap3A_212 = arith.constant 47 : index
      %swap3A_213 = tpu.vector_load %arg5[%swap3A_211, %swap3A_212] {strides = array<i32>} : memref<63x64xf32, #tpu.memory_space<vmem>>, vector<16xf32>,
      tpu.vector_store %arg5[%swap3A_211, %swap3A_212], %rev3A_210 {strides = array<i32>} : memref<63x64xf32, #tpu.memory_space<vmem>>, vector<16xf32>,
    }
    %scan3A_55 = arith.constant 31 : i32
    %scan3A_56 = arith.constant 0 : i32
    %scan3A_57 = arith.constant 16 : i32
    %scan3A_58 = arith.addi %scan3A_56, %scan3A_57 : i32
    %scan3A_59 = arith.constant 1 : i32
    scf.for %scan3A_172 = %scan3A_56 to %scan3A_58 step %scan3A_59  : i32 {
      %and3A = arith.constant 31 : i32
      %and3A_173 = arith.andi %scan3A_172, %and3A : i32
      %sub3A = arith.constant 31 : i32
      %sub3A_174 = arith.subi %sub3A, %and3A_173 : i32
      %sub3A_175 = arith.constant 47 : i32
      %sub3A_176 = arith.subi %sub3A_175, %and3A_173 : i32
      %mul3A_177 = arith.constant 2 : i32
      %mul3A_178 = arith.muli %mul3A_177, %add3A : i32
      %add3A_179 = arith.constant 31 : i32
      %add3A_180 = arith.addi %add3A_179, %mul3A_178 : i32
      %shift_right_arithmetic3A = arith.constant 5 : i32
      %shift_right_arithmetic3A_181 = arith.shrsi %scan3A_172, %shift_right_arithmetic3A : i32
      %add3A_182 = arith.addi %add3A_180, %shift_right_arithmetic3A_181 : i32
      %sub3A_183 = arith.constant 0 : i32
      %sub3A_184 = arith.subi %add3A_182, %sub3A_183 : i32
      %get3A = arith.index_cast %sub3A_184 : i32 to index
      %get3A_185 = arith.index_cast %sub3A_174 : i32 to index
      %get3A_186 = tpu.vector_load %arg5[%get3A, %get3A_185] {strides = array<i32>} : memref<63x64xf32, #tpu.memory_space<vmem>>, vector<16xf32>,
      %sub3A_187 = arith.constant 0 : i32
      %sub3A_188 = arith.subi %add3A_182, %sub3A_187 : i32
      %get3A_189 = arith.index_cast %sub3A_188 : i32 to index
      %get3A_190 = arith.index_cast %sub3A_176 : i32 to index
      %get3A_191 = tpu.vector_load %arg5[%get3A_189, %get3A_190] {strides = array<i32>} : memref<63x64xf32, #tpu.memory_space<vmem>>, vector<16xf32>,
      %sub3A_192 = arith.constant 1 : i32
      %sub3A_193 = arith.subi %add3A_182, %sub3A_192 : i32
      %get3A_194 = arith.index_cast %sub3A_193 : i32 to index
      %get3A_195 = arith.index_cast %sub3A_174 : i32 to index
      %get3A_196 = tpu.vector_load %arg5[%get3A_194, %get3A_195] {strides = array<i32>} : memref<63x64xf32, #tpu.memory_space<vmem>>, vector<16xf32>,
      %sub3A_197 = arith.constant 1 : i32
      %sub3A_198 = arith.subi %add3A_182, %sub3A_197 : i32
      %get3A_199 = arith.index_cast %sub3A_198 : i32 to index
      %get3A_200 = arith.index_cast %sub3A_176 : i32 to index
      %get3A_201 = tpu.vector_load %arg5[%get3A_199, %get3A_200] {strides = array<i32>} : memref<63x64xf32, #tpu.memory_space<vmem>>, vector<16xf32>,
      %sub3A_202 = arith.constant 2 : i32
      %sub3A_203 = arith.subi %add3A_182, %sub3A_202 : i32
      %get3A_204 = arith.index_cast %sub3A_203 : i32 to index
      %get3A_205 = arith.index_cast %sub3A_174 : i32 to index
      %get3A_206 = tpu.vector_load %arg5[%get3A_204, %get3A_205] {strides = array<i32>} : memref<63x64xf32, #tpu.memory_space<vmem>>, vector<16xf32>,
      %sub3A_207 = arith.constant 2 : i32
      %sub3A_208 = arith.subi %add3A_182, %sub3A_207 : i32
      %get3A_209 = arith.index_cast %sub3A_208 : i32 to index
      %get3A_210 = arith.index_cast %sub3A_176 : i32 to index
      %get3A_211 = tpu.vector_load %arg5[%get3A_209, %get3A_210] {strides = array<i32>} : memref<63x64xf32, #tpu.memory_space<vmem>>, vector<16xf32>,
      %sub3A_212 = arith.constant 3 : i32
      %sub3A_213 = arith.subi %add3A_182, %sub3A_212 : i32
      %get3A_214 = arith.index_cast %sub3A_213 : i32 to index
      %get3A_215 = arith.index_cast %sub3A_174 : i32 to index
      %get3A_216 = tpu.vector_load %arg5[%get3A_214, %get3A_215] {strides = array<i32>} : memref<63x64xf32, #tpu.memory_space<vmem>>, vector<16xf32>,
      %swap3A = arith.index_cast %scan3A_172 : i32 to index
      %swap3A_217 = arith.constant 0 : index
      %swap3A_218 = tpu.vector_load %arg6[%swap3A, %swap3A_217] {strides = array<i32>} : memref<64x1024xf32, #tpu.memory_space<vmem>>, vector<16xf32>,
      tpu.vector_store %arg6[%swap3A, %swap3A_217], %get3A_186 {strides = array<i32>} : memref<64x1024xf32, #tpu.memory_space<vmem>>, vector<16xf32>,
      %sub3A_219 = arith.constant 3 : i32
      %sub3A_220 = arith.subi %add3A_182, %sub3A_219 : i32
      %get3A_221 = arith.index_cast %sub3A_220 : i32 to index
      %get3A_222 = arith.index_cast %sub3A_176 : i32 to index
      %get3A_223 = tpu.vector_load %arg5[%get3A_221, %get3A_222] {strides = array<i32>} : memref<63x64xf32, #tpu.memory_space<vmem>>, vector<16xf32>,
      %swap3A_224 = arith.index_cast %scan3A_172 : i32 to index
      %swap3A_225 = arith.constant 16 : index
      %swap3A_226 = tpu.vector_load %arg6[%swap3A_224, %swap3A_225] {strides = array<i32>} : memref<64x1024xf32, #tpu.memory_space<vmem>>, vector<16xf32>,
      tpu.vector_store %arg6[%swap3A_224, %swap3A_225], %get3A_191 {strides = array<i32>} : memref<64x1024xf32, #tpu.memory_space<vmem>>, vector<16xf32>,
      %sub3A_227 = arith.constant 4 : i32
      %sub3A_228 = arith.subi %add3A_182, %sub3A_227 : i32
      %get3A_229 = arith.index_cast %sub3A_228 : i32 to index
      %get3A_230 = arith.index_cast %sub3A_174 : i32 to index
      %get3A_231 = tpu.vector_load %arg5[%get3A_229, %get3A_230] {strides = array<i32>} : memref<63x64xf32, #tpu.memory_space<vmem>>, vector<16xf32>,
      %swap3A_232 = arith.index_cast %scan3A_172 : i32 to index
      %swap3A_233 = arith.constant 32 : index
      %swap3A_234 = tpu.vector_load %arg6[%swap3A_232, %swap3A_233] {strides = array<i32>} : memref<64x1024xf32, #tpu.memory_space<vmem>>, vector<16xf32>,
      tpu.vector_store %arg6[%swap3A_232, %swap3A_233], %get3A_196 {strides = array<i32>} : memref<64x1024xf32, #tpu.memory_space<vmem>>, vector<16xf32>,
      %sub3A_235 = arith.constant 4 : i32
      %sub3A_236 = arith.subi %add3A_182, %sub3A_235 : i32
      %get3A_237 = arith.index_cast %sub3A_236 : i32 to index
      %get3A_238 = arith.index_cast %sub3A_176 : i32 to index
      %get3A_239 = tpu.vector_load %arg5[%get3A_237, %get3A_238] {strides = array<i32>} : memref<63x64xf32, #tpu.memory_space<vmem>>, vector<16xf32>,
      %swap3A_240 = arith.index_cast %scan3A_172 : i32 to index
      %swap3A_241 = arith.constant 48 : index
      %swap3A_242 = tpu.vector_load %arg6[%swap3A_240, %swap3A_241] {strides = array<i32>} : memref<64x1024xf32, #tpu.memory_space<vmem>>, vector<16xf32>,
      tpu.vector_store %arg6[%swap3A_240, %swap3A_241], %get3A_201 {strides = array<i32>} : memref<64x1024xf32, #tpu.memory_space<vmem>>, vector<16xf32>,
      %sub3A_243 = arith.constant 5 : i32
      %sub3A_244 = arith.subi %add3A_182, %sub3A_243 : i32
      %get3A_245 = arith.index_cast %sub3A_244 : i32 to index
      %get3A_246 = arith.index_cast %sub3A_174 : i32 to index
      %get3A_247 = tpu.vector_load %arg5[%get3A_245, %get3A_246] {strides = array<i32>} : memref<63x64xf32, #tpu.memory_space<vmem>>, vector<16xf32>,
      %swap3A_248 = arith.index_cast %scan3A_172 : i32 to index
      %swap3A_249 = arith.constant 64 : index
      %swap3A_250 = tpu.vector_load %arg6[%swap3A_248, %swap3A_249] {strides = array<i32>} : memref<64x1024xf32, #tpu.memory_space<vmem>>, vector<16xf32>,
      tpu.vector_store %arg6[%swap3A_248, %swap3A_249], %get3A_206 {strides = array<i32>} : memref<64x1024xf32, #tpu.memory_space<vmem>>, vector<16xf32>,
      %sub3A_251 = arith.constant 5 : i32
      %sub3A_252 = arith.subi %add3A_182, %sub3A_251 : i32
      %get3A_253 = arith.index_cast %sub3A_252 : i32 to index
      %get3A_254 = arith.index_cast %sub3A_176 : i32 to index
      %get3A_255 = tpu.vector_load %arg5[%get3A_253, %get3A_254] {strides = array<i32>} : memref<63x64xf32, #tpu.memory_space<vmem>>, vector<16xf32>,
      %swap3A_256 = arith.index_cast %scan3A_172 : i32 to index
      %swap3A_257 = arith.constant 80 : index
      %swap3A_258 = tpu.vector_load %arg6[%swap3A_256, %swap3A_257] {strides = array<i32>} : memref<64x1024xf32, #tpu.memory_space<vmem>>, vector<16xf32>,
      tpu.vector_store %arg6[%swap3A_256, %swap3A_257], %get3A_211 {strides = array<i32>} : memref<64x1024xf32, #tpu.memory_space<vmem>>, vector<16xf32>,
      %sub3A_259 = arith.constant 6 : i32
      %sub3A_260 = arith.subi %add3A_182, %sub3A_259 : i32
      %get3A_261 = arith.index_cast %sub3A_260 : i32 to index
      %get3A_262 = arith.index_cast %sub3A_174 : i32 to index
      %get3A_263 = tpu.vector_load %arg5[%get3A_261, %get3A_262] {strides = array<i32>} : memref<63x64xf32, #tpu.memory_space<vmem>>, vector<16xf32>,
      %swap3A_264 = arith.index_cast %scan3A_172 : i32 to index
      %swap3A_265 = arith.constant 96 : index
      %swap3A_266 = tpu.vector_load %arg6[%swap3A_264, %swap3A_265] {strides = array<i32>} : memref<64x1024xf32, #tpu.memory_space<vmem>>, vector<16xf32>,
      tpu.vector_store %arg6[%swap3A_264, %swap3A_265], %get3A_216 {strides = array<i32>} : memref<64x1024xf32, #tpu.memory_space<vmem>>, vector<16xf32>,
      %sub3A_267 = arith.constant 6 : i32
      %sub3A_268 = arith.subi %add3A_182, %sub3A_267 : i32
      %get3A_269 = arith.index_cast %sub3A_268 : i32 to index
      %get3A_270 = arith.index_cast %sub3A_176 : i32 to index
      %get3A_271 = tpu.vector_load %arg5[%get3A_269, %get3A_270] {strides = array<i32>} : memref<63x64xf32, #tpu.memory_space<vmem>>, vector<16xf32>,
      %swap3A_272 = arith.index_cast %scan3A_172 : i32 to index
      %swap3A_273 = arith.constant 112 : index
      %swap3A_274 = tpu.vector_load %arg6[%swap3A_272, %swap3A_273] {strides = array<i32>} : memref<64x1024xf32, #tpu.memory_space<vmem>>, vector<16xf32>,
      tpu.vector_store %arg6[%swap3A_272, %swap3A_273], %get3A_223 {strides = array<i32>} : memref<64x1024xf32, #tpu.memory_space<vmem>>, vector<16xf32>,
      %sub3A_275 = arith.constant 7 : i32
      %sub3A_276 = arith.subi %add3A_182, %sub3A_275 : i32
      %get3A_277 = arith.index_cast %sub3A_276 : i32 to index
      %get3A_278 = arith.index_cast %sub3A_174 : i32 to index
      %get3A_279 = tpu.vector_load %arg5[%get3A_277, %get3A_278] {strides = array<i32>} : memref<63x64xf32, #tpu.memory_space<vmem>>, vector<16xf32>,
      %swap3A_280 = arith.index_cast %scan3A_172 : i32 to index
      %swap3A_281 = arith.constant 128 : index
      %swap3A_282 = tpu.vector_load %arg6[%swap3A_280, %swap3A_281] {strides = array<i32>} : memref<64x1024xf32, #tpu.memory_space<vmem>>, vector<16xf32>,
      tpu.vector_store %arg6[%swap3A_280, %swap3A_281], %get3A_231 {strides = array<i32>} : memref<64x1024xf32, #tpu.memory_space<vmem>>, vector<16xf32>,
      %sub3A_283 = arith.constant 7 : i32
      %sub3A_284 = arith.subi %add3A_182, %sub3A_283 : i32
      %get3A_285 = arith.index_cast %sub3A_284 : i32 to index
      %get3A_286 = arith.index_cast %sub3A_176 : i32 to index
      %get3A_287 = tpu.vector_load %arg5[%get3A_285, %get3A_286] {strides = array<i32>} : memref<63x64xf32, #tpu.memory_space<vmem>>, vector<16xf32>,
      %swap3A_288 = arith.index_cast %scan3A_172 : i32 to index
      %swap3A_289 = arith.constant 144 : index
      %swap3A_290 = tpu.vector_load %arg6[%swap3A_288, %swap3A_289] {strides = array<i32>} : memref<64x1024xf32, #tpu.memory_space<vmem>>, vector<16xf32>,
      tpu.vector_store %arg6[%swap3A_288, %swap3A_289], %get3A_239 {strides = array<i32>} : memref<64x1024xf32, #tpu.memory_space<vmem>>, vector<16xf32>,
      %sub3A_291 = arith.constant 8 : i32
      %sub3A_292 = arith.subi %add3A_182, %sub3A_291 : i32
      %get3A_293 = arith.index_cast %sub3A_292 : i32 to index
      %get3A_294 = arith.index_cast %sub3A_174 : i32 to index
      %get3A_295 = tpu.vector_load %arg5[%get3A_293, %get3A_294] {strides = array<i32>} : memref<63x64xf32, #tpu.memory_space<vmem>>, vector<16xf32>,
      %swap3A_296 = arith.index_cast %scan3A_172 : i32 to index
      %swap3A_297 = arith.constant 160 : index
      %swap3A_298 = tpu.vector_load %arg6[%swap3A_296, %swap3A_297] {strides = array<i32>} : memref<64x1024xf32, #tpu.memory_space<vmem>>, vector<16xf32>,
      tpu.vector_store %arg6[%swap3A_296, %swap3A_297], %get3A_247 {strides = array<i32>} : memref<64x1024xf32, #tpu.memory_space<vmem>>, vector<16xf32>,
      %sub3A_299 = arith.constant 8 : i32
      %sub3A_300 = arith.subi %add3A_182, %sub3A_299 : i32
      %get3A_301 = arith.index_cast %sub3A_300 : i32 to index
      %get3A_302 = arith.index_cast %sub3A_176 : i32 to index
      %get3A_303 = tpu.vector_load %arg5[%get3A_301, %get3A_302] {strides = array<i32>} : memref<63x64xf32, #tpu.memory_space<vmem>>, vector<16xf32>,
      %swap3A_304 = arith.index_cast %scan3A_172 : i32 to index
      %swap3A_305 = arith.constant 176 : index
      %swap3A_306 = tpu.vector_load %arg6[%swap3A_304, %swap3A_305] {strides = array<i32>} : memref<64x1024xf32, #tpu.memory_space<vmem>>, vector<16xf32>,
      tpu.vector_store %arg6[%swap3A_304, %swap3A_305], %get3A_255 {strides = array<i32>} : memref<64x1024xf32, #tpu.memory_space<vmem>>, vector<16xf32>,
      %sub3A_307 = arith.constant 9 : i32
      %sub3A_308 = arith.subi %add3A_182, %sub3A_307 : i32
      %get3A_309 = arith.index_cast %sub3A_308 : i32 to index
      %get3A_310 = arith.index_cast %sub3A_174 : i32 to index
      %get3A_311 = tpu.vector_load %arg5[%get3A_309, %get3A_310] {strides = array<i32>} : memref<63x64xf32, #tpu.memory_space<vmem>>, vector<16xf32>,
      %swap3A_312 = arith.index_cast %scan3A_172 : i32 to index
      %swap3A_313 = arith.constant 192 : index
      %swap3A_314 = tpu.vector_load %arg6[%swap3A_312, %swap3A_313] {strides = array<i32>} : memref<64x1024xf32, #tpu.memory_space<vmem>>, vector<16xf32>,
      tpu.vector_store %arg6[%swap3A_312, %swap3A_313], %get3A_263 {strides = array<i32>} : memref<64x1024xf32, #tpu.memory_space<vmem>>, vector<16xf32>,
      %sub3A_315 = arith.constant 9 : i32
      %sub3A_316 = arith.subi %add3A_182, %sub3A_315 : i32
      %get3A_317 = arith.index_cast %sub3A_316 : i32 to index
      %get3A_318 = arith.index_cast %sub3A_176 : i32 to index
      %get3A_319 = tpu.vector_load %arg5[%get3A_317, %get3A_318] {strides = array<i32>} : memref<63x64xf32, #tpu.memory_space<vmem>>, vector<16xf32>,
      %swap3A_320 = arith.index_cast %scan3A_172 : i32 to index
      %swap3A_321 = arith.constant 208 : index
      %swap3A_322 = tpu.vector_load %arg6[%swap3A_320, %swap3A_321] {strides = array<i32>} : memref<64x1024xf32, #tpu.memory_space<vmem>>, vector<16xf32>,
      tpu.vector_store %arg6[%swap3A_320, %swap3A_321], %get3A_271 {strides = array<i32>} : memref<64x1024xf32, #tpu.memory_space<vmem>>, vector<16xf32>,
      %sub3A_323 = arith.constant 10 : i32
      %sub3A_324 = arith.subi %add3A_182, %sub3A_323 : i32
      %get3A_325 = arith.index_cast %sub3A_324 : i32 to index
      %get3A_326 = arith.index_cast %sub3A_174 : i32 to index
      %get3A_327 = tpu.vector_load %arg5[%get3A_325, %get3A_326] {strides = array<i32>} : memref<63x64xf32, #tpu.memory_space<vmem>>, vector<16xf32>,
      %swap3A_328 = arith.index_cast %scan3A_172 : i32 to index
      %swap3A_329 = arith.constant 224 : index
      %swap3A_330 = tpu.vector_load %arg6[%swap3A_328, %swap3A_329] {strides = array<i32>} : memref<64x1024xf32, #tpu.memory_space<vmem>>, vector<16xf32>,
      tpu.vector_store %arg6[%swap3A_328, %swap3A_329], %get3A_279 {strides = array<i32>} : memref<64x1024xf32, #tpu.memory_space<vmem>>, vector<16xf32>,
      %sub3A_331 = arith.constant 10 : i32
      %sub3A_332 = arith.subi %add3A_182, %sub3A_331 : i32
      %get3A_333 = arith.index_cast %sub3A_332 : i32 to index
      %get3A_334 = arith.index_cast %sub3A_176 : i32 to index
      %get3A_335 = tpu.vector_load %arg5[%get3A_333, %get3A_334] {strides = array<i32>} : memref<63x64xf32, #tpu.memory_space<vmem>>, vector<16xf32>,
      %swap3A_336 = arith.index_cast %scan3A_172 : i32 to index
      %swap3A_337 = arith.constant 240 : index
      %swap3A_338 = tpu.vector_load %arg6[%swap3A_336, %swap3A_337] {strides = array<i32>} : memref<64x1024xf32, #tpu.memory_space<vmem>>, vector<16xf32>,
      tpu.vector_store %arg6[%swap3A_336, %swap3A_337], %get3A_287 {strides = array<i32>} : memref<64x1024xf32, #tpu.memory_space<vmem>>, vector<16xf32>,
      %sub3A_339 = arith.constant 11 : i32
      %sub3A_340 = arith.subi %add3A_182, %sub3A_339 : i32
      %get3A_341 = arith.index_cast %sub3A_340 : i32 to index
      %get3A_342 = arith.index_cast %sub3A_174 : i32 to index
      %get3A_343 = tpu.vector_load %arg5[%get3A_341, %get3A_342] {strides = array<i32>} : memref<63x64xf32, #tpu.memory_space<vmem>>, vector<16xf32>,
      %swap3A_344 = arith.index_cast %scan3A_172 : i32 to index
      %swap3A_345 = arith.constant 256 : index
      %swap3A_346 = tpu.vector_load %arg6[%swap3A_344, %swap3A_345] {strides = array<i32>} : memref<64x1024xf32, #tpu.memory_space<vmem>>, vector<16xf32>,
      tpu.vector_store %arg6[%swap3A_344, %swap3A_345], %get3A_295 {strides = array<i32>} : memref<64x1024xf32, #tpu.memory_space<vmem>>, vector<16xf32>,
      %sub3A_347 = arith.constant 11 : i32
      %sub3A_348 = arith.subi %add3A_182, %sub3A_347 : i32
      %get3A_349 = arith.index_cast %sub3A_348 : i32 to index
      %get3A_350 = arith.index_cast %sub3A_176 : i32 to index
      %get3A_351 = tpu.vector_load %arg5[%get3A_349, %get3A_350] {strides = array<i32>} : memref<63x64xf32, #tpu.memory_space<vmem>>, vector<16xf32>,
      %swap3A_352 = arith.index_cast %scan3A_172 : i32 to index
      %swap3A_353 = arith.constant 272 : index
      %swap3A_354 = tpu.vector_load %arg6[%swap3A_352, %swap3A_353] {strides = array<i32>} : memref<64x1024xf32, #tpu.memory_space<vmem>>, vector<16xf32>,
      tpu.vector_store %arg6[%swap3A_352, %swap3A_353], %get3A_303 {strides = array<i32>} : memref<64x1024xf32, #tpu.memory_space<vmem>>, vector<16xf32>,
      %sub3A_355 = arith.constant 12 : i32
      %sub3A_356 = arith.subi %add3A_182, %sub3A_355 : i32
      %get3A_357 = arith.index_cast %sub3A_356 : i32 to index
      %get3A_358 = arith.index_cast %sub3A_174 : i32 to index
      %get3A_359 = tpu.vector_load %arg5[%get3A_357, %get3A_358] {strides = array<i32>} : memref<63x64xf32, #tpu.memory_space<vmem>>, vector<16xf32>,
      %swap3A_360 = arith.index_cast %scan3A_172 : i32 to index
      %swap3A_361 = arith.constant 288 : index
      %swap3A_362 = tpu.vector_load %arg6[%swap3A_360, %swap3A_361] {strides = array<i32>} : memref<64x1024xf32, #tpu.memory_space<vmem>>, vector<16xf32>,
      tpu.vector_store %arg6[%swap3A_360, %swap3A_361], %get3A_311 {strides = array<i32>} : memref<64x1024xf32, #tpu.memory_space<vmem>>, vector<16xf32>,
      %sub3A_363 = arith.constant 12 : i32
      %sub3A_364 = arith.subi %add3A_182, %sub3A_363 : i32
      %get3A_365 = arith.index_cast %sub3A_364 : i32 to index
      %get3A_366 = arith.index_cast %sub3A_176 : i32 to index
      %get3A_367 = tpu.vector_load %arg5[%get3A_365, %get3A_366] {strides = array<i32>} : memref<63x64xf32, #tpu.memory_space<vmem>>, vector<16xf32>,
      %swap3A_368 = arith.index_cast %scan3A_172 : i32 to index
      %swap3A_369 = arith.constant 304 : index
      %swap3A_370 = tpu.vector_load %arg6[%swap3A_368, %swap3A_369] {strides = array<i32>} : memref<64x1024xf32, #tpu.memory_space<vmem>>, vector<16xf32>,
      tpu.vector_store %arg6[%swap3A_368, %swap3A_369], %get3A_319 {strides = array<i32>} : memref<64x1024xf32, #tpu.memory_space<vmem>>, vector<16xf32>,
      %sub3A_371 = arith.constant 13 : i32
      %sub3A_372 = arith.subi %add3A_182, %sub3A_371 : i32
      %get3A_373 = arith.index_cast %sub3A_372 : i32 to index
      %get3A_374 = arith.index_cast %sub3A_174 : i32 to index
      %get3A_375 = tpu.vector_load %arg5[%get3A_373, %get3A_374] {strides = array<i32>} : memref<63x64xf32, #tpu.memory_space<vmem>>, vector<16xf32>,
      %swap3A_376 = arith.index_cast %scan3A_172 : i32 to index
      %swap3A_377 = arith.constant 320 : index
      %swap3A_378 = tpu.vector_load %arg6[%swap3A_376, %swap3A_377] {strides = array<i32>} : memref<64x1024xf32, #tpu.memory_space<vmem>>, vector<16xf32>,
      tpu.vector_store %arg6[%swap3A_376, %swap3A_377], %get3A_327 {strides = array<i32>} : memref<64x1024xf32, #tpu.memory_space<vmem>>, vector<16xf32>,
      %sub3A_379 = arith.constant 13 : i32
      %sub3A_380 = arith.subi %add3A_182, %sub3A_379 : i32
      %get3A_381 = arith.index_cast %sub3A_380 : i32 to index
      %get3A_382 = arith.index_cast %sub3A_176 : i32 to index
      %get3A_383 = tpu.vector_load %arg5[%get3A_381, %get3A_382] {strides = array<i32>} : memref<63x64xf32, #tpu.memory_space<vmem>>, vector<16xf32>,
      %swap3A_384 = arith.index_cast %scan3A_172 : i32 to index
      %swap3A_385 = arith.constant 336 : index
      %swap3A_386 = tpu.vector_load %arg6[%swap3A_384, %swap3A_385] {strides = array<i32>} : memref<64x1024xf32, #tpu.memory_space<vmem>>, vector<16xf32>,
      tpu.vector_store %arg6[%swap3A_384, %swap3A_385], %get3A_335 {strides = array<i32>} : memref<64x1024xf32, #tpu.memory_space<vmem>>, vector<16xf32>,
      %sub3A_387 = arith.constant 14 : i32
      %sub3A_388 = arith.subi %add3A_182, %sub3A_387 : i32
      %get3A_389 = arith.index_cast %sub3A_388 : i32 to index
      %get3A_390 = arith.index_cast %sub3A_174 : i32 to index
      %get3A_391 = tpu.vector_load %arg5[%get3A_389, %get3A_390] {strides = array<i32>} : memref<63x64xf32, #tpu.memory_space<vmem>>, vector<16xf32>,
      %swap3A_392 = arith.index_cast %scan3A_172 : i32 to index
      %swap3A_393 = arith.constant 352 : index
      %swap3A_394 = tpu.vector_load %arg6[%swap3A_392, %swap3A_393] {strides = array<i32>} : memref<64x1024xf32, #tpu.memory_space<vmem>>, vector<16xf32>,
      tpu.vector_store %arg6[%swap3A_392, %swap3A_393], %get3A_343 {strides = array<i32>} : memref<64x1024xf32, #tpu.memory_space<vmem>>, vector<16xf32>,
      %sub3A_395 = arith.constant 14 : i32
      %sub3A_396 = arith.subi %add3A_182, %sub3A_395 : i32
      %get3A_397 = arith.index_cast %sub3A_396 : i32 to index
      %get3A_398 = arith.index_cast %sub3A_176 : i32 to index
      %get3A_399 = tpu.vector_load %arg5[%get3A_397, %get3A_398] {strides = array<i32>} : memref<63x64xf32, #tpu.memory_space<vmem>>, vector<16xf32>,
      %swap3A_400 = arith.index_cast %scan3A_172 : i32 to index
      %swap3A_401 = arith.constant 368 : index
      %swap3A_402 = tpu.vector_load %arg6[%swap3A_400, %swap3A_401] {strides = array<i32>} : memref<64x1024xf32, #tpu.memory_space<vmem>>, vector<16xf32>,
      tpu.vector_store %arg6[%swap3A_400, %swap3A_401], %get3A_351 {strides = array<i32>} : memref<64x1024xf32, #tpu.memory_space<vmem>>, vector<16xf32>,
      %sub3A_403 = arith.constant 15 : i32
      %sub3A_404 = arith.subi %add3A_182, %sub3A_403 : i32
      %get3A_405 = arith.index_cast %sub3A_404 : i32 to index
      %get3A_406 = arith.index_cast %sub3A_174 : i32 to index
      %get3A_407 = tpu.vector_load %arg5[%get3A_405, %get3A_406] {strides = array<i32>} : memref<63x64xf32, #tpu.memory_space<vmem>>, vector<16xf32>,
      %swap3A_408 = arith.index_cast %scan3A_172 : i32 to index
      %swap3A_409 = arith.constant 384 : index
      %swap3A_410 = tpu.vector_load %arg6[%swap3A_408, %swap3A_409] {strides = array<i32>} : memref<64x1024xf32, #tpu.memory_space<vmem>>, vector<16xf32>,
      tpu.vector_store %arg6[%swap3A_408, %swap3A_409], %get3A_359 {strides = array<i32>} : memref<64x1024xf32, #tpu.memory_space<vmem>>, vector<16xf32>,
      %sub3A_411 = arith.constant 15 : i32
      %sub3A_412 = arith.subi %add3A_182, %sub3A_411 : i32
      %get3A_413 = arith.index_cast %sub3A_412 : i32 to index
      %get3A_414 = arith.index_cast %sub3A_176 : i32 to index
      %get3A_415 = tpu.vector_load %arg5[%get3A_413, %get3A_414] {strides = array<i32>} : memref<63x64xf32, #tpu.memory_space<vmem>>, vector<16xf32>,
      %swap3A_416 = arith.index_cast %scan3A_172 : i32 to index
      %swap3A_417 = arith.constant 400 : index
      %swap3A_418 = tpu.vector_load %arg6[%swap3A_416, %swap3A_417] {strides = array<i32>} : memref<64x1024xf32, #tpu.memory_space<vmem>>, vector<16xf32>,
      tpu.vector_store %arg6[%swap3A_416, %swap3A_417], %get3A_367 {strides = array<i32>} : memref<64x1024xf32, #tpu.memory_space<vmem>>, vector<16xf32>,
      %sub3A_419 = arith.constant 16 : i32
      %sub3A_420 = arith.subi %add3A_182, %sub3A_419 : i32
      %get3A_421 = arith.index_cast %sub3A_420 : i32 to index
      %get3A_422 = arith.index_cast %sub3A_174 : i32 to index
      %get3A_423 = tpu.vector_load %arg5[%get3A_421, %get3A_422] {strides = array<i32>} : memref<63x64xf32, #tpu.memory_space<vmem>>, vector<16xf32>,
      %swap3A_424 = arith.index_cast %scan3A_172 : i32 to index
      %swap3A_425 = arith.constant 416 : index
      %swap3A_426 = tpu.vector_load %arg6[%swap3A_424, %swap3A_425] {strides = array<i32>} : memref<64x1024xf32, #tpu.memory_space<vmem>>, vector<16xf32>,
      tpu.vector_store %arg6[%swap3A_424, %swap3A_425], %get3A_375 {strides = array<i32>} : memref<64x1024xf32, #tpu.memory_space<vmem>>, vector<16xf32>,
      %sub3A_427 = arith.constant 16 : i32
      %sub3A_428 = arith.subi %add3A_182, %sub3A_427 : i32
      %get3A_429 = arith.index_cast %sub3A_428 : i32 to index
      %get3A_430 = arith.index_cast %sub3A_176 : i32 to index
      %get3A_431 = tpu.vector_load %arg5[%get3A_429, %get3A_430] {strides = array<i32>} : memref<63x64xf32, #tpu.memory_space<vmem>>, vector<16xf32>,
      %swap3A_432 = arith.index_cast %scan3A_172 : i32 to index
      %swap3A_433 = arith.constant 432 : index
      %swap3A_434 = tpu.vector_load %arg6[%swap3A_432, %swap3A_433] {strides = array<i32>} : memref<64x1024xf32, #tpu.memory_space<vmem>>, vector<16xf32>,
      tpu.vector_store %arg6[%swap3A_432, %swap3A_433], %get3A_383 {strides = array<i32>} : memref<64x1024xf32, #tpu.memory_space<vmem>>, vector<16xf32>,
      %sub3A_435 = arith.constant 17 : i32
      %sub3A_436 = arith.subi %add3A_182, %sub3A_435 : i32
      %get3A_437 = arith.index_cast %sub3A_436 : i32 to index
      %get3A_438 = arith.index_cast %sub3A_174 : i32 to index
      %get3A_439 = tpu.vector_load %arg5[%get3A_437, %get3A_438] {strides = array<i32>} : memref<63x64xf32, #tpu.memory_space<vmem>>, vector<16xf32>,
      %swap3A_440 = arith.index_cast %scan3A_172 : i32 to index
      %swap3A_441 = arith.constant 448 : index
      %swap3A_442 = tpu.vector_load %arg6[%swap3A_440, %swap3A_441] {strides = array<i32>} : memref<64x1024xf32, #tpu.memory_space<vmem>>, vector<16xf32>,
      tpu.vector_store %arg6[%swap3A_440, %swap3A_441], %get3A_391 {strides = array<i32>} : memref<64x1024xf32, #tpu.memory_space<vmem>>, vector<16xf32>,
      %sub3A_443 = arith.constant 17 : i32
      %sub3A_444 = arith.subi %add3A_182, %sub3A_443 : i32
      %get3A_445 = arith.index_cast %sub3A_444 : i32 to index
      %get3A_446 = arith.index_cast %sub3A_176 : i32 to index
      %get3A_447 = tpu.vector_load %arg5[%get3A_445, %get3A_446] {strides = array<i32>} : memref<63x64xf32, #tpu.memory_space<vmem>>, vector<16xf32>,
      %swap3A_448 = arith.index_cast %scan3A_172 : i32 to index
      %swap3A_449 = arith.constant 464 : index
      %swap3A_450 = tpu.vector_load %arg6[%swap3A_448, %swap3A_449] {strides = array<i32>} : memref<64x1024xf32, #tpu.memory_space<vmem>>, vector<16xf32>,
      tpu.vector_store %arg6[%swap3A_448, %swap3A_449], %get3A_399 {strides = array<i32>} : memref<64x1024xf32, #tpu.memory_space<vmem>>, vector<16xf32>,
      %sub3A_451 = arith.constant 18 : i32
      %sub3A_452 = arith.subi %add3A_182, %sub3A_451 : i32
      %get3A_453 = arith.index_cast %sub3A_452 : i32 to index
      %get3A_454 = arith.index_cast %sub3A_174 : i32 to index
      %get3A_455 = tpu.vector_load %arg5[%get3A_453, %get3A_454] {strides = array<i32>} : memref<63x64xf32, #tpu.memory_space<vmem>>, vector<16xf32>,
      %swap3A_456 = arith.index_cast %scan3A_172 : i32 to index
      %swap3A_457 = arith.constant 480 : index
      %swap3A_458 = tpu.vector_load %arg6[%swap3A_456, %swap3A_457] {strides = array<i32>} : memref<64x1024xf32, #tpu.memory_space<vmem>>, vector<16xf32>,
      tpu.vector_store %arg6[%swap3A_456, %swap3A_457], %get3A_407 {strides = array<i32>} : memref<64x1024xf32, #tpu.memory_space<vmem>>, vector<16xf32>,
      %sub3A_459 = arith.constant 18 : i32
      %sub3A_460 = arith.subi %add3A_182, %sub3A_459 : i32
      %get3A_461 = arith.index_cast %sub3A_460 : i32 to index
      %get3A_462 = arith.index_cast %sub3A_176 : i32 to index
      %get3A_463 = tpu.vector_load %arg5[%get3A_461, %get3A_462] {strides = array<i32>} : memref<63x64xf32, #tpu.memory_space<vmem>>, vector<16xf32>,
      %swap3A_464 = arith.index_cast %scan3A_172 : i32 to index
      %swap3A_465 = arith.constant 496 : index
      %swap3A_466 = tpu.vector_load %arg6[%swap3A_464, %swap3A_465] {strides = array<i32>} : memref<64x1024xf32, #tpu.memory_space<vmem>>, vector<16xf32>,
      tpu.vector_store %arg6[%swap3A_464, %swap3A_465], %get3A_415 {strides = array<i32>} : memref<64x1024xf32, #tpu.memory_space<vmem>>, vector<16xf32>,
      %sub3A_467 = arith.constant 19 : i32
      %sub3A_468 = arith.subi %add3A_182, %sub3A_467 : i32
      %get3A_469 = arith.index_cast %sub3A_468 : i32 to index
      %get3A_470 = arith.index_cast %sub3A_174 : i32 to index
      %get3A_471 = tpu.vector_load %arg5[%get3A_469, %get3A_470] {strides = array<i32>} : memref<63x64xf32, #tpu.memory_space<vmem>>, vector<16xf32>,
      %swap3A_472 = arith.index_cast %scan3A_172 : i32 to index
      %swap3A_473 = arith.constant 512 : index
      %swap3A_474 = tpu.vector_load %arg6[%swap3A_472, %swap3A_473] {strides = array<i32>} : memref<64x1024xf32, #tpu.memory_space<vmem>>, vector<16xf32>,
      tpu.vector_store %arg6[%swap3A_472, %swap3A_473], %get3A_423 {strides = array<i32>} : memref<64x1024xf32, #tpu.memory_space<vmem>>, vector<16xf32>,
      %sub3A_475 = arith.constant 19 : i32
      %sub3A_476 = arith.subi %add3A_182, %sub3A_475 : i32
      %get3A_477 = arith.index_cast %sub3A_476 : i32 to index
      %get3A_478 = arith.index_cast %sub3A_176 : i32 to index
      %get3A_479 = tpu.vector_load %arg5[%get3A_477, %get3A_478] {strides = array<i32>} : memref<63x64xf32, #tpu.memory_space<vmem>>, vector<16xf32>,
      %swap3A_480 = arith.index_cast %scan3A_172 : i32 to index
      %swap3A_481 = arith.constant 528 : index
      %swap3A_482 = tpu.vector_load %arg6[%swap3A_480, %swap3A_481] {strides = array<i32>} : memref<64x1024xf32, #tpu.memory_space<vmem>>, vector<16xf32>,
      tpu.vector_store %arg6[%swap3A_480, %swap3A_481], %get3A_431 {strides = array<i32>} : memref<64x1024xf32, #tpu.memory_space<vmem>>, vector<16xf32>,
      %sub3A_483 = arith.constant 20 : i32
      %sub3A_484 = arith.subi %add3A_182, %sub3A_483 : i32
      %get3A_485 = arith.index_cast %sub3A_484 : i32 to index
      %get3A_486 = arith.index_cast %sub3A_174 : i32 to index
      %get3A_487 = tpu.vector_load %arg5[%get3A_485, %get3A_486] {strides = array<i32>} : memref<63x64xf32, #tpu.memory_space<vmem>>, vector<16xf32>,
      %swap3A_488 = arith.index_cast %scan3A_172 : i32 to index
      %swap3A_489 = arith.constant 544 : index
      %swap3A_490 = tpu.vector_load %arg6[%swap3A_488, %swap3A_489] {strides = array<i32>} : memref<64x1024xf32, #tpu.memory_space<vmem>>, vector<16xf32>,
      tpu.vector_store %arg6[%swap3A_488, %swap3A_489], %get3A_439 {strides = array<i32>} : memref<64x1024xf32, #tpu.memory_space<vmem>>, vector<16xf32>,
      %sub3A_491 = arith.constant 20 : i32
      %sub3A_492 = arith.subi %add3A_182, %sub3A_491 : i32
      %get3A_493 = arith.index_cast %sub3A_492 : i32 to index
      %get3A_494 = arith.index_cast %sub3A_176 : i32 to index
      %get3A_495 = tpu.vector_load %arg5[%get3A_493, %get3A_494] {strides = array<i32>} : memref<63x64xf32, #tpu.memory_space<vmem>>, vector<16xf32>,
      %swap3A_496 = arith.index_cast %scan3A_172 : i32 to index
      %swap3A_497 = arith.constant 560 : index
      %swap3A_498 = tpu.vector_load %arg6[%swap3A_496, %swap3A_497] {strides = array<i32>} : memref<64x1024xf32, #tpu.memory_space<vmem>>, vector<16xf32>,
      tpu.vector_store %arg6[%swap3A_496, %swap3A_497], %get3A_447 {strides = array<i32>} : memref<64x1024xf32, #tpu.memory_space<vmem>>, vector<16xf32>,
      %sub3A_499 = arith.constant 21 : i32
      %sub3A_500 = arith.subi %add3A_182, %sub3A_499 : i32
      %get3A_501 = arith.index_cast %sub3A_500 : i32 to index
      %get3A_502 = arith.index_cast %sub3A_174 : i32 to index
      %get3A_503 = tpu.vector_load %arg5[%get3A_501, %get3A_502] {strides = array<i32>} : memref<63x64xf32, #tpu.memory_space<vmem>>, vector<16xf32>,
      %swap3A_504 = arith.index_cast %scan3A_172 : i32 to index
      %swap3A_505 = arith.constant 576 : index
      %swap3A_506 = tpu.vector_load %arg6[%swap3A_504, %swap3A_505] {strides = array<i32>} : memref<64x1024xf32, #tpu.memory_space<vmem>>, vector<16xf32>,
      tpu.vector_store %arg6[%swap3A_504, %swap3A_505], %get3A_455 {strides = array<i32>} : memref<64x1024xf32, #tpu.memory_space<vmem>>, vector<16xf32>,
      %sub3A_507 = arith.constant 21 : i32
      %sub3A_508 = arith.subi %add3A_182, %sub3A_507 : i32
      %get3A_509 = arith.index_cast %sub3A_508 : i32 to index
      %get3A_510 = arith.index_cast %sub3A_176 : i32 to index
      %get3A_511 = tpu.vector_load %arg5[%get3A_509, %get3A_510] {strides = array<i32>} : memref<63x64xf32, #tpu.memory_space<vmem>>, vector<16xf32>,
      %swap3A_512 = arith.index_cast %scan3A_172 : i32 to index
      %swap3A_513 = arith.constant 592 : index
      %swap3A_514 = tpu.vector_load %arg6[%swap3A_512, %swap3A_513] {strides = array<i32>} : memref<64x1024xf32, #tpu.memory_space<vmem>>, vector<16xf32>,
      tpu.vector_store %arg6[%swap3A_512, %swap3A_513], %get3A_463 {strides = array<i32>} : memref<64x1024xf32, #tpu.memory_space<vmem>>, vector<16xf32>,
      %sub3A_515 = arith.constant 22 : i32
      %sub3A_516 = arith.subi %add3A_182, %sub3A_515 : i32
      %get3A_517 = arith.index_cast %sub3A_516 : i32 to index
      %get3A_518 = arith.index_cast %sub3A_174 : i32 to index
      %get3A_519 = tpu.vector_load %arg5[%get3A_517, %get3A_518] {strides = array<i32>} : memref<63x64xf32, #tpu.memory_space<vmem>>, vector<16xf32>,
      %swap3A_520 = arith.index_cast %scan3A_172 : i32 to index
      %swap3A_521 = arith.constant 608 : index
      %swap3A_522 = tpu.vector_load %arg6[%swap3A_520, %swap3A_521] {strides = array<i32>} : memref<64x1024xf32, #tpu.memory_space<vmem>>, vector<16xf32>,
      tpu.vector_store %arg6[%swap3A_520, %swap3A_521], %get3A_471 {strides = array<i32>} : memref<64x1024xf32, #tpu.memory_space<vmem>>, vector<16xf32>,
      %sub3A_523 = arith.constant 22 : i32
      %sub3A_524 = arith.subi %add3A_182, %sub3A_523 : i32
      %get3A_525 = arith.index_cast %sub3A_524 : i32 to index
      %get3A_526 = arith.index_cast %sub3A_176 : i32 to index
      %get3A_527 = tpu.vector_load %arg5[%get3A_525, %get3A_526] {strides = array<i32>} : memref<63x64xf32, #tpu.memory_space<vmem>>, vector<16xf32>,
      %swap3A_528 = arith.index_cast %scan3A_172 : i32 to index
      %swap3A_529 = arith.constant 624 : index
      %swap3A_530 = tpu.vector_load %arg6[%swap3A_528, %swap3A_529] {strides = array<i32>} : memref<64x1024xf32, #tpu.memory_space<vmem>>, vector<16xf32>,
      tpu.vector_store %arg6[%swap3A_528, %swap3A_529], %get3A_479 {strides = array<i32>} : memref<64x1024xf32, #tpu.memory_space<vmem>>, vector<16xf32>,
      %sub3A_531 = arith.constant 23 : i32
      %sub3A_532 = arith.subi %add3A_182, %sub3A_531 : i32
      %get3A_533 = arith.index_cast %sub3A_532 : i32 to index
      %get3A_534 = arith.index_cast %sub3A_174 : i32 to index
      %get3A_535 = tpu.vector_load %arg5[%get3A_533, %get3A_534] {strides = array<i32>} : memref<63x64xf32, #tpu.memory_space<vmem>>, vector<16xf32>,
      %swap3A_536 = arith.index_cast %scan3A_172 : i32 to index
      %swap3A_537 = arith.constant 640 : index
      %swap3A_538 = tpu.vector_load %arg6[%swap3A_536, %swap3A_537] {strides = array<i32>} : memref<64x1024xf32, #tpu.memory_space<vmem>>, vector<16xf32>,
      tpu.vector_store %arg6[%swap3A_536, %swap3A_537], %get3A_487 {strides = array<i32>} : memref<64x1024xf32, #tpu.memory_space<vmem>>, vector<16xf32>,
      %sub3A_539 = arith.constant 23 : i32
      %sub3A_540 = arith.subi %add3A_182, %sub3A_539 : i32
      %get3A_541 = arith.index_cast %sub3A_540 : i32 to index
      %get3A_542 = arith.index_cast %sub3A_176 : i32 to index
      %get3A_543 = tpu.vector_load %arg5[%get3A_541, %get3A_542] {strides = array<i32>} : memref<63x64xf32, #tpu.memory_space<vmem>>, vector<16xf32>,
      %swap3A_544 = arith.index_cast %scan3A_172 : i32 to index
      %swap3A_545 = arith.constant 656 : index
      %swap3A_546 = tpu.vector_load %arg6[%swap3A_544, %swap3A_545] {strides = array<i32>} : memref<64x1024xf32, #tpu.memory_space<vmem>>, vector<16xf32>,
      tpu.vector_store %arg6[%swap3A_544, %swap3A_545], %get3A_495 {strides = array<i32>} : memref<64x1024xf32, #tpu.memory_space<vmem>>, vector<16xf32>,
      %sub3A_547 = arith.constant 24 : i32
      %sub3A_548 = arith.subi %add3A_182, %sub3A_547 : i32
      %get3A_549 = arith.index_cast %sub3A_548 : i32 to index
      %get3A_550 = arith.index_cast %sub3A_174 : i32 to index
      %get3A_551 = tpu.vector_load %arg5[%get3A_549, %get3A_550] {strides = array<i32>} : memref<63x64xf32, #tpu.memory_space<vmem>>, vector<16xf32>,
      %swap3A_552 = arith.index_cast %scan3A_172 : i32 to index
      %swap3A_553 = arith.constant 672 : index
      %swap3A_554 = tpu.vector_load %arg6[%swap3A_552, %swap3A_553] {strides = array<i32>} : memref<64x1024xf32, #tpu.memory_space<vmem>>, vector<16xf32>,
      tpu.vector_store %arg6[%swap3A_552, %swap3A_553], %get3A_503 {strides = array<i32>} : memref<64x1024xf32, #tpu.memory_space<vmem>>, vector<16xf32>,
      %sub3A_555 = arith.constant 24 : i32
      %sub3A_556 = arith.subi %add3A_182, %sub3A_555 : i32
      %get3A_557 = arith.index_cast %sub3A_556 : i32 to index
      %get3A_558 = arith.index_cast %sub3A_176 : i32 to index
      %get3A_559 = tpu.vector_load %arg5[%get3A_557, %get3A_558] {strides = array<i32>} : memref<63x64xf32, #tpu.memory_space<vmem>>, vector<16xf32>,
      %swap3A_560 = arith.index_cast %scan3A_172 : i32 to index
      %swap3A_561 = arith.constant 688 : index
      %swap3A_562 = tpu.vector_load %arg6[%swap3A_560, %swap3A_561] {strides = array<i32>} : memref<64x1024xf32, #tpu.memory_space<vmem>>, vector<16xf32>,
      tpu.vector_store %arg6[%swap3A_560, %swap3A_561], %get3A_511 {strides = array<i32>} : memref<64x1024xf32, #tpu.memory_space<vmem>>, vector<16xf32>,
      %sub3A_563 = arith.constant 25 : i32
      %sub3A_564 = arith.subi %add3A_182, %sub3A_563 : i32
      %get3A_565 = arith.index_cast %sub3A_564 : i32 to index
      %get3A_566 = arith.index_cast %sub3A_174 : i32 to index
      %get3A_567 = tpu.vector_load %arg5[%get3A_565, %get3A_566] {strides = array<i32>} : memref<63x64xf32, #tpu.memory_space<vmem>>, vector<16xf32>,
      %swap3A_568 = arith.index_cast %scan3A_172 : i32 to index
      %swap3A_569 = arith.constant 704 : index
      %swap3A_570 = tpu.vector_load %arg6[%swap3A_568, %swap3A_569] {strides = array<i32>} : memref<64x1024xf32, #tpu.memory_space<vmem>>, vector<16xf32>,
      tpu.vector_store %arg6[%swap3A_568, %swap3A_569], %get3A_519 {strides = array<i32>} : memref<64x1024xf32, #tpu.memory_space<vmem>>, vector<16xf32>,
      %sub3A_571 = arith.constant 25 : i32
      %sub3A_572 = arith.subi %add3A_182, %sub3A_571 : i32
      %get3A_573 = arith.index_cast %sub3A_572 : i32 to index
      %get3A_574 = arith.index_cast %sub3A_176 : i32 to index
      %get3A_575 = tpu.vector_load %arg5[%get3A_573, %get3A_574] {strides = array<i32>} : memref<63x64xf32, #tpu.memory_space<vmem>>, vector<16xf32>,
      %swap3A_576 = arith.index_cast %scan3A_172 : i32 to index
      %swap3A_577 = arith.constant 720 : index
      %swap3A_578 = tpu.vector_load %arg6[%swap3A_576, %swap3A_577] {strides = array<i32>} : memref<64x1024xf32, #tpu.memory_space<vmem>>, vector<16xf32>,
      tpu.vector_store %arg6[%swap3A_576, %swap3A_577], %get3A_527 {strides = array<i32>} : memref<64x1024xf32, #tpu.memory_space<vmem>>, vector<16xf32>,
      %sub3A_579 = arith.constant 26 : i32
      %sub3A_580 = arith.subi %add3A_182, %sub3A_579 : i32
      %get3A_581 = arith.index_cast %sub3A_580 : i32 to index
      %get3A_582 = arith.index_cast %sub3A_174 : i32 to index
      %get3A_583 = tpu.vector_load %arg5[%get3A_581, %get3A_582] {strides = array<i32>} : memref<63x64xf32, #tpu.memory_space<vmem>>, vector<16xf32>,
      %swap3A_584 = arith.index_cast %scan3A_172 : i32 to index
      %swap3A_585 = arith.constant 736 : index
      %swap3A_586 = tpu.vector_load %arg6[%swap3A_584, %swap3A_585] {strides = array<i32>} : memref<64x1024xf32, #tpu.memory_space<vmem>>, vector<16xf32>,
      tpu.vector_store %arg6[%swap3A_584, %swap3A_585], %get3A_535 {strides = array<i32>} : memref<64x1024xf32, #tpu.memory_space<vmem>>, vector<16xf32>,
      %sub3A_587 = arith.constant 26 : i32
      %sub3A_588 = arith.subi %add3A_182, %sub3A_587 : i32
      %get3A_589 = arith.index_cast %sub3A_588 : i32 to index
      %get3A_590 = arith.index_cast %sub3A_176 : i32 to index
      %get3A_591 = tpu.vector_load %arg5[%get3A_589, %get3A_590] {strides = array<i32>} : memref<63x64xf32, #tpu.memory_space<vmem>>, vector<16xf32>,
      %swap3A_592 = arith.index_cast %scan3A_172 : i32 to index
      %swap3A_593 = arith.constant 752 : index
      %swap3A_594 = tpu.vector_load %arg6[%swap3A_592, %swap3A_593] {strides = array<i32>} : memref<64x1024xf32, #tpu.memory_space<vmem>>, vector<16xf32>,
      tpu.vector_store %arg6[%swap3A_592, %swap3A_593], %get3A_543 {strides = array<i32>} : memref<64x1024xf32, #tpu.memory_space<vmem>>, vector<16xf32>,
      %sub3A_595 = arith.constant 27 : i32
      %sub3A_596 = arith.subi %add3A_182, %sub3A_595 : i32
      %get3A_597 = arith.index_cast %sub3A_596 : i32 to index
      %get3A_598 = arith.index_cast %sub3A_174 : i32 to index
      %get3A_599 = tpu.vector_load %arg5[%get3A_597, %get3A_598] {strides = array<i32>} : memref<63x64xf32, #tpu.memory_space<vmem>>, vector<16xf32>,
      %swap3A_600 = arith.index_cast %scan3A_172 : i32 to index
      %swap3A_601 = arith.constant 768 : index
      %swap3A_602 = tpu.vector_load %arg6[%swap3A_600, %swap3A_601] {strides = array<i32>} : memref<64x1024xf32, #tpu.memory_space<vmem>>, vector<16xf32>,
      tpu.vector_store %arg6[%swap3A_600, %swap3A_601], %get3A_551 {strides = array<i32>} : memref<64x1024xf32, #tpu.memory_space<vmem>>, vector<16xf32>,
      %sub3A_603 = arith.constant 27 : i32
      %sub3A_604 = arith.subi %add3A_182, %sub3A_603 : i32
      %get3A_605 = arith.index_cast %sub3A_604 : i32 to index
      %get3A_606 = arith.index_cast %sub3A_176 : i32 to index
      %get3A_607 = tpu.vector_load %arg5[%get3A_605, %get3A_606] {strides = array<i32>} : memref<63x64xf32, #tpu.memory_space<vmem>>, vector<16xf32>,
      %swap3A_608 = arith.index_cast %scan3A_172 : i32 to index
      %swap3A_609 = arith.constant 784 : index
      %swap3A_610 = tpu.vector_load %arg6[%swap3A_608, %swap3A_609] {strides = array<i32>} : memref<64x1024xf32, #tpu.memory_space<vmem>>, vector<16xf32>,
      tpu.vector_store %arg6[%swap3A_608, %swap3A_609], %get3A_559 {strides = array<i32>} : memref<64x1024xf32, #tpu.memory_space<vmem>>, vector<16xf32>,
      %sub3A_611 = arith.constant 28 : i32
      %sub3A_612 = arith.subi %add3A_182, %sub3A_611 : i32
      %get3A_613 = arith.index_cast %sub3A_612 : i32 to index
      %get3A_614 = arith.index_cast %sub3A_174 : i32 to index
      %get3A_615 = tpu.vector_load %arg5[%get3A_613, %get3A_614] {strides = array<i32>} : memref<63x64xf32, #tpu.memory_space<vmem>>, vector<16xf32>,
      %swap3A_616 = arith.index_cast %scan3A_172 : i32 to index
      %swap3A_617 = arith.constant 800 : index
      %swap3A_618 = tpu.vector_load %arg6[%swap3A_616, %swap3A_617] {strides = array<i32>} : memref<64x1024xf32, #tpu.memory_space<vmem>>, vector<16xf32>,
      tpu.vector_store %arg6[%swap3A_616, %swap3A_617], %get3A_567 {strides = array<i32>} : memref<64x1024xf32, #tpu.memory_space<vmem>>, vector<16xf32>,
      %sub3A_619 = arith.constant 28 : i32
      %sub3A_620 = arith.subi %add3A_182, %sub3A_619 : i32
      %get3A_621 = arith.index_cast %sub3A_620 : i32 to index
      %get3A_622 = arith.index_cast %sub3A_176 : i32 to index
      %get3A_623 = tpu.vector_load %arg5[%get3A_621, %get3A_622] {strides = array<i32>} : memref<63x64xf32, #tpu.memory_space<vmem>>, vector<16xf32>,
      %swap3A_624 = arith.index_cast %scan3A_172 : i32 to index
      %swap3A_625 = arith.constant 816 : index
      %swap3A_626 = tpu.vector_load %arg6[%swap3A_624, %swap3A_625] {strides = array<i32>} : memref<64x1024xf32, #tpu.memory_space<vmem>>, vector<16xf32>,
      tpu.vector_store %arg6[%swap3A_624, %swap3A_625], %get3A_575 {strides = array<i32>} : memref<64x1024xf32, #tpu.memory_space<vmem>>, vector<16xf32>,
      %sub3A_627 = arith.constant 29 : i32
      %sub3A_628 = arith.subi %add3A_182, %sub3A_627 : i32
      %get3A_629 = arith.index_cast %sub3A_628 : i32 to index
      %get3A_630 = arith.index_cast %sub3A_174 : i32 to index
      %get3A_631 = tpu.vector_load %arg5[%get3A_629, %get3A_630] {strides = array<i32>} : memref<63x64xf32, #tpu.memory_space<vmem>>, vector<16xf32>,
      %swap3A_632 = arith.index_cast %scan3A_172 : i32 to index
      %swap3A_633 = arith.constant 832 : index
      %swap3A_634 = tpu.vector_load %arg6[%swap3A_632, %swap3A_633] {strides = array<i32>} : memref<64x1024xf32, #tpu.memory_space<vmem>>, vector<16xf32>,
      tpu.vector_store %arg6[%swap3A_632, %swap3A_633], %get3A_583 {strides = array<i32>} : memref<64x1024xf32, #tpu.memory_space<vmem>>, vector<16xf32>,
      %sub3A_635 = arith.constant 29 : i32
      %sub3A_636 = arith.subi %add3A_182, %sub3A_635 : i32
      %get3A_637 = arith.index_cast %sub3A_636 : i32 to index
      %get3A_638 = arith.index_cast %sub3A_176 : i32 to index
      %get3A_639 = tpu.vector_load %arg5[%get3A_637, %get3A_638] {strides = array<i32>} : memref<63x64xf32, #tpu.memory_space<vmem>>, vector<16xf32>,
      %swap3A_640 = arith.index_cast %scan3A_172 : i32 to index
      %swap3A_641 = arith.constant 848 : index
      %swap3A_642 = tpu.vector_load %arg6[%swap3A_640, %swap3A_641] {strides = array<i32>} : memref<64x1024xf32, #tpu.memory_space<vmem>>, vector<16xf32>,
      tpu.vector_store %arg6[%swap3A_640, %swap3A_641], %get3A_591 {strides = array<i32>} : memref<64x1024xf32, #tpu.memory_space<vmem>>, vector<16xf32>,
      %sub3A_643 = arith.constant 30 : i32
      %sub3A_644 = arith.subi %add3A_182, %sub3A_643 : i32
      %get3A_645 = arith.index_cast %sub3A_644 : i32 to index
      %get3A_646 = arith.index_cast %sub3A_174 : i32 to index
      %get3A_647 = tpu.vector_load %arg5[%get3A_645, %get3A_646] {strides = array<i32>} : memref<63x64xf32, #tpu.memory_space<vmem>>, vector<16xf32>,
      %swap3A_648 = arith.index_cast %scan3A_172 : i32 to index
      %swap3A_649 = arith.constant 864 : index
      %swap3A_650 = tpu.vector_load %arg6[%swap3A_648, %swap3A_649] {strides = array<i32>} : memref<64x1024xf32, #tpu.memory_space<vmem>>, vector<16xf32>,
      tpu.vector_store %arg6[%swap3A_648, %swap3A_649], %get3A_599 {strides = array<i32>} : memref<64x1024xf32, #tpu.memory_space<vmem>>, vector<16xf32>,
      %sub3A_651 = arith.constant 30 : i32
      %sub3A_652 = arith.subi %add3A_182, %sub3A_651 : i32
      %get3A_653 = arith.index_cast %sub3A_652 : i32 to index
      %get3A_654 = arith.index_cast %sub3A_176 : i32 to index
      %get3A_655 = tpu.vector_load %arg5[%get3A_653, %get3A_654] {strides = array<i32>} : memref<63x64xf32, #tpu.memory_space<vmem>>, vector<16xf32>,
      %swap3A_656 = arith.index_cast %scan3A_172 : i32 to index
      %swap3A_657 = arith.constant 880 : index
      %swap3A_658 = tpu.vector_load %arg6[%swap3A_656, %swap3A_657] {strides = array<i32>} : memref<64x1024xf32, #tpu.memory_space<vmem>>, vector<16xf32>,
      tpu.vector_store %arg6[%swap3A_656, %swap3A_657], %get3A_607 {strides = array<i32>} : memref<64x1024xf32, #tpu.memory_space<vmem>>, vector<16xf32>,
      %sub3A_659 = arith.constant 31 : i32
      %sub3A_660 = arith.subi %add3A_182, %sub3A_659 : i32
      %get3A_661 = arith.index_cast %sub3A_660 : i32 to index
      %get3A_662 = arith.index_cast %sub3A_174 : i32 to index
      %get3A_663 = tpu.vector_load %arg5[%get3A_661, %get3A_662] {strides = array<i32>} : memref<63x64xf32, #tpu.memory_space<vmem>>, vector<16xf32>,
      %swap3A_664 = arith.index_cast %scan3A_172 : i32 to index
      %swap3A_665 = arith.constant 896 : index
      %swap3A_666 = tpu.vector_load %arg6[%swap3A_664, %swap3A_665] {strides = array<i32>} : memref<64x1024xf32, #tpu.memory_space<vmem>>, vector<16xf32>,
      tpu.vector_store %arg6[%swap3A_664, %swap3A_665], %get3A_615 {strides = array<i32>} : memref<64x1024xf32, #tpu.memory_space<vmem>>, vector<16xf32>,
      %sub3A_667 = arith.constant 31 : i32
      %sub3A_668 = arith.subi %add3A_182, %sub3A_667 : i32
      %get3A_669 = arith.index_cast %sub3A_668 : i32 to index
      %get3A_670 = arith.index_cast %sub3A_176 : i32 to index
      %get3A_671 = tpu.vector_load %arg5[%get3A_669, %get3A_670] {strides = array<i32>} : memref<63x64xf32, #tpu.memory_space<vmem>>, vector<16xf32>,
      %swap3A_672 = arith.index_cast %scan3A_172 : i32 to index
      %swap3A_673 = arith.constant 912 : index
      %swap3A_674 = tpu.vector_load %arg6[%swap3A_672, %swap3A_673] {strides = array<i32>} : memref<64x1024xf32, #tpu.memory_space<vmem>>, vector<16xf32>,
      tpu.vector_store %arg6[%swap3A_672, %swap3A_673], %get3A_623 {strides = array<i32>} : memref<64x1024xf32, #tpu.memory_space<vmem>>, vector<16xf32>,
      %swap3A_675 = arith.index_cast %scan3A_172 : i32 to index
      %swap3A_676 = arith.constant 928 : index
      %swap3A_677 = tpu.vector_load %arg6[%swap3A_675, %swap3A_676] {strides = array<i32>} : memref<64x1024xf32, #tpu.memory_space<vmem>>, vector<16xf32>,
      tpu.vector_store %arg6[%swap3A_675, %swap3A_676], %get3A_631 {strides = array<i32>} : memref<64x1024xf32, #tpu.memory_space<vmem>>, vector<16xf32>,
      %swap3A_678 = arith.index_cast %scan3A_172 : i32 to index
      %swap3A_679 = arith.constant 944 : index
      %swap3A_680 = tpu.vector_load %arg6[%swap3A_678, %swap3A_679] {strides = array<i32>} : memref<64x1024xf32, #tpu.memory_space<vmem>>, vector<16xf32>,
      tpu.vector_store %arg6[%swap3A_678, %swap3A_679], %get3A_639 {strides = array<i32>} : memref<64x1024xf32, #tpu.memory_space<vmem>>, vector<16xf32>,
      %swap3A_681 = arith.index_cast %scan3A_172 : i32 to index
      %swap3A_682 = arith.constant 960 : index
      %swap3A_683 = tpu.vector_load %arg6[%swap3A_681, %swap3A_682] {strides = array<i32>} : memref<64x1024xf32, #tpu.memory_space<vmem>>, vector<16xf32>,
      tpu.vector_store %arg6[%swap3A_681, %swap3A_682], %get3A_647 {strides = array<i32>} : memref<64x1024xf32, #tpu.memory_space<vmem>>, vector<16xf32>,
      %swap3A_684 = arith.index_cast %scan3A_172 : i32 to index
      %swap3A_685 = arith.constant 976 : index
      %swap3A_686 = tpu.vector_load %arg6[%swap3A_684, %swap3A_685] {strides = array<i32>} : memref<64x1024xf32, #tpu.memory_space<vmem>>, vector<16xf32>,
      tpu.vector_store %arg6[%swap3A_684, %swap3A_685], %get3A_655 {strides = array<i32>} : memref<64x1024xf32, #tpu.memory_space<vmem>>, vector<16xf32>,
      %swap3A_687 = arith.index_cast %scan3A_172 : i32 to index
      %swap3A_688 = arith.constant 992 : index
      %swap3A_689 = tpu.vector_load %arg6[%swap3A_687, %swap3A_688] {strides = array<i32>} : memref<64x1024xf32, #tpu.memory_space<vmem>>, vector<16xf32>,
      tpu.vector_store %arg6[%swap3A_687, %swap3A_688], %get3A_663 {strides = array<i32>} : memref<64x1024xf32, #tpu.memory_space<vmem>>, vector<16xf32>,
      %swap3A_690 = arith.index_cast %scan3A_172 : i32 to index
      %swap3A_691 = arith.constant 1008 : index
      %swap3A_692 = tpu.vector_load %arg6[%swap3A_690, %swap3A_691] {strides = array<i32>} : memref<64x1024xf32, #tpu.memory_space<vmem>>, vector<16xf32>,
      tpu.vector_store %arg6[%swap3A_690, %swap3A_691], %get3A_671 {strides = array<i32>} : memref<64x1024xf32, #tpu.memory_space<vmem>>, vector<16xf32>,
    }
    %scan3A_60 = arith.constant 16 : i32
    %mul3A_61 = arith.constant 64 : i32
    %mul3A_62 = arith.muli %add3A, %mul3A_61 : i32
    %add3A_63 = arith.constant 0 : i32
    %add3A_64 = arith.addi %mul3A_62, %add3A_63 : i32
    %dma_start3A_65 = arith.constant 0 : i32
    %dma_start3A_66 = arith.constant 0 : i32
    %dma_start3A_67 = tpu.memref_slice %arg6[%dma_start3A_65, %dma_start3A_66] : memref<64x1024xf32, #tpu.memory_space<vmem>> -> memref<16x1024xf32, #tpu.memory_space<vmem>>
    %dma_start3A_68 = arith.constant 0 : i32
    %dma_start3A_69 = tpu.memref_slice %arg3[%add3A_64, %dma_start3A_68] : memref<1024x1024xf32, #tpu.memory_space<hbm>> -> memref<16x1024xf32, #tpu.memory_space<hbm>>
    %dma_start3A_70 = arith.constant 0 : i32
    %dma_start3A_71 = tpu.memref_slice %arg3[%add3A_64, %dma_start3A_70] : memref<1024x1024xf32, #tpu.memory_space<hbm>> -> memref<16x1024xf32, #tpu.memory_space<hbm>>
    %dma_start3A_72 = arith.constant 0 : i32
    %dma_start3A_73 = arith.constant 0 : i32
    %dma_start3A_74 = tpu.memref_slice %arg6[%dma_start3A_72, %dma_start3A_73] : memref<64x1024xf32, #tpu.memory_space<vmem>> -> memref<16x1024xf32, #tpu.memory_space<vmem>>
    tpu.enqueue_dma source(%dma_start3A_74 : memref<16x1024xf32, #tpu.memory_space<vmem>>) target(%dma_start3A_71 : memref<16x1024xf32, #tpu.memory_space<hbm>>) target_semaphore(%arg7 : memref<!tpu.dma_semaphore, #tpu.memory_space<semaphore_mem>>)
    %scan3A_75 = arith.constant 16 : i32
    %scan3A_76 = arith.constant 16 : i32
    %scan3A_77 = arith.addi %scan3A_75, %scan3A_76 : i32
    %scan3A_78 = arith.constant 1 : i32
    scf.for %scan3A_172 = %scan3A_75 to %scan3A_77 step %scan3A_78  : i32 {
      %and3A = arith.constant 31 : i32
      %and3A_173 = arith.andi %scan3A_172, %and3A : i32
      %sub3A = arith.constant 31 : i32
      %sub3A_174 = arith.subi %sub3A, %and3A_173 : i32
      %sub3A_175 = arith.constant 47 : i32
      %sub3A_176 = arith.subi %sub3A_175, %and3A_173 : i32
      %mul3A_177 = arith.constant 2 : i32
      %mul3A_178 = arith.muli %mul3A_177, %add3A : i32
      %add3A_179 = arith.constant 31 : i32
      %add3A_180 = arith.addi %add3A_179, %mul3A_178 : i32
      %shift_right_arithmetic3A = arith.constant 5 : i32
      %shift_right_arithmetic3A_181 = arith.shrsi %scan3A_172, %shift_right_arithmetic3A : i32
      %add3A_182 = arith.addi %add3A_180, %shift_right_arithmetic3A_181 : i32
      %sub3A_183 = arith.constant 0 : i32
      %sub3A_184 = arith.subi %add3A_182, %sub3A_183 : i32
      %get3A = arith.index_cast %sub3A_184 : i32 to index
      %get3A_185 = arith.index_cast %sub3A_174 : i32 to index
      %get3A_186 = tpu.vector_load %arg5[%get3A, %get3A_185] {strides = array<i32>} : memref<63x64xf32, #tpu.memory_space<vmem>>, vector<16xf32>,
      %sub3A_187 = arith.constant 0 : i32
      %sub3A_188 = arith.subi %add3A_182, %sub3A_187 : i32
      %get3A_189 = arith.index_cast %sub3A_188 : i32 to index
      %get3A_190 = arith.index_cast %sub3A_176 : i32 to index
      %get3A_191 = tpu.vector_load %arg5[%get3A_189, %get3A_190] {strides = array<i32>} : memref<63x64xf32, #tpu.memory_space<vmem>>, vector<16xf32>,
      %sub3A_192 = arith.constant 1 : i32
      %sub3A_193 = arith.subi %add3A_182, %sub3A_192 : i32
      %get3A_194 = arith.index_cast %sub3A_193 : i32 to index
      %get3A_195 = arith.index_cast %sub3A_174 : i32 to index
      %get3A_196 = tpu.vector_load %arg5[%get3A_194, %get3A_195] {strides = array<i32>} : memref<63x64xf32, #tpu.memory_space<vmem>>, vector<16xf32>,
      %sub3A_197 = arith.constant 1 : i32
      %sub3A_198 = arith.subi %add3A_182, %sub3A_197 : i32
      %get3A_199 = arith.index_cast %sub3A_198 : i32 to index
      %get3A_200 = arith.index_cast %sub3A_176 : i32 to index
      %get3A_201 = tpu.vector_load %arg5[%get3A_199, %get3A_200] {strides = array<i32>} : memref<63x64xf32, #tpu.memory_space<vmem>>, vector<16xf32>,
      %sub3A_202 = arith.constant 2 : i32
      %sub3A_203 = arith.subi %add3A_182, %sub3A_202 : i32
      %get3A_204 = arith.index_cast %sub3A_203 : i32 to index
      %get3A_205 = arith.index_cast %sub3A_174 : i32 to index
      %get3A_206 = tpu.vector_load %arg5[%get3A_204, %get3A_205] {strides = array<i32>} : memref<63x64xf32, #tpu.memory_space<vmem>>, vector<16xf32>,
      %sub3A_207 = arith.constant 2 : i32
      %sub3A_208 = arith.subi %add3A_182, %sub3A_207 : i32
      %get3A_209 = arith.index_cast %sub3A_208 : i32 to index
      %get3A_210 = arith.index_cast %sub3A_176 : i32 to index
      %get3A_211 = tpu.vector_load %arg5[%get3A_209, %get3A_210] {strides = array<i32>} : memref<63x64xf32, #tpu.memory_space<vmem>>, vector<16xf32>,
      %sub3A_212 = arith.constant 3 : i32
      %sub3A_213 = arith.subi %add3A_182, %sub3A_212 : i32
      %get3A_214 = arith.index_cast %sub3A_213 : i32 to index
      %get3A_215 = arith.index_cast %sub3A_174 : i32 to index
      %get3A_216 = tpu.vector_load %arg5[%get3A_214, %get3A_215] {strides = array<i32>} : memref<63x64xf32, #tpu.memory_space<vmem>>, vector<16xf32>,
      %swap3A = arith.index_cast %scan3A_172 : i32 to index
      %swap3A_217 = arith.constant 0 : index
      %swap3A_218 = tpu.vector_load %arg6[%swap3A, %swap3A_217] {strides = array<i32>} : memref<64x1024xf32, #tpu.memory_space<vmem>>, vector<16xf32>,
      tpu.vector_store %arg6[%swap3A, %swap3A_217], %get3A_186 {strides = array<i32>} : memref<64x1024xf32, #tpu.memory_space<vmem>>, vector<16xf32>,
      %sub3A_219 = arith.constant 3 : i32
      %sub3A_220 = arith.subi %add3A_182, %sub3A_219 : i32
      %get3A_221 = arith.index_cast %sub3A_220 : i32 to index
      %get3A_222 = arith.index_cast %sub3A_176 : i32 to index
      %get3A_223 = tpu.vector_load %arg5[%get3A_221, %get3A_222] {strides = array<i32>} : memref<63x64xf32, #tpu.memory_space<vmem>>, vector<16xf32>,
      %swap3A_224 = arith.index_cast %scan3A_172 : i32 to index
      %swap3A_225 = arith.constant 16 : index
      %swap3A_226 = tpu.vector_load %arg6[%swap3A_224, %swap3A_225] {strides = array<i32>} : memref<64x1024xf32, #tpu.memory_space<vmem>>, vector<16xf32>,
      tpu.vector_store %arg6[%swap3A_224, %swap3A_225], %get3A_191 {strides = array<i32>} : memref<64x1024xf32, #tpu.memory_space<vmem>>, vector<16xf32>,
      %sub3A_227 = arith.constant 4 : i32
      %sub3A_228 = arith.subi %add3A_182, %sub3A_227 : i32
      %get3A_229 = arith.index_cast %sub3A_228 : i32 to index
      %get3A_230 = arith.index_cast %sub3A_174 : i32 to index
      %get3A_231 = tpu.vector_load %arg5[%get3A_229, %get3A_230] {strides = array<i32>} : memref<63x64xf32, #tpu.memory_space<vmem>>, vector<16xf32>,
      %swap3A_232 = arith.index_cast %scan3A_172 : i32 to index
      %swap3A_233 = arith.constant 32 : index
      %swap3A_234 = tpu.vector_load %arg6[%swap3A_232, %swap3A_233] {strides = array<i32>} : memref<64x1024xf32, #tpu.memory_space<vmem>>, vector<16xf32>,
      tpu.vector_store %arg6[%swap3A_232, %swap3A_233], %get3A_196 {strides = array<i32>} : memref<64x1024xf32, #tpu.memory_space<vmem>>, vector<16xf32>,
      %sub3A_235 = arith.constant 4 : i32
      %sub3A_236 = arith.subi %add3A_182, %sub3A_235 : i32
      %get3A_237 = arith.index_cast %sub3A_236 : i32 to index
      %get3A_238 = arith.index_cast %sub3A_176 : i32 to index
      %get3A_239 = tpu.vector_load %arg5[%get3A_237, %get3A_238] {strides = array<i32>} : memref<63x64xf32, #tpu.memory_space<vmem>>, vector<16xf32>,
      %swap3A_240 = arith.index_cast %scan3A_172 : i32 to index
      %swap3A_241 = arith.constant 48 : index
      %swap3A_242 = tpu.vector_load %arg6[%swap3A_240, %swap3A_241] {strides = array<i32>} : memref<64x1024xf32, #tpu.memory_space<vmem>>, vector<16xf32>,
      tpu.vector_store %arg6[%swap3A_240, %swap3A_241], %get3A_201 {strides = array<i32>} : memref<64x1024xf32, #tpu.memory_space<vmem>>, vector<16xf32>,
      %sub3A_243 = arith.constant 5 : i32
      %sub3A_244 = arith.subi %add3A_182, %sub3A_243 : i32
      %get3A_245 = arith.index_cast %sub3A_244 : i32 to index
      %get3A_246 = arith.index_cast %sub3A_174 : i32 to index
      %get3A_247 = tpu.vector_load %arg5[%get3A_245, %get3A_246] {strides = array<i32>} : memref<63x64xf32, #tpu.memory_space<vmem>>, vector<16xf32>,
      %swap3A_248 = arith.index_cast %scan3A_172 : i32 to index
      %swap3A_249 = arith.constant 64 : index
      %swap3A_250 = tpu.vector_load %arg6[%swap3A_248, %swap3A_249] {strides = array<i32>} : memref<64x1024xf32, #tpu.memory_space<vmem>>, vector<16xf32>,
      tpu.vector_store %arg6[%swap3A_248, %swap3A_249], %get3A_206 {strides = array<i32>} : memref<64x1024xf32, #tpu.memory_space<vmem>>, vector<16xf32>,
      %sub3A_251 = arith.constant 5 : i32
      %sub3A_252 = arith.subi %add3A_182, %sub3A_251 : i32
      %get3A_253 = arith.index_cast %sub3A_252 : i32 to index
      %get3A_254 = arith.index_cast %sub3A_176 : i32 to index
      %get3A_255 = tpu.vector_load %arg5[%get3A_253, %get3A_254] {strides = array<i32>} : memref<63x64xf32, #tpu.memory_space<vmem>>, vector<16xf32>,
      %swap3A_256 = arith.index_cast %scan3A_172 : i32 to index
      %swap3A_257 = arith.constant 80 : index
      %swap3A_258 = tpu.vector_load %arg6[%swap3A_256, %swap3A_257] {strides = array<i32>} : memref<64x1024xf32, #tpu.memory_space<vmem>>, vector<16xf32>,
      tpu.vector_store %arg6[%swap3A_256, %swap3A_257], %get3A_211 {strides = array<i32>} : memref<64x1024xf32, #tpu.memory_space<vmem>>, vector<16xf32>,
      %sub3A_259 = arith.constant 6 : i32
      %sub3A_260 = arith.subi %add3A_182, %sub3A_259 : i32
      %get3A_261 = arith.index_cast %sub3A_260 : i32 to index
      %get3A_262 = arith.index_cast %sub3A_174 : i32 to index
      %get3A_263 = tpu.vector_load %arg5[%get3A_261, %get3A_262] {strides = array<i32>} : memref<63x64xf32, #tpu.memory_space<vmem>>, vector<16xf32>,
      %swap3A_264 = arith.index_cast %scan3A_172 : i32 to index
      %swap3A_265 = arith.constant 96 : index
      %swap3A_266 = tpu.vector_load %arg6[%swap3A_264, %swap3A_265] {strides = array<i32>} : memref<64x1024xf32, #tpu.memory_space<vmem>>, vector<16xf32>,
      tpu.vector_store %arg6[%swap3A_264, %swap3A_265], %get3A_216 {strides = array<i32>} : memref<64x1024xf32, #tpu.memory_space<vmem>>, vector<16xf32>,
      %sub3A_267 = arith.constant 6 : i32
      %sub3A_268 = arith.subi %add3A_182, %sub3A_267 : i32
      %get3A_269 = arith.index_cast %sub3A_268 : i32 to index
      %get3A_270 = arith.index_cast %sub3A_176 : i32 to index
      %get3A_271 = tpu.vector_load %arg5[%get3A_269, %get3A_270] {strides = array<i32>} : memref<63x64xf32, #tpu.memory_space<vmem>>, vector<16xf32>,
      %swap3A_272 = arith.index_cast %scan3A_172 : i32 to index
      %swap3A_273 = arith.constant 112 : index
      %swap3A_274 = tpu.vector_load %arg6[%swap3A_272, %swap3A_273] {strides = array<i32>} : memref<64x1024xf32, #tpu.memory_space<vmem>>, vector<16xf32>,
      tpu.vector_store %arg6[%swap3A_272, %swap3A_273], %get3A_223 {strides = array<i32>} : memref<64x1024xf32, #tpu.memory_space<vmem>>, vector<16xf32>,
      %sub3A_275 = arith.constant 7 : i32
      %sub3A_276 = arith.subi %add3A_182, %sub3A_275 : i32
      %get3A_277 = arith.index_cast %sub3A_276 : i32 to index
      %get3A_278 = arith.index_cast %sub3A_174 : i32 to index
      %get3A_279 = tpu.vector_load %arg5[%get3A_277, %get3A_278] {strides = array<i32>} : memref<63x64xf32, #tpu.memory_space<vmem>>, vector<16xf32>,
      %swap3A_280 = arith.index_cast %scan3A_172 : i32 to index
      %swap3A_281 = arith.constant 128 : index
      %swap3A_282 = tpu.vector_load %arg6[%swap3A_280, %swap3A_281] {strides = array<i32>} : memref<64x1024xf32, #tpu.memory_space<vmem>>, vector<16xf32>,
      tpu.vector_store %arg6[%swap3A_280, %swap3A_281], %get3A_231 {strides = array<i32>} : memref<64x1024xf32, #tpu.memory_space<vmem>>, vector<16xf32>,
      %sub3A_283 = arith.constant 7 : i32
      %sub3A_284 = arith.subi %add3A_182, %sub3A_283 : i32
      %get3A_285 = arith.index_cast %sub3A_284 : i32 to index
      %get3A_286 = arith.index_cast %sub3A_176 : i32 to index
      %get3A_287 = tpu.vector_load %arg5[%get3A_285, %get3A_286] {strides = array<i32>} : memref<63x64xf32, #tpu.memory_space<vmem>>, vector<16xf32>,
      %swap3A_288 = arith.index_cast %scan3A_172 : i32 to index
      %swap3A_289 = arith.constant 144 : index
      %swap3A_290 = tpu.vector_load %arg6[%swap3A_288, %swap3A_289] {strides = array<i32>} : memref<64x1024xf32, #tpu.memory_space<vmem>>, vector<16xf32>,
      tpu.vector_store %arg6[%swap3A_288, %swap3A_289], %get3A_239 {strides = array<i32>} : memref<64x1024xf32, #tpu.memory_space<vmem>>, vector<16xf32>,
      %sub3A_291 = arith.constant 8 : i32
      %sub3A_292 = arith.subi %add3A_182, %sub3A_291 : i32
      %get3A_293 = arith.index_cast %sub3A_292 : i32 to index
      %get3A_294 = arith.index_cast %sub3A_174 : i32 to index
      %get3A_295 = tpu.vector_load %arg5[%get3A_293, %get3A_294] {strides = array<i32>} : memref<63x64xf32, #tpu.memory_space<vmem>>, vector<16xf32>,
      %swap3A_296 = arith.index_cast %scan3A_172 : i32 to index
      %swap3A_297 = arith.constant 160 : index
      %swap3A_298 = tpu.vector_load %arg6[%swap3A_296, %swap3A_297] {strides = array<i32>} : memref<64x1024xf32, #tpu.memory_space<vmem>>, vector<16xf32>,
      tpu.vector_store %arg6[%swap3A_296, %swap3A_297], %get3A_247 {strides = array<i32>} : memref<64x1024xf32, #tpu.memory_space<vmem>>, vector<16xf32>,
      %sub3A_299 = arith.constant 8 : i32
      %sub3A_300 = arith.subi %add3A_182, %sub3A_299 : i32
      %get3A_301 = arith.index_cast %sub3A_300 : i32 to index
      %get3A_302 = arith.index_cast %sub3A_176 : i32 to index
      %get3A_303 = tpu.vector_load %arg5[%get3A_301, %get3A_302] {strides = array<i32>} : memref<63x64xf32, #tpu.memory_space<vmem>>, vector<16xf32>,
      %swap3A_304 = arith.index_cast %scan3A_172 : i32 to index
      %swap3A_305 = arith.constant 176 : index
      %swap3A_306 = tpu.vector_load %arg6[%swap3A_304, %swap3A_305] {strides = array<i32>} : memref<64x1024xf32, #tpu.memory_space<vmem>>, vector<16xf32>,
      tpu.vector_store %arg6[%swap3A_304, %swap3A_305], %get3A_255 {strides = array<i32>} : memref<64x1024xf32, #tpu.memory_space<vmem>>, vector<16xf32>,
      %sub3A_307 = arith.constant 9 : i32
      %sub3A_308 = arith.subi %add3A_182, %sub3A_307 : i32
      %get3A_309 = arith.index_cast %sub3A_308 : i32 to index
      %get3A_310 = arith.index_cast %sub3A_174 : i32 to index
      %get3A_311 = tpu.vector_load %arg5[%get3A_309, %get3A_310] {strides = array<i32>} : memref<63x64xf32, #tpu.memory_space<vmem>>, vector<16xf32>,
      %swap3A_312 = arith.index_cast %scan3A_172 : i32 to index
      %swap3A_313 = arith.constant 192 : index
      %swap3A_314 = tpu.vector_load %arg6[%swap3A_312, %swap3A_313] {strides = array<i32>} : memref<64x1024xf32, #tpu.memory_space<vmem>>, vector<16xf32>,
      tpu.vector_store %arg6[%swap3A_312, %swap3A_313], %get3A_263 {strides = array<i32>} : memref<64x1024xf32, #tpu.memory_space<vmem>>, vector<16xf32>,
      %sub3A_315 = arith.constant 9 : i32
      %sub3A_316 = arith.subi %add3A_182, %sub3A_315 : i32
      %get3A_317 = arith.index_cast %sub3A_316 : i32 to index
      %get3A_318 = arith.index_cast %sub3A_176 : i32 to index
      %get3A_319 = tpu.vector_load %arg5[%get3A_317, %get3A_318] {strides = array<i32>} : memref<63x64xf32, #tpu.memory_space<vmem>>, vector<16xf32>,
      %swap3A_320 = arith.index_cast %scan3A_172 : i32 to index
      %swap3A_321 = arith.constant 208 : index
      %swap3A_322 = tpu.vector_load %arg6[%swap3A_320, %swap3A_321] {strides = array<i32>} : memref<64x1024xf32, #tpu.memory_space<vmem>>, vector<16xf32>,
      tpu.vector_store %arg6[%swap3A_320, %swap3A_321], %get3A_271 {strides = array<i32>} : memref<64x1024xf32, #tpu.memory_space<vmem>>, vector<16xf32>,
      %sub3A_323 = arith.constant 10 : i32
      %sub3A_324 = arith.subi %add3A_182, %sub3A_323 : i32
      %get3A_325 = arith.index_cast %sub3A_324 : i32 to index
      %get3A_326 = arith.index_cast %sub3A_174 : i32 to index
      %get3A_327 = tpu.vector_load %arg5[%get3A_325, %get3A_326] {strides = array<i32>} : memref<63x64xf32, #tpu.memory_space<vmem>>, vector<16xf32>,
      %swap3A_328 = arith.index_cast %scan3A_172 : i32 to index
      %swap3A_329 = arith.constant 224 : index
      %swap3A_330 = tpu.vector_load %arg6[%swap3A_328, %swap3A_329] {strides = array<i32>} : memref<64x1024xf32, #tpu.memory_space<vmem>>, vector<16xf32>,
      tpu.vector_store %arg6[%swap3A_328, %swap3A_329], %get3A_279 {strides = array<i32>} : memref<64x1024xf32, #tpu.memory_space<vmem>>, vector<16xf32>,
      %sub3A_331 = arith.constant 10 : i32
      %sub3A_332 = arith.subi %add3A_182, %sub3A_331 : i32
      %get3A_333 = arith.index_cast %sub3A_332 : i32 to index
      %get3A_334 = arith.index_cast %sub3A_176 : i32 to index
      %get3A_335 = tpu.vector_load %arg5[%get3A_333, %get3A_334] {strides = array<i32>} : memref<63x64xf32, #tpu.memory_space<vmem>>, vector<16xf32>,
      %swap3A_336 = arith.index_cast %scan3A_172 : i32 to index
      %swap3A_337 = arith.constant 240 : index
      %swap3A_338 = tpu.vector_load %arg6[%swap3A_336, %swap3A_337] {strides = array<i32>} : memref<64x1024xf32, #tpu.memory_space<vmem>>, vector<16xf32>,
      tpu.vector_store %arg6[%swap3A_336, %swap3A_337], %get3A_287 {strides = array<i32>} : memref<64x1024xf32, #tpu.memory_space<vmem>>, vector<16xf32>,
      %sub3A_339 = arith.constant 11 : i32
      %sub3A_340 = arith.subi %add3A_182, %sub3A_339 : i32
      %get3A_341 = arith.index_cast %sub3A_340 : i32 to index
      %get3A_342 = arith.index_cast %sub3A_174 : i32 to index
      %get3A_343 = tpu.vector_load %arg5[%get3A_341, %get3A_342] {strides = array<i32>} : memref<63x64xf32, #tpu.memory_space<vmem>>, vector<16xf32>,
      %swap3A_344 = arith.index_cast %scan3A_172 : i32 to index
      %swap3A_345 = arith.constant 256 : index
      %swap3A_346 = tpu.vector_load %arg6[%swap3A_344, %swap3A_345] {strides = array<i32>} : memref<64x1024xf32, #tpu.memory_space<vmem>>, vector<16xf32>,
      tpu.vector_store %arg6[%swap3A_344, %swap3A_345], %get3A_295 {strides = array<i32>} : memref<64x1024xf32, #tpu.memory_space<vmem>>, vector<16xf32>,
      %sub3A_347 = arith.constant 11 : i32
      %sub3A_348 = arith.subi %add3A_182, %sub3A_347 : i32
      %get3A_349 = arith.index_cast %sub3A_348 : i32 to index
      %get3A_350 = arith.index_cast %sub3A_176 : i32 to index
      %get3A_351 = tpu.vector_load %arg5[%get3A_349, %get3A_350] {strides = array<i32>} : memref<63x64xf32, #tpu.memory_space<vmem>>, vector<16xf32>,
      %swap3A_352 = arith.index_cast %scan3A_172 : i32 to index
      %swap3A_353 = arith.constant 272 : index
      %swap3A_354 = tpu.vector_load %arg6[%swap3A_352, %swap3A_353] {strides = array<i32>} : memref<64x1024xf32, #tpu.memory_space<vmem>>, vector<16xf32>,
      tpu.vector_store %arg6[%swap3A_352, %swap3A_353], %get3A_303 {strides = array<i32>} : memref<64x1024xf32, #tpu.memory_space<vmem>>, vector<16xf32>,
      %sub3A_355 = arith.constant 12 : i32
      %sub3A_356 = arith.subi %add3A_182, %sub3A_355 : i32
      %get3A_357 = arith.index_cast %sub3A_356 : i32 to index
      %get3A_358 = arith.index_cast %sub3A_174 : i32 to index
      %get3A_359 = tpu.vector_load %arg5[%get3A_357, %get3A_358] {strides = array<i32>} : memref<63x64xf32, #tpu.memory_space<vmem>>, vector<16xf32>,
      %swap3A_360 = arith.index_cast %scan3A_172 : i32 to index
      %swap3A_361 = arith.constant 288 : index
      %swap3A_362 = tpu.vector_load %arg6[%swap3A_360, %swap3A_361] {strides = array<i32>} : memref<64x1024xf32, #tpu.memory_space<vmem>>, vector<16xf32>,
      tpu.vector_store %arg6[%swap3A_360, %swap3A_361], %get3A_311 {strides = array<i32>} : memref<64x1024xf32, #tpu.memory_space<vmem>>, vector<16xf32>,
      %sub3A_363 = arith.constant 12 : i32
      %sub3A_364 = arith.subi %add3A_182, %sub3A_363 : i32
      %get3A_365 = arith.index_cast %sub3A_364 : i32 to index
      %get3A_366 = arith.index_cast %sub3A_176 : i32 to index
      %get3A_367 = tpu.vector_load %arg5[%get3A_365, %get3A_366] {strides = array<i32>} : memref<63x64xf32, #tpu.memory_space<vmem>>, vector<16xf32>,
      %swap3A_368 = arith.index_cast %scan3A_172 : i32 to index
      %swap3A_369 = arith.constant 304 : index
      %swap3A_370 = tpu.vector_load %arg6[%swap3A_368, %swap3A_369] {strides = array<i32>} : memref<64x1024xf32, #tpu.memory_space<vmem>>, vector<16xf32>,
      tpu.vector_store %arg6[%swap3A_368, %swap3A_369], %get3A_319 {strides = array<i32>} : memref<64x1024xf32, #tpu.memory_space<vmem>>, vector<16xf32>,
      %sub3A_371 = arith.constant 13 : i32
      %sub3A_372 = arith.subi %add3A_182, %sub3A_371 : i32
      %get3A_373 = arith.index_cast %sub3A_372 : i32 to index
      %get3A_374 = arith.index_cast %sub3A_174 : i32 to index
      %get3A_375 = tpu.vector_load %arg5[%get3A_373, %get3A_374] {strides = array<i32>} : memref<63x64xf32, #tpu.memory_space<vmem>>, vector<16xf32>,
      %swap3A_376 = arith.index_cast %scan3A_172 : i32 to index
      %swap3A_377 = arith.constant 320 : index
      %swap3A_378 = tpu.vector_load %arg6[%swap3A_376, %swap3A_377] {strides = array<i32>} : memref<64x1024xf32, #tpu.memory_space<vmem>>, vector<16xf32>,
      tpu.vector_store %arg6[%swap3A_376, %swap3A_377], %get3A_327 {strides = array<i32>} : memref<64x1024xf32, #tpu.memory_space<vmem>>, vector<16xf32>,
      %sub3A_379 = arith.constant 13 : i32
      %sub3A_380 = arith.subi %add3A_182, %sub3A_379 : i32
      %get3A_381 = arith.index_cast %sub3A_380 : i32 to index
      %get3A_382 = arith.index_cast %sub3A_176 : i32 to index
      %get3A_383 = tpu.vector_load %arg5[%get3A_381, %get3A_382] {strides = array<i32>} : memref<63x64xf32, #tpu.memory_space<vmem>>, vector<16xf32>,
      %swap3A_384 = arith.index_cast %scan3A_172 : i32 to index
      %swap3A_385 = arith.constant 336 : index
      %swap3A_386 = tpu.vector_load %arg6[%swap3A_384, %swap3A_385] {strides = array<i32>} : memref<64x1024xf32, #tpu.memory_space<vmem>>, vector<16xf32>,
      tpu.vector_store %arg6[%swap3A_384, %swap3A_385], %get3A_335 {strides = array<i32>} : memref<64x1024xf32, #tpu.memory_space<vmem>>, vector<16xf32>,
      %sub3A_387 = arith.constant 14 : i32
      %sub3A_388 = arith.subi %add3A_182, %sub3A_387 : i32
      %get3A_389 = arith.index_cast %sub3A_388 : i32 to index
      %get3A_390 = arith.index_cast %sub3A_174 : i32 to index
      %get3A_391 = tpu.vector_load %arg5[%get3A_389, %get3A_390] {strides = array<i32>} : memref<63x64xf32, #tpu.memory_space<vmem>>, vector<16xf32>,
      %swap3A_392 = arith.index_cast %scan3A_172 : i32 to index
      %swap3A_393 = arith.constant 352 : index
      %swap3A_394 = tpu.vector_load %arg6[%swap3A_392, %swap3A_393] {strides = array<i32>} : memref<64x1024xf32, #tpu.memory_space<vmem>>, vector<16xf32>,
      tpu.vector_store %arg6[%swap3A_392, %swap3A_393], %get3A_343 {strides = array<i32>} : memref<64x1024xf32, #tpu.memory_space<vmem>>, vector<16xf32>,
      %sub3A_395 = arith.constant 14 : i32
      %sub3A_396 = arith.subi %add3A_182, %sub3A_395 : i32
      %get3A_397 = arith.index_cast %sub3A_396 : i32 to index
      %get3A_398 = arith.index_cast %sub3A_176 : i32 to index
      %get3A_399 = tpu.vector_load %arg5[%get3A_397, %get3A_398] {strides = array<i32>} : memref<63x64xf32, #tpu.memory_space<vmem>>, vector<16xf32>,
      %swap3A_400 = arith.index_cast %scan3A_172 : i32 to index
      %swap3A_401 = arith.constant 368 : index
      %swap3A_402 = tpu.vector_load %arg6[%swap3A_400, %swap3A_401] {strides = array<i32>} : memref<64x1024xf32, #tpu.memory_space<vmem>>, vector<16xf32>,
      tpu.vector_store %arg6[%swap3A_400, %swap3A_401], %get3A_351 {strides = array<i32>} : memref<64x1024xf32, #tpu.memory_space<vmem>>, vector<16xf32>,
      %sub3A_403 = arith.constant 15 : i32
      %sub3A_404 = arith.subi %add3A_182, %sub3A_403 : i32
      %get3A_405 = arith.index_cast %sub3A_404 : i32 to index
      %get3A_406 = arith.index_cast %sub3A_174 : i32 to index
      %get3A_407 = tpu.vector_load %arg5[%get3A_405, %get3A_406] {strides = array<i32>} : memref<63x64xf32, #tpu.memory_space<vmem>>, vector<16xf32>,
      %swap3A_408 = arith.index_cast %scan3A_172 : i32 to index
      %swap3A_409 = arith.constant 384 : index
      %swap3A_410 = tpu.vector_load %arg6[%swap3A_408, %swap3A_409] {strides = array<i32>} : memref<64x1024xf32, #tpu.memory_space<vmem>>, vector<16xf32>,
      tpu.vector_store %arg6[%swap3A_408, %swap3A_409], %get3A_359 {strides = array<i32>} : memref<64x1024xf32, #tpu.memory_space<vmem>>, vector<16xf32>,
      %sub3A_411 = arith.constant 15 : i32
      %sub3A_412 = arith.subi %add3A_182, %sub3A_411 : i32
      %get3A_413 = arith.index_cast %sub3A_412 : i32 to index
      %get3A_414 = arith.index_cast %sub3A_176 : i32 to index
      %get3A_415 = tpu.vector_load %arg5[%get3A_413, %get3A_414] {strides = array<i32>} : memref<63x64xf32, #tpu.memory_space<vmem>>, vector<16xf32>,
      %swap3A_416 = arith.index_cast %scan3A_172 : i32 to index
      %swap3A_417 = arith.constant 400 : index
      %swap3A_418 = tpu.vector_load %arg6[%swap3A_416, %swap3A_417] {strides = array<i32>} : memref<64x1024xf32, #tpu.memory_space<vmem>>, vector<16xf32>,
      tpu.vector_store %arg6[%swap3A_416, %swap3A_417], %get3A_367 {strides = array<i32>} : memref<64x1024xf32, #tpu.memory_space<vmem>>, vector<16xf32>,
      %sub3A_419 = arith.constant 16 : i32
      %sub3A_420 = arith.subi %add3A_182, %sub3A_419 : i32
      %get3A_421 = arith.index_cast %sub3A_420 : i32 to index
      %get3A_422 = arith.index_cast %sub3A_174 : i32 to index
      %get3A_423 = tpu.vector_load %arg5[%get3A_421, %get3A_422] {strides = array<i32>} : memref<63x64xf32, #tpu.memory_space<vmem>>, vector<16xf32>,
      %swap3A_424 = arith.index_cast %scan3A_172 : i32 to index
      %swap3A_425 = arith.constant 416 : index
      %swap3A_426 = tpu.vector_load %arg6[%swap3A_424, %swap3A_425] {strides = array<i32>} : memref<64x1024xf32, #tpu.memory_space<vmem>>, vector<16xf32>,
      tpu.vector_store %arg6[%swap3A_424, %swap3A_425], %get3A_375 {strides = array<i32>} : memref<64x1024xf32, #tpu.memory_space<vmem>>, vector<16xf32>,
      %sub3A_427 = arith.constant 16 : i32
      %sub3A_428 = arith.subi %add3A_182, %sub3A_427 : i32
      %get3A_429 = arith.index_cast %sub3A_428 : i32 to index
      %get3A_430 = arith.index_cast %sub3A_176 : i32 to index
      %get3A_431 = tpu.vector_load %arg5[%get3A_429, %get3A_430] {strides = array<i32>} : memref<63x64xf32, #tpu.memory_space<vmem>>, vector<16xf32>,
      %swap3A_432 = arith.index_cast %scan3A_172 : i32 to index
      %swap3A_433 = arith.constant 432 : index
      %swap3A_434 = tpu.vector_load %arg6[%swap3A_432, %swap3A_433] {strides = array<i32>} : memref<64x1024xf32, #tpu.memory_space<vmem>>, vector<16xf32>,
      tpu.vector_store %arg6[%swap3A_432, %swap3A_433], %get3A_383 {strides = array<i32>} : memref<64x1024xf32, #tpu.memory_space<vmem>>, vector<16xf32>,
      %sub3A_435 = arith.constant 17 : i32
      %sub3A_436 = arith.subi %add3A_182, %sub3A_435 : i32
      %get3A_437 = arith.index_cast %sub3A_436 : i32 to index
      %get3A_438 = arith.index_cast %sub3A_174 : i32 to index
      %get3A_439 = tpu.vector_load %arg5[%get3A_437, %get3A_438] {strides = array<i32>} : memref<63x64xf32, #tpu.memory_space<vmem>>, vector<16xf32>,
      %swap3A_440 = arith.index_cast %scan3A_172 : i32 to index
      %swap3A_441 = arith.constant 448 : index
      %swap3A_442 = tpu.vector_load %arg6[%swap3A_440, %swap3A_441] {strides = array<i32>} : memref<64x1024xf32, #tpu.memory_space<vmem>>, vector<16xf32>,
      tpu.vector_store %arg6[%swap3A_440, %swap3A_441], %get3A_391 {strides = array<i32>} : memref<64x1024xf32, #tpu.memory_space<vmem>>, vector<16xf32>,
      %sub3A_443 = arith.constant 17 : i32
      %sub3A_444 = arith.subi %add3A_182, %sub3A_443 : i32
      %get3A_445 = arith.index_cast %sub3A_444 : i32 to index
      %get3A_446 = arith.index_cast %sub3A_176 : i32 to index
      %get3A_447 = tpu.vector_load %arg5[%get3A_445, %get3A_446] {strides = array<i32>} : memref<63x64xf32, #tpu.memory_space<vmem>>, vector<16xf32>,
      %swap3A_448 = arith.index_cast %scan3A_172 : i32 to index
      %swap3A_449 = arith.constant 464 : index
      %swap3A_450 = tpu.vector_load %arg6[%swap3A_448, %swap3A_449] {strides = array<i32>} : memref<64x1024xf32, #tpu.memory_space<vmem>>, vector<16xf32>,
      tpu.vector_store %arg6[%swap3A_448, %swap3A_449], %get3A_399 {strides = array<i32>} : memref<64x1024xf32, #tpu.memory_space<vmem>>, vector<16xf32>,
      %sub3A_451 = arith.constant 18 : i32
      %sub3A_452 = arith.subi %add3A_182, %sub3A_451 : i32
      %get3A_453 = arith.index_cast %sub3A_452 : i32 to index
      %get3A_454 = arith.index_cast %sub3A_174 : i32 to index
      %get3A_455 = tpu.vector_load %arg5[%get3A_453, %get3A_454] {strides = array<i32>} : memref<63x64xf32, #tpu.memory_space<vmem>>, vector<16xf32>,
      %swap3A_456 = arith.index_cast %scan3A_172 : i32 to index
      %swap3A_457 = arith.constant 480 : index
      %swap3A_458 = tpu.vector_load %arg6[%swap3A_456, %swap3A_457] {strides = array<i32>} : memref<64x1024xf32, #tpu.memory_space<vmem>>, vector<16xf32>,
      tpu.vector_store %arg6[%swap3A_456, %swap3A_457], %get3A_407 {strides = array<i32>} : memref<64x1024xf32, #tpu.memory_space<vmem>>, vector<16xf32>,
      %sub3A_459 = arith.constant 18 : i32
      %sub3A_460 = arith.subi %add3A_182, %sub3A_459 : i32
      %get3A_461 = arith.index_cast %sub3A_460 : i32 to index
      %get3A_462 = arith.index_cast %sub3A_176 : i32 to index
      %get3A_463 = tpu.vector_load %arg5[%get3A_461, %get3A_462] {strides = array<i32>} : memref<63x64xf32, #tpu.memory_space<vmem>>, vector<16xf32>,
      %swap3A_464 = arith.index_cast %scan3A_172 : i32 to index
      %swap3A_465 = arith.constant 496 : index
      %swap3A_466 = tpu.vector_load %arg6[%swap3A_464, %swap3A_465] {strides = array<i32>} : memref<64x1024xf32, #tpu.memory_space<vmem>>, vector<16xf32>,
      tpu.vector_store %arg6[%swap3A_464, %swap3A_465], %get3A_415 {strides = array<i32>} : memref<64x1024xf32, #tpu.memory_space<vmem>>, vector<16xf32>,
      %sub3A_467 = arith.constant 19 : i32
      %sub3A_468 = arith.subi %add3A_182, %sub3A_467 : i32
      %get3A_469 = arith.index_cast %sub3A_468 : i32 to index
      %get3A_470 = arith.index_cast %sub3A_174 : i32 to index
      %get3A_471 = tpu.vector_load %arg5[%get3A_469, %get3A_470] {strides = array<i32>} : memref<63x64xf32, #tpu.memory_space<vmem>>, vector<16xf32>,
      %swap3A_472 = arith.index_cast %scan3A_172 : i32 to index
      %swap3A_473 = arith.constant 512 : index
      %swap3A_474 = tpu.vector_load %arg6[%swap3A_472, %swap3A_473] {strides = array<i32>} : memref<64x1024xf32, #tpu.memory_space<vmem>>, vector<16xf32>,
      tpu.vector_store %arg6[%swap3A_472, %swap3A_473], %get3A_423 {strides = array<i32>} : memref<64x1024xf32, #tpu.memory_space<vmem>>, vector<16xf32>,
      %sub3A_475 = arith.constant 19 : i32
      %sub3A_476 = arith.subi %add3A_182, %sub3A_475 : i32
      %get3A_477 = arith.index_cast %sub3A_476 : i32 to index
      %get3A_478 = arith.index_cast %sub3A_176 : i32 to index
      %get3A_479 = tpu.vector_load %arg5[%get3A_477, %get3A_478] {strides = array<i32>} : memref<63x64xf32, #tpu.memory_space<vmem>>, vector<16xf32>,
      %swap3A_480 = arith.index_cast %scan3A_172 : i32 to index
      %swap3A_481 = arith.constant 528 : index
      %swap3A_482 = tpu.vector_load %arg6[%swap3A_480, %swap3A_481] {strides = array<i32>} : memref<64x1024xf32, #tpu.memory_space<vmem>>, vector<16xf32>,
      tpu.vector_store %arg6[%swap3A_480, %swap3A_481], %get3A_431 {strides = array<i32>} : memref<64x1024xf32, #tpu.memory_space<vmem>>, vector<16xf32>,
      %sub3A_483 = arith.constant 20 : i32
      %sub3A_484 = arith.subi %add3A_182, %sub3A_483 : i32
      %get3A_485 = arith.index_cast %sub3A_484 : i32 to index
      %get3A_486 = arith.index_cast %sub3A_174 : i32 to index
      %get3A_487 = tpu.vector_load %arg5[%get3A_485, %get3A_486] {strides = array<i32>} : memref<63x64xf32, #tpu.memory_space<vmem>>, vector<16xf32>,
      %swap3A_488 = arith.index_cast %scan3A_172 : i32 to index
      %swap3A_489 = arith.constant 544 : index
      %swap3A_490 = tpu.vector_load %arg6[%swap3A_488, %swap3A_489] {strides = array<i32>} : memref<64x1024xf32, #tpu.memory_space<vmem>>, vector<16xf32>,
      tpu.vector_store %arg6[%swap3A_488, %swap3A_489], %get3A_439 {strides = array<i32>} : memref<64x1024xf32, #tpu.memory_space<vmem>>, vector<16xf32>,
      %sub3A_491 = arith.constant 20 : i32
      %sub3A_492 = arith.subi %add3A_182, %sub3A_491 : i32
      %get3A_493 = arith.index_cast %sub3A_492 : i32 to index
      %get3A_494 = arith.index_cast %sub3A_176 : i32 to index
      %get3A_495 = tpu.vector_load %arg5[%get3A_493, %get3A_494] {strides = array<i32>} : memref<63x64xf32, #tpu.memory_space<vmem>>, vector<16xf32>,
      %swap3A_496 = arith.index_cast %scan3A_172 : i32 to index
      %swap3A_497 = arith.constant 560 : index
      %swap3A_498 = tpu.vector_load %arg6[%swap3A_496, %swap3A_497] {strides = array<i32>} : memref<64x1024xf32, #tpu.memory_space<vmem>>, vector<16xf32>,
      tpu.vector_store %arg6[%swap3A_496, %swap3A_497], %get3A_447 {strides = array<i32>} : memref<64x1024xf32, #tpu.memory_space<vmem>>, vector<16xf32>,
      %sub3A_499 = arith.constant 21 : i32
      %sub3A_500 = arith.subi %add3A_182, %sub3A_499 : i32
      %get3A_501 = arith.index_cast %sub3A_500 : i32 to index
      %get3A_502 = arith.index_cast %sub3A_174 : i32 to index
      %get3A_503 = tpu.vector_load %arg5[%get3A_501, %get3A_502] {strides = array<i32>} : memref<63x64xf32, #tpu.memory_space<vmem>>, vector<16xf32>,
      %swap3A_504 = arith.index_cast %scan3A_172 : i32 to index
      %swap3A_505 = arith.constant 576 : index
      %swap3A_506 = tpu.vector_load %arg6[%swap3A_504, %swap3A_505] {strides = array<i32>} : memref<64x1024xf32, #tpu.memory_space<vmem>>, vector<16xf32>,
      tpu.vector_store %arg6[%swap3A_504, %swap3A_505], %get3A_455 {strides = array<i32>} : memref<64x1024xf32, #tpu.memory_space<vmem>>, vector<16xf32>,
      %sub3A_507 = arith.constant 21 : i32
      %sub3A_508 = arith.subi %add3A_182, %sub3A_507 : i32
      %get3A_509 = arith.index_cast %sub3A_508 : i32 to index
      %get3A_510 = arith.index_cast %sub3A_176 : i32 to index
      %get3A_511 = tpu.vector_load %arg5[%get3A_509, %get3A_510] {strides = array<i32>} : memref<63x64xf32, #tpu.memory_space<vmem>>, vector<16xf32>,
      %swap3A_512 = arith.index_cast %scan3A_172 : i32 to index
      %swap3A_513 = arith.constant 592 : index
      %swap3A_514 = tpu.vector_load %arg6[%swap3A_512, %swap3A_513] {strides = array<i32>} : memref<64x1024xf32, #tpu.memory_space<vmem>>, vector<16xf32>,
      tpu.vector_store %arg6[%swap3A_512, %swap3A_513], %get3A_463 {strides = array<i32>} : memref<64x1024xf32, #tpu.memory_space<vmem>>, vector<16xf32>,
      %sub3A_515 = arith.constant 22 : i32
      %sub3A_516 = arith.subi %add3A_182, %sub3A_515 : i32
      %get3A_517 = arith.index_cast %sub3A_516 : i32 to index
      %get3A_518 = arith.index_cast %sub3A_174 : i32 to index
      %get3A_519 = tpu.vector_load %arg5[%get3A_517, %get3A_518] {strides = array<i32>} : memref<63x64xf32, #tpu.memory_space<vmem>>, vector<16xf32>,
      %swap3A_520 = arith.index_cast %scan3A_172 : i32 to index
      %swap3A_521 = arith.constant 608 : index
      %swap3A_522 = tpu.vector_load %arg6[%swap3A_520, %swap3A_521] {strides = array<i32>} : memref<64x1024xf32, #tpu.memory_space<vmem>>, vector<16xf32>,
      tpu.vector_store %arg6[%swap3A_520, %swap3A_521], %get3A_471 {strides = array<i32>} : memref<64x1024xf32, #tpu.memory_space<vmem>>, vector<16xf32>,
      %sub3A_523 = arith.constant 22 : i32
      %sub3A_524 = arith.subi %add3A_182, %sub3A_523 : i32
      %get3A_525 = arith.index_cast %sub3A_524 : i32 to index
      %get3A_526 = arith.index_cast %sub3A_176 : i32 to index
      %get3A_527 = tpu.vector_load %arg5[%get3A_525, %get3A_526] {strides = array<i32>} : memref<63x64xf32, #tpu.memory_space<vmem>>, vector<16xf32>,
      %swap3A_528 = arith.index_cast %scan3A_172 : i32 to index
      %swap3A_529 = arith.constant 624 : index
      %swap3A_530 = tpu.vector_load %arg6[%swap3A_528, %swap3A_529] {strides = array<i32>} : memref<64x1024xf32, #tpu.memory_space<vmem>>, vector<16xf32>,
      tpu.vector_store %arg6[%swap3A_528, %swap3A_529], %get3A_479 {strides = array<i32>} : memref<64x1024xf32, #tpu.memory_space<vmem>>, vector<16xf32>,
      %sub3A_531 = arith.constant 23 : i32
      %sub3A_532 = arith.subi %add3A_182, %sub3A_531 : i32
      %get3A_533 = arith.index_cast %sub3A_532 : i32 to index
      %get3A_534 = arith.index_cast %sub3A_174 : i32 to index
      %get3A_535 = tpu.vector_load %arg5[%get3A_533, %get3A_534] {strides = array<i32>} : memref<63x64xf32, #tpu.memory_space<vmem>>, vector<16xf32>,
      %swap3A_536 = arith.index_cast %scan3A_172 : i32 to index
      %swap3A_537 = arith.constant 640 : index
      %swap3A_538 = tpu.vector_load %arg6[%swap3A_536, %swap3A_537] {strides = array<i32>} : memref<64x1024xf32, #tpu.memory_space<vmem>>, vector<16xf32>,
      tpu.vector_store %arg6[%swap3A_536, %swap3A_537], %get3A_487 {strides = array<i32>} : memref<64x1024xf32, #tpu.memory_space<vmem>>, vector<16xf32>,
      %sub3A_539 = arith.constant 23 : i32
      %sub3A_540 = arith.subi %add3A_182, %sub3A_539 : i32
      %get3A_541 = arith.index_cast %sub3A_540 : i32 to index
      %get3A_542 = arith.index_cast %sub3A_176 : i32 to index
      %get3A_543 = tpu.vector_load %arg5[%get3A_541, %get3A_542] {strides = array<i32>} : memref<63x64xf32, #tpu.memory_space<vmem>>, vector<16xf32>,
      %swap3A_544 = arith.index_cast %scan3A_172 : i32 to index
      %swap3A_545 = arith.constant 656 : index
      %swap3A_546 = tpu.vector_load %arg6[%swap3A_544, %swap3A_545] {strides = array<i32>} : memref<64x1024xf32, #tpu.memory_space<vmem>>, vector<16xf32>,
      tpu.vector_store %arg6[%swap3A_544, %swap3A_545], %get3A_495 {strides = array<i32>} : memref<64x1024xf32, #tpu.memory_space<vmem>>, vector<16xf32>,
      %sub3A_547 = arith.constant 24 : i32
      %sub3A_548 = arith.subi %add3A_182, %sub3A_547 : i32
      %get3A_549 = arith.index_cast %sub3A_548 : i32 to index
      %get3A_550 = arith.index_cast %sub3A_174 : i32 to index
      %get3A_551 = tpu.vector_load %arg5[%get3A_549, %get3A_550] {strides = array<i32>} : memref<63x64xf32, #tpu.memory_space<vmem>>, vector<16xf32>,
      %swap3A_552 = arith.index_cast %scan3A_172 : i32 to index
      %swap3A_553 = arith.constant 672 : index
      %swap3A_554 = tpu.vector_load %arg6[%swap3A_552, %swap3A_553] {strides = array<i32>} : memref<64x1024xf32, #tpu.memory_space<vmem>>, vector<16xf32>,
      tpu.vector_store %arg6[%swap3A_552, %swap3A_553], %get3A_503 {strides = array<i32>} : memref<64x1024xf32, #tpu.memory_space<vmem>>, vector<16xf32>,
      %sub3A_555 = arith.constant 24 : i32
      %sub3A_556 = arith.subi %add3A_182, %sub3A_555 : i32
      %get3A_557 = arith.index_cast %sub3A_556 : i32 to index
      %get3A_558 = arith.index_cast %sub3A_176 : i32 to index
      %get3A_559 = tpu.vector_load %arg5[%get3A_557, %get3A_558] {strides = array<i32>} : memref<63x64xf32, #tpu.memory_space<vmem>>, vector<16xf32>,
      %swap3A_560 = arith.index_cast %scan3A_172 : i32 to index
      %swap3A_561 = arith.constant 688 : index
      %swap3A_562 = tpu.vector_load %arg6[%swap3A_560, %swap3A_561] {strides = array<i32>} : memref<64x1024xf32, #tpu.memory_space<vmem>>, vector<16xf32>,
      tpu.vector_store %arg6[%swap3A_560, %swap3A_561], %get3A_511 {strides = array<i32>} : memref<64x1024xf32, #tpu.memory_space<vmem>>, vector<16xf32>,
      %sub3A_563 = arith.constant 25 : i32
      %sub3A_564 = arith.subi %add3A_182, %sub3A_563 : i32
      %get3A_565 = arith.index_cast %sub3A_564 : i32 to index
      %get3A_566 = arith.index_cast %sub3A_174 : i32 to index
      %get3A_567 = tpu.vector_load %arg5[%get3A_565, %get3A_566] {strides = array<i32>} : memref<63x64xf32, #tpu.memory_space<vmem>>, vector<16xf32>,
      %swap3A_568 = arith.index_cast %scan3A_172 : i32 to index
      %swap3A_569 = arith.constant 704 : index
      %swap3A_570 = tpu.vector_load %arg6[%swap3A_568, %swap3A_569] {strides = array<i32>} : memref<64x1024xf32, #tpu.memory_space<vmem>>, vector<16xf32>,
      tpu.vector_store %arg6[%swap3A_568, %swap3A_569], %get3A_519 {strides = array<i32>} : memref<64x1024xf32, #tpu.memory_space<vmem>>, vector<16xf32>,
      %sub3A_571 = arith.constant 25 : i32
      %sub3A_572 = arith.subi %add3A_182, %sub3A_571 : i32
      %get3A_573 = arith.index_cast %sub3A_572 : i32 to index
      %get3A_574 = arith.index_cast %sub3A_176 : i32 to index
      %get3A_575 = tpu.vector_load %arg5[%get3A_573, %get3A_574] {strides = array<i32>} : memref<63x64xf32, #tpu.memory_space<vmem>>, vector<16xf32>,
      %swap3A_576 = arith.index_cast %scan3A_172 : i32 to index
      %swap3A_577 = arith.constant 720 : index
      %swap3A_578 = tpu.vector_load %arg6[%swap3A_576, %swap3A_577] {strides = array<i32>} : memref<64x1024xf32, #tpu.memory_space<vmem>>, vector<16xf32>,
      tpu.vector_store %arg6[%swap3A_576, %swap3A_577], %get3A_527 {strides = array<i32>} : memref<64x1024xf32, #tpu.memory_space<vmem>>, vector<16xf32>,
      %sub3A_579 = arith.constant 26 : i32
      %sub3A_580 = arith.subi %add3A_182, %sub3A_579 : i32
      %get3A_581 = arith.index_cast %sub3A_580 : i32 to index
      %get3A_582 = arith.index_cast %sub3A_174 : i32 to index
      %get3A_583 = tpu.vector_load %arg5[%get3A_581, %get3A_582] {strides = array<i32>} : memref<63x64xf32, #tpu.memory_space<vmem>>, vector<16xf32>,
      %swap3A_584 = arith.index_cast %scan3A_172 : i32 to index
      %swap3A_585 = arith.constant 736 : index
      %swap3A_586 = tpu.vector_load %arg6[%swap3A_584, %swap3A_585] {strides = array<i32>} : memref<64x1024xf32, #tpu.memory_space<vmem>>, vector<16xf32>,
      tpu.vector_store %arg6[%swap3A_584, %swap3A_585], %get3A_535 {strides = array<i32>} : memref<64x1024xf32, #tpu.memory_space<vmem>>, vector<16xf32>,
      %sub3A_587 = arith.constant 26 : i32
      %sub3A_588 = arith.subi %add3A_182, %sub3A_587 : i32
      %get3A_589 = arith.index_cast %sub3A_588 : i32 to index
      %get3A_590 = arith.index_cast %sub3A_176 : i32 to index
      %get3A_591 = tpu.vector_load %arg5[%get3A_589, %get3A_590] {strides = array<i32>} : memref<63x64xf32, #tpu.memory_space<vmem>>, vector<16xf32>,
      %swap3A_592 = arith.index_cast %scan3A_172 : i32 to index
      %swap3A_593 = arith.constant 752 : index
      %swap3A_594 = tpu.vector_load %arg6[%swap3A_592, %swap3A_593] {strides = array<i32>} : memref<64x1024xf32, #tpu.memory_space<vmem>>, vector<16xf32>,
      tpu.vector_store %arg6[%swap3A_592, %swap3A_593], %get3A_543 {strides = array<i32>} : memref<64x1024xf32, #tpu.memory_space<vmem>>, vector<16xf32>,
      %sub3A_595 = arith.constant 27 : i32
      %sub3A_596 = arith.subi %add3A_182, %sub3A_595 : i32
      %get3A_597 = arith.index_cast %sub3A_596 : i32 to index
      %get3A_598 = arith.index_cast %sub3A_174 : i32 to index
      %get3A_599 = tpu.vector_load %arg5[%get3A_597, %get3A_598] {strides = array<i32>} : memref<63x64xf32, #tpu.memory_space<vmem>>, vector<16xf32>,
      %swap3A_600 = arith.index_cast %scan3A_172 : i32 to index
      %swap3A_601 = arith.constant 768 : index
      %swap3A_602 = tpu.vector_load %arg6[%swap3A_600, %swap3A_601] {strides = array<i32>} : memref<64x1024xf32, #tpu.memory_space<vmem>>, vector<16xf32>,
      tpu.vector_store %arg6[%swap3A_600, %swap3A_601], %get3A_551 {strides = array<i32>} : memref<64x1024xf32, #tpu.memory_space<vmem>>, vector<16xf32>,
      %sub3A_603 = arith.constant 27 : i32
      %sub3A_604 = arith.subi %add3A_182, %sub3A_603 : i32
      %get3A_605 = arith.index_cast %sub3A_604 : i32 to index
      %get3A_606 = arith.index_cast %sub3A_176 : i32 to index
      %get3A_607 = tpu.vector_load %arg5[%get3A_605, %get3A_606] {strides = array<i32>} : memref<63x64xf32, #tpu.memory_space<vmem>>, vector<16xf32>,
      %swap3A_608 = arith.index_cast %scan3A_172 : i32 to index
      %swap3A_609 = arith.constant 784 : index
      %swap3A_610 = tpu.vector_load %arg6[%swap3A_608, %swap3A_609] {strides = array<i32>} : memref<64x1024xf32, #tpu.memory_space<vmem>>, vector<16xf32>,
      tpu.vector_store %arg6[%swap3A_608, %swap3A_609], %get3A_559 {strides = array<i32>} : memref<64x1024xf32, #tpu.memory_space<vmem>>, vector<16xf32>,
      %sub3A_611 = arith.constant 28 : i32
      %sub3A_612 = arith.subi %add3A_182, %sub3A_611 : i32
      %get3A_613 = arith.index_cast %sub3A_612 : i32 to index
      %get3A_614 = arith.index_cast %sub3A_174 : i32 to index
      %get3A_615 = tpu.vector_load %arg5[%get3A_613, %get3A_614] {strides = array<i32>} : memref<63x64xf32, #tpu.memory_space<vmem>>, vector<16xf32>,
      %swap3A_616 = arith.index_cast %scan3A_172 : i32 to index
      %swap3A_617 = arith.constant 800 : index
      %swap3A_618 = tpu.vector_load %arg6[%swap3A_616, %swap3A_617] {strides = array<i32>} : memref<64x1024xf32, #tpu.memory_space<vmem>>, vector<16xf32>,
      tpu.vector_store %arg6[%swap3A_616, %swap3A_617], %get3A_567 {strides = array<i32>} : memref<64x1024xf32, #tpu.memory_space<vmem>>, vector<16xf32>,
      %sub3A_619 = arith.constant 28 : i32
      %sub3A_620 = arith.subi %add3A_182, %sub3A_619 : i32
      %get3A_621 = arith.index_cast %sub3A_620 : i32 to index
      %get3A_622 = arith.index_cast %sub3A_176 : i32 to index
      %get3A_623 = tpu.vector_load %arg5[%get3A_621, %get3A_622] {strides = array<i32>} : memref<63x64xf32, #tpu.memory_space<vmem>>, vector<16xf32>,
      %swap3A_624 = arith.index_cast %scan3A_172 : i32 to index
      %swap3A_625 = arith.constant 816 : index
      %swap3A_626 = tpu.vector_load %arg6[%swap3A_624, %swap3A_625] {strides = array<i32>} : memref<64x1024xf32, #tpu.memory_space<vmem>>, vector<16xf32>,
      tpu.vector_store %arg6[%swap3A_624, %swap3A_625], %get3A_575 {strides = array<i32>} : memref<64x1024xf32, #tpu.memory_space<vmem>>, vector<16xf32>,
      %sub3A_627 = arith.constant 29 : i32
      %sub3A_628 = arith.subi %add3A_182, %sub3A_627 : i32
      %get3A_629 = arith.index_cast %sub3A_628 : i32 to index
      %get3A_630 = arith.index_cast %sub3A_174 : i32 to index
      %get3A_631 = tpu.vector_load %arg5[%get3A_629, %get3A_630] {strides = array<i32>} : memref<63x64xf32, #tpu.memory_space<vmem>>, vector<16xf32>,
      %swap3A_632 = arith.index_cast %scan3A_172 : i32 to index
      %swap3A_633 = arith.constant 832 : index
      %swap3A_634 = tpu.vector_load %arg6[%swap3A_632, %swap3A_633] {strides = array<i32>} : memref<64x1024xf32, #tpu.memory_space<vmem>>, vector<16xf32>,
      tpu.vector_store %arg6[%swap3A_632, %swap3A_633], %get3A_583 {strides = array<i32>} : memref<64x1024xf32, #tpu.memory_space<vmem>>, vector<16xf32>,
      %sub3A_635 = arith.constant 29 : i32
      %sub3A_636 = arith.subi %add3A_182, %sub3A_635 : i32
      %get3A_637 = arith.index_cast %sub3A_636 : i32 to index
      %get3A_638 = arith.index_cast %sub3A_176 : i32 to index
      %get3A_639 = tpu.vector_load %arg5[%get3A_637, %get3A_638] {strides = array<i32>} : memref<63x64xf32, #tpu.memory_space<vmem>>, vector<16xf32>,
      %swap3A_640 = arith.index_cast %scan3A_172 : i32 to index
      %swap3A_641 = arith.constant 848 : index
      %swap3A_642 = tpu.vector_load %arg6[%swap3A_640, %swap3A_641] {strides = array<i32>} : memref<64x1024xf32, #tpu.memory_space<vmem>>, vector<16xf32>,
      tpu.vector_store %arg6[%swap3A_640, %swap3A_641], %get3A_591 {strides = array<i32>} : memref<64x1024xf32, #tpu.memory_space<vmem>>, vector<16xf32>,
      %sub3A_643 = arith.constant 30 : i32
      %sub3A_644 = arith.subi %add3A_182, %sub3A_643 : i32
      %get3A_645 = arith.index_cast %sub3A_644 : i32 to index
      %get3A_646 = arith.index_cast %sub3A_174 : i32 to index
      %get3A_647 = tpu.vector_load %arg5[%get3A_645, %get3A_646] {strides = array<i32>} : memref<63x64xf32, #tpu.memory_space<vmem>>, vector<16xf32>,
      %swap3A_648 = arith.index_cast %scan3A_172 : i32 to index
      %swap3A_649 = arith.constant 864 : index
      %swap3A_650 = tpu.vector_load %arg6[%swap3A_648, %swap3A_649] {strides = array<i32>} : memref<64x1024xf32, #tpu.memory_space<vmem>>, vector<16xf32>,
      tpu.vector_store %arg6[%swap3A_648, %swap3A_649], %get3A_599 {strides = array<i32>} : memref<64x1024xf32, #tpu.memory_space<vmem>>, vector<16xf32>,
      %sub3A_651 = arith.constant 30 : i32
      %sub3A_652 = arith.subi %add3A_182, %sub3A_651 : i32
      %get3A_653 = arith.index_cast %sub3A_652 : i32 to index
      %get3A_654 = arith.index_cast %sub3A_176 : i32 to index
      %get3A_655 = tpu.vector_load %arg5[%get3A_653, %get3A_654] {strides = array<i32>} : memref<63x64xf32, #tpu.memory_space<vmem>>, vector<16xf32>,
      %swap3A_656 = arith.index_cast %scan3A_172 : i32 to index
      %swap3A_657 = arith.constant 880 : index
      %swap3A_658 = tpu.vector_load %arg6[%swap3A_656, %swap3A_657] {strides = array<i32>} : memref<64x1024xf32, #tpu.memory_space<vmem>>, vector<16xf32>,
      tpu.vector_store %arg6[%swap3A_656, %swap3A_657], %get3A_607 {strides = array<i32>} : memref<64x1024xf32, #tpu.memory_space<vmem>>, vector<16xf32>,
      %sub3A_659 = arith.constant 31 : i32
      %sub3A_660 = arith.subi %add3A_182, %sub3A_659 : i32
      %get3A_661 = arith.index_cast %sub3A_660 : i32 to index
      %get3A_662 = arith.index_cast %sub3A_174 : i32 to index
      %get3A_663 = tpu.vector_load %arg5[%get3A_661, %get3A_662] {strides = array<i32>} : memref<63x64xf32, #tpu.memory_space<vmem>>, vector<16xf32>,
      %swap3A_664 = arith.index_cast %scan3A_172 : i32 to index
      %swap3A_665 = arith.constant 896 : index
      %swap3A_666 = tpu.vector_load %arg6[%swap3A_664, %swap3A_665] {strides = array<i32>} : memref<64x1024xf32, #tpu.memory_space<vmem>>, vector<16xf32>,
      tpu.vector_store %arg6[%swap3A_664, %swap3A_665], %get3A_615 {strides = array<i32>} : memref<64x1024xf32, #tpu.memory_space<vmem>>, vector<16xf32>,
      %sub3A_667 = arith.constant 31 : i32
      %sub3A_668 = arith.subi %add3A_182, %sub3A_667 : i32
      %get3A_669 = arith.index_cast %sub3A_668 : i32 to index
      %get3A_670 = arith.index_cast %sub3A_176 : i32 to index
      %get3A_671 = tpu.vector_load %arg5[%get3A_669, %get3A_670] {strides = array<i32>} : memref<63x64xf32, #tpu.memory_space<vmem>>, vector<16xf32>,
      %swap3A_672 = arith.index_cast %scan3A_172 : i32 to index
      %swap3A_673 = arith.constant 912 : index
      %swap3A_674 = tpu.vector_load %arg6[%swap3A_672, %swap3A_673] {strides = array<i32>} : memref<64x1024xf32, #tpu.memory_space<vmem>>, vector<16xf32>,
      tpu.vector_store %arg6[%swap3A_672, %swap3A_673], %get3A_623 {strides = array<i32>} : memref<64x1024xf32, #tpu.memory_space<vmem>>, vector<16xf32>,
      %swap3A_675 = arith.index_cast %scan3A_172 : i32 to index
      %swap3A_676 = arith.constant 928 : index
      %swap3A_677 = tpu.vector_load %arg6[%swap3A_675, %swap3A_676] {strides = array<i32>} : memref<64x1024xf32, #tpu.memory_space<vmem>>, vector<16xf32>,
      tpu.vector_store %arg6[%swap3A_675, %swap3A_676], %get3A_631 {strides = array<i32>} : memref<64x1024xf32, #tpu.memory_space<vmem>>, vector<16xf32>,
      %swap3A_678 = arith.index_cast %scan3A_172 : i32 to index
      %swap3A_679 = arith.constant 944 : index
      %swap3A_680 = tpu.vector_load %arg6[%swap3A_678, %swap3A_679] {strides = array<i32>} : memref<64x1024xf32, #tpu.memory_space<vmem>>, vector<16xf32>,
      tpu.vector_store %arg6[%swap3A_678, %swap3A_679], %get3A_639 {strides = array<i32>} : memref<64x1024xf32, #tpu.memory_space<vmem>>, vector<16xf32>,
      %swap3A_681 = arith.index_cast %scan3A_172 : i32 to index
      %swap3A_682 = arith.constant 960 : index
      %swap3A_683 = tpu.vector_load %arg6[%swap3A_681, %swap3A_682] {strides = array<i32>} : memref<64x1024xf32, #tpu.memory_space<vmem>>, vector<16xf32>,
      tpu.vector_store %arg6[%swap3A_681, %swap3A_682], %get3A_647 {strides = array<i32>} : memref<64x1024xf32, #tpu.memory_space<vmem>>, vector<16xf32>,
      %swap3A_684 = arith.index_cast %scan3A_172 : i32 to index
      %swap3A_685 = arith.constant 976 : index
      %swap3A_686 = tpu.vector_load %arg6[%swap3A_684, %swap3A_685] {strides = array<i32>} : memref<64x1024xf32, #tpu.memory_space<vmem>>, vector<16xf32>,
      tpu.vector_store %arg6[%swap3A_684, %swap3A_685], %get3A_655 {strides = array<i32>} : memref<64x1024xf32, #tpu.memory_space<vmem>>, vector<16xf32>,
      %swap3A_687 = arith.index_cast %scan3A_172 : i32 to index
      %swap3A_688 = arith.constant 992 : index
      %swap3A_689 = tpu.vector_load %arg6[%swap3A_687, %swap3A_688] {strides = array<i32>} : memref<64x1024xf32, #tpu.memory_space<vmem>>, vector<16xf32>,
      tpu.vector_store %arg6[%swap3A_687, %swap3A_688], %get3A_663 {strides = array<i32>} : memref<64x1024xf32, #tpu.memory_space<vmem>>, vector<16xf32>,
      %swap3A_690 = arith.index_cast %scan3A_172 : i32 to index
      %swap3A_691 = arith.constant 1008 : index
      %swap3A_692 = tpu.vector_load %arg6[%swap3A_690, %swap3A_691] {strides = array<i32>} : memref<64x1024xf32, #tpu.memory_space<vmem>>, vector<16xf32>,
      tpu.vector_store %arg6[%swap3A_690, %swap3A_691], %get3A_671 {strides = array<i32>} : memref<64x1024xf32, #tpu.memory_space<vmem>>, vector<16xf32>,
    }
    %scan3A_79 = arith.constant 16 : i32
    %mul3A_80 = arith.constant 64 : i32
    %mul3A_81 = arith.muli %add3A, %mul3A_80 : i32
    %add3A_82 = arith.constant 16 : i32
    %add3A_83 = arith.addi %mul3A_81, %add3A_82 : i32
    %dma_start3A_84 = arith.constant 16 : i32
    %dma_start3A_85 = arith.constant 0 : i32
    %dma_start3A_86 = tpu.memref_slice %arg6[%dma_start3A_84, %dma_start3A_85] : memref<64x1024xf32, #tpu.memory_space<vmem>> -> memref<16x1024xf32, #tpu.memory_space<vmem>>
    %dma_start3A_87 = arith.constant 0 : i32
    %dma_start3A_88 = tpu.memref_slice %arg3[%add3A_83, %dma_start3A_87] : memref<1024x1024xf32, #tpu.memory_space<hbm>> -> memref<16x1024xf32, #tpu.memory_space<hbm>>
    %dma_start3A_89 = arith.constant 0 : i32
    %dma_start3A_90 = tpu.memref_slice %arg3[%add3A_83, %dma_start3A_89] : memref<1024x1024xf32, #tpu.memory_space<hbm>> -> memref<16x1024xf32, #tpu.memory_space<hbm>>
    %dma_start3A_91 = arith.constant 16 : i32
    %dma_start3A_92 = arith.constant 0 : i32
    %dma_start3A_93 = tpu.memref_slice %arg6[%dma_start3A_91, %dma_start3A_92] : memref<64x1024xf32, #tpu.memory_space<vmem>> -> memref<16x1024xf32, #tpu.memory_space<vmem>>
    tpu.enqueue_dma source(%dma_start3A_93 : memref<16x1024xf32, #tpu.memory_space<vmem>>) target(%dma_start3A_90 : memref<16x1024xf32, #tpu.memory_space<hbm>>) target_semaphore(%arg7 : memref<!tpu.dma_semaphore, #tpu.memory_space<semaphore_mem>>)
    %scan3A_94 = arith.constant 32 : i32
    %scan3A_95 = arith.constant 16 : i32
    %scan3A_96 = arith.addi %scan3A_94, %scan3A_95 : i32
    %scan3A_97 = arith.constant 1 : i32
    scf.for %scan3A_172 = %scan3A_94 to %scan3A_96 step %scan3A_97  : i32 {
      %and3A = arith.constant 31 : i32
      %and3A_173 = arith.andi %scan3A_172, %and3A : i32
      %sub3A = arith.constant 31 : i32
      %sub3A_174 = arith.subi %sub3A, %and3A_173 : i32
      %sub3A_175 = arith.constant 47 : i32
      %sub3A_176 = arith.subi %sub3A_175, %and3A_173 : i32
      %mul3A_177 = arith.constant 2 : i32
      %mul3A_178 = arith.muli %mul3A_177, %add3A : i32
      %add3A_179 = arith.constant 31 : i32
      %add3A_180 = arith.addi %add3A_179, %mul3A_178 : i32
      %shift_right_arithmetic3A = arith.constant 5 : i32
      %shift_right_arithmetic3A_181 = arith.shrsi %scan3A_172, %shift_right_arithmetic3A : i32
      %add3A_182 = arith.addi %add3A_180, %shift_right_arithmetic3A_181 : i32
      %sub3A_183 = arith.constant 0 : i32
      %sub3A_184 = arith.subi %add3A_182, %sub3A_183 : i32
      %get3A = arith.index_cast %sub3A_184 : i32 to index
      %get3A_185 = arith.index_cast %sub3A_174 : i32 to index
      %get3A_186 = tpu.vector_load %arg5[%get3A, %get3A_185] {strides = array<i32>} : memref<63x64xf32, #tpu.memory_space<vmem>>, vector<16xf32>,
      %sub3A_187 = arith.constant 0 : i32
      %sub3A_188 = arith.subi %add3A_182, %sub3A_187 : i32
      %get3A_189 = arith.index_cast %sub3A_188 : i32 to index
      %get3A_190 = arith.index_cast %sub3A_176 : i32 to index
      %get3A_191 = tpu.vector_load %arg5[%get3A_189, %get3A_190] {strides = array<i32>} : memref<63x64xf32, #tpu.memory_space<vmem>>, vector<16xf32>,
      %sub3A_192 = arith.constant 1 : i32
      %sub3A_193 = arith.subi %add3A_182, %sub3A_192 : i32
      %get3A_194 = arith.index_cast %sub3A_193 : i32 to index
      %get3A_195 = arith.index_cast %sub3A_174 : i32 to index
      %get3A_196 = tpu.vector_load %arg5[%get3A_194, %get3A_195] {strides = array<i32>} : memref<63x64xf32, #tpu.memory_space<vmem>>, vector<16xf32>,
      %sub3A_197 = arith.constant 1 : i32
      %sub3A_198 = arith.subi %add3A_182, %sub3A_197 : i32
      %get3A_199 = arith.index_cast %sub3A_198 : i32 to index
      %get3A_200 = arith.index_cast %sub3A_176 : i32 to index
      %get3A_201 = tpu.vector_load %arg5[%get3A_199, %get3A_200] {strides = array<i32>} : memref<63x64xf32, #tpu.memory_space<vmem>>, vector<16xf32>,
      %sub3A_202 = arith.constant 2 : i32
      %sub3A_203 = arith.subi %add3A_182, %sub3A_202 : i32
      %get3A_204 = arith.index_cast %sub3A_203 : i32 to index
      %get3A_205 = arith.index_cast %sub3A_174 : i32 to index
      %get3A_206 = tpu.vector_load %arg5[%get3A_204, %get3A_205] {strides = array<i32>} : memref<63x64xf32, #tpu.memory_space<vmem>>, vector<16xf32>,
      %sub3A_207 = arith.constant 2 : i32
      %sub3A_208 = arith.subi %add3A_182, %sub3A_207 : i32
      %get3A_209 = arith.index_cast %sub3A_208 : i32 to index
      %get3A_210 = arith.index_cast %sub3A_176 : i32 to index
      %get3A_211 = tpu.vector_load %arg5[%get3A_209, %get3A_210] {strides = array<i32>} : memref<63x64xf32, #tpu.memory_space<vmem>>, vector<16xf32>,
      %sub3A_212 = arith.constant 3 : i32
      %sub3A_213 = arith.subi %add3A_182, %sub3A_212 : i32
      %get3A_214 = arith.index_cast %sub3A_213 : i32 to index
      %get3A_215 = arith.index_cast %sub3A_174 : i32 to index
      %get3A_216 = tpu.vector_load %arg5[%get3A_214, %get3A_215] {strides = array<i32>} : memref<63x64xf32, #tpu.memory_space<vmem>>, vector<16xf32>,
      %swap3A = arith.index_cast %scan3A_172 : i32 to index
      %swap3A_217 = arith.constant 0 : index
      %swap3A_218 = tpu.vector_load %arg6[%swap3A, %swap3A_217] {strides = array<i32>} : memref<64x1024xf32, #tpu.memory_space<vmem>>, vector<16xf32>,
      tpu.vector_store %arg6[%swap3A, %swap3A_217], %get3A_186 {strides = array<i32>} : memref<64x1024xf32, #tpu.memory_space<vmem>>, vector<16xf32>,
      %sub3A_219 = arith.constant 3 : i32
      %sub3A_220 = arith.subi %add3A_182, %sub3A_219 : i32
      %get3A_221 = arith.index_cast %sub3A_220 : i32 to index
      %get3A_222 = arith.index_cast %sub3A_176 : i32 to index
      %get3A_223 = tpu.vector_load %arg5[%get3A_221, %get3A_222] {strides = array<i32>} : memref<63x64xf32, #tpu.memory_space<vmem>>, vector<16xf32>,
      %swap3A_224 = arith.index_cast %scan3A_172 : i32 to index
      %swap3A_225 = arith.constant 16 : index
      %swap3A_226 = tpu.vector_load %arg6[%swap3A_224, %swap3A_225] {strides = array<i32>} : memref<64x1024xf32, #tpu.memory_space<vmem>>, vector<16xf32>,
      tpu.vector_store %arg6[%swap3A_224, %swap3A_225], %get3A_191 {strides = array<i32>} : memref<64x1024xf32, #tpu.memory_space<vmem>>, vector<16xf32>,
      %sub3A_227 = arith.constant 4 : i32
      %sub3A_228 = arith.subi %add3A_182, %sub3A_227 : i32
      %get3A_229 = arith.index_cast %sub3A_228 : i32 to index
      %get3A_230 = arith.index_cast %sub3A_174 : i32 to index
      %get3A_231 = tpu.vector_load %arg5[%get3A_229, %get3A_230] {strides = array<i32>} : memref<63x64xf32, #tpu.memory_space<vmem>>, vector<16xf32>,
      %swap3A_232 = arith.index_cast %scan3A_172 : i32 to index
      %swap3A_233 = arith.constant 32 : index
      %swap3A_234 = tpu.vector_load %arg6[%swap3A_232, %swap3A_233] {strides = array<i32>} : memref<64x1024xf32, #tpu.memory_space<vmem>>, vector<16xf32>,
      tpu.vector_store %arg6[%swap3A_232, %swap3A_233], %get3A_196 {strides = array<i32>} : memref<64x1024xf32, #tpu.memory_space<vmem>>, vector<16xf32>,
      %sub3A_235 = arith.constant 4 : i32
      %sub3A_236 = arith.subi %add3A_182, %sub3A_235 : i32
      %get3A_237 = arith.index_cast %sub3A_236 : i32 to index
      %get3A_238 = arith.index_cast %sub3A_176 : i32 to index
      %get3A_239 = tpu.vector_load %arg5[%get3A_237, %get3A_238] {strides = array<i32>} : memref<63x64xf32, #tpu.memory_space<vmem>>, vector<16xf32>,
      %swap3A_240 = arith.index_cast %scan3A_172 : i32 to index
      %swap3A_241 = arith.constant 48 : index
      %swap3A_242 = tpu.vector_load %arg6[%swap3A_240, %swap3A_241] {strides = array<i32>} : memref<64x1024xf32, #tpu.memory_space<vmem>>, vector<16xf32>,
      tpu.vector_store %arg6[%swap3A_240, %swap3A_241], %get3A_201 {strides = array<i32>} : memref<64x1024xf32, #tpu.memory_space<vmem>>, vector<16xf32>,
      %sub3A_243 = arith.constant 5 : i32
      %sub3A_244 = arith.subi %add3A_182, %sub3A_243 : i32
      %get3A_245 = arith.index_cast %sub3A_244 : i32 to index
      %get3A_246 = arith.index_cast %sub3A_174 : i32 to index
      %get3A_247 = tpu.vector_load %arg5[%get3A_245, %get3A_246] {strides = array<i32>} : memref<63x64xf32, #tpu.memory_space<vmem>>, vector<16xf32>,
      %swap3A_248 = arith.index_cast %scan3A_172 : i32 to index
      %swap3A_249 = arith.constant 64 : index
      %swap3A_250 = tpu.vector_load %arg6[%swap3A_248, %swap3A_249] {strides = array<i32>} : memref<64x1024xf32, #tpu.memory_space<vmem>>, vector<16xf32>,
      tpu.vector_store %arg6[%swap3A_248, %swap3A_249], %get3A_206 {strides = array<i32>} : memref<64x1024xf32, #tpu.memory_space<vmem>>, vector<16xf32>,
      %sub3A_251 = arith.constant 5 : i32
      %sub3A_252 = arith.subi %add3A_182, %sub3A_251 : i32
      %get3A_253 = arith.index_cast %sub3A_252 : i32 to index
      %get3A_254 = arith.index_cast %sub3A_176 : i32 to index
      %get3A_255 = tpu.vector_load %arg5[%get3A_253, %get3A_254] {strides = array<i32>} : memref<63x64xf32, #tpu.memory_space<vmem>>, vector<16xf32>,
      %swap3A_256 = arith.index_cast %scan3A_172 : i32 to index
      %swap3A_257 = arith.constant 80 : index
      %swap3A_258 = tpu.vector_load %arg6[%swap3A_256, %swap3A_257] {strides = array<i32>} : memref<64x1024xf32, #tpu.memory_space<vmem>>, vector<16xf32>,
      tpu.vector_store %arg6[%swap3A_256, %swap3A_257], %get3A_211 {strides = array<i32>} : memref<64x1024xf32, #tpu.memory_space<vmem>>, vector<16xf32>,
      %sub3A_259 = arith.constant 6 : i32
      %sub3A_260 = arith.subi %add3A_182, %sub3A_259 : i32
      %get3A_261 = arith.index_cast %sub3A_260 : i32 to index
      %get3A_262 = arith.index_cast %sub3A_174 : i32 to index
      %get3A_263 = tpu.vector_load %arg5[%get3A_261, %get3A_262] {strides = array<i32>} : memref<63x64xf32, #tpu.memory_space<vmem>>, vector<16xf32>,
      %swap3A_264 = arith.index_cast %scan3A_172 : i32 to index
      %swap3A_265 = arith.constant 96 : index
      %swap3A_266 = tpu.vector_load %arg6[%swap3A_264, %swap3A_265] {strides = array<i32>} : memref<64x1024xf32, #tpu.memory_space<vmem>>, vector<16xf32>,
      tpu.vector_store %arg6[%swap3A_264, %swap3A_265], %get3A_216 {strides = array<i32>} : memref<64x1024xf32, #tpu.memory_space<vmem>>, vector<16xf32>,
      %sub3A_267 = arith.constant 6 : i32
      %sub3A_268 = arith.subi %add3A_182, %sub3A_267 : i32
      %get3A_269 = arith.index_cast %sub3A_268 : i32 to index
      %get3A_270 = arith.index_cast %sub3A_176 : i32 to index
      %get3A_271 = tpu.vector_load %arg5[%get3A_269, %get3A_270] {strides = array<i32>} : memref<63x64xf32, #tpu.memory_space<vmem>>, vector<16xf32>,
      %swap3A_272 = arith.index_cast %scan3A_172 : i32 to index
      %swap3A_273 = arith.constant 112 : index
      %swap3A_274 = tpu.vector_load %arg6[%swap3A_272, %swap3A_273] {strides = array<i32>} : memref<64x1024xf32, #tpu.memory_space<vmem>>, vector<16xf32>,
      tpu.vector_store %arg6[%swap3A_272, %swap3A_273], %get3A_223 {strides = array<i32>} : memref<64x1024xf32, #tpu.memory_space<vmem>>, vector<16xf32>,
      %sub3A_275 = arith.constant 7 : i32
      %sub3A_276 = arith.subi %add3A_182, %sub3A_275 : i32
      %get3A_277 = arith.index_cast %sub3A_276 : i32 to index
      %get3A_278 = arith.index_cast %sub3A_174 : i32 to index
      %get3A_279 = tpu.vector_load %arg5[%get3A_277, %get3A_278] {strides = array<i32>} : memref<63x64xf32, #tpu.memory_space<vmem>>, vector<16xf32>,
      %swap3A_280 = arith.index_cast %scan3A_172 : i32 to index
      %swap3A_281 = arith.constant 128 : index
      %swap3A_282 = tpu.vector_load %arg6[%swap3A_280, %swap3A_281] {strides = array<i32>} : memref<64x1024xf32, #tpu.memory_space<vmem>>, vector<16xf32>,
      tpu.vector_store %arg6[%swap3A_280, %swap3A_281], %get3A_231 {strides = array<i32>} : memref<64x1024xf32, #tpu.memory_space<vmem>>, vector<16xf32>,
      %sub3A_283 = arith.constant 7 : i32
      %sub3A_284 = arith.subi %add3A_182, %sub3A_283 : i32
      %get3A_285 = arith.index_cast %sub3A_284 : i32 to index
      %get3A_286 = arith.index_cast %sub3A_176 : i32 to index
      %get3A_287 = tpu.vector_load %arg5[%get3A_285, %get3A_286] {strides = array<i32>} : memref<63x64xf32, #tpu.memory_space<vmem>>, vector<16xf32>,
      %swap3A_288 = arith.index_cast %scan3A_172 : i32 to index
      %swap3A_289 = arith.constant 144 : index
      %swap3A_290 = tpu.vector_load %arg6[%swap3A_288, %swap3A_289] {strides = array<i32>} : memref<64x1024xf32, #tpu.memory_space<vmem>>, vector<16xf32>,
      tpu.vector_store %arg6[%swap3A_288, %swap3A_289], %get3A_239 {strides = array<i32>} : memref<64x1024xf32, #tpu.memory_space<vmem>>, vector<16xf32>,
      %sub3A_291 = arith.constant 8 : i32
      %sub3A_292 = arith.subi %add3A_182, %sub3A_291 : i32
      %get3A_293 = arith.index_cast %sub3A_292 : i32 to index
      %get3A_294 = arith.index_cast %sub3A_174 : i32 to index
      %get3A_295 = tpu.vector_load %arg5[%get3A_293, %get3A_294] {strides = array<i32>} : memref<63x64xf32, #tpu.memory_space<vmem>>, vector<16xf32>,
      %swap3A_296 = arith.index_cast %scan3A_172 : i32 to index
      %swap3A_297 = arith.constant 160 : index
      %swap3A_298 = tpu.vector_load %arg6[%swap3A_296, %swap3A_297] {strides = array<i32>} : memref<64x1024xf32, #tpu.memory_space<vmem>>, vector<16xf32>,
      tpu.vector_store %arg6[%swap3A_296, %swap3A_297], %get3A_247 {strides = array<i32>} : memref<64x1024xf32, #tpu.memory_space<vmem>>, vector<16xf32>,
      %sub3A_299 = arith.constant 8 : i32
      %sub3A_300 = arith.subi %add3A_182, %sub3A_299 : i32
      %get3A_301 = arith.index_cast %sub3A_300 : i32 to index
      %get3A_302 = arith.index_cast %sub3A_176 : i32 to index
      %get3A_303 = tpu.vector_load %arg5[%get3A_301, %get3A_302] {strides = array<i32>} : memref<63x64xf32, #tpu.memory_space<vmem>>, vector<16xf32>,
      %swap3A_304 = arith.index_cast %scan3A_172 : i32 to index
      %swap3A_305 = arith.constant 176 : index
      %swap3A_306 = tpu.vector_load %arg6[%swap3A_304, %swap3A_305] {strides = array<i32>} : memref<64x1024xf32, #tpu.memory_space<vmem>>, vector<16xf32>,
      tpu.vector_store %arg6[%swap3A_304, %swap3A_305], %get3A_255 {strides = array<i32>} : memref<64x1024xf32, #tpu.memory_space<vmem>>, vector<16xf32>,
      %sub3A_307 = arith.constant 9 : i32
      %sub3A_308 = arith.subi %add3A_182, %sub3A_307 : i32
      %get3A_309 = arith.index_cast %sub3A_308 : i32 to index
      %get3A_310 = arith.index_cast %sub3A_174 : i32 to index
      %get3A_311 = tpu.vector_load %arg5[%get3A_309, %get3A_310] {strides = array<i32>} : memref<63x64xf32, #tpu.memory_space<vmem>>, vector<16xf32>,
      %swap3A_312 = arith.index_cast %scan3A_172 : i32 to index
      %swap3A_313 = arith.constant 192 : index
      %swap3A_314 = tpu.vector_load %arg6[%swap3A_312, %swap3A_313] {strides = array<i32>} : memref<64x1024xf32, #tpu.memory_space<vmem>>, vector<16xf32>,
      tpu.vector_store %arg6[%swap3A_312, %swap3A_313], %get3A_263 {strides = array<i32>} : memref<64x1024xf32, #tpu.memory_space<vmem>>, vector<16xf32>,
      %sub3A_315 = arith.constant 9 : i32
      %sub3A_316 = arith.subi %add3A_182, %sub3A_315 : i32
      %get3A_317 = arith.index_cast %sub3A_316 : i32 to index
      %get3A_318 = arith.index_cast %sub3A_176 : i32 to index
      %get3A_319 = tpu.vector_load %arg5[%get3A_317, %get3A_318] {strides = array<i32>} : memref<63x64xf32, #tpu.memory_space<vmem>>, vector<16xf32>,
      %swap3A_320 = arith.index_cast %scan3A_172 : i32 to index
      %swap3A_321 = arith.constant 208 : index
      %swap3A_322 = tpu.vector_load %arg6[%swap3A_320, %swap3A_321] {strides = array<i32>} : memref<64x1024xf32, #tpu.memory_space<vmem>>, vector<16xf32>,
      tpu.vector_store %arg6[%swap3A_320, %swap3A_321], %get3A_271 {strides = array<i32>} : memref<64x1024xf32, #tpu.memory_space<vmem>>, vector<16xf32>,
      %sub3A_323 = arith.constant 10 : i32
      %sub3A_324 = arith.subi %add3A_182, %sub3A_323 : i32
      %get3A_325 = arith.index_cast %sub3A_324 : i32 to index
      %get3A_326 = arith.index_cast %sub3A_174 : i32 to index
      %get3A_327 = tpu.vector_load %arg5[%get3A_325, %get3A_326] {strides = array<i32>} : memref<63x64xf32, #tpu.memory_space<vmem>>, vector<16xf32>,
      %swap3A_328 = arith.index_cast %scan3A_172 : i32 to index
      %swap3A_329 = arith.constant 224 : index
      %swap3A_330 = tpu.vector_load %arg6[%swap3A_328, %swap3A_329] {strides = array<i32>} : memref<64x1024xf32, #tpu.memory_space<vmem>>, vector<16xf32>,
      tpu.vector_store %arg6[%swap3A_328, %swap3A_329], %get3A_279 {strides = array<i32>} : memref<64x1024xf32, #tpu.memory_space<vmem>>, vector<16xf32>,
      %sub3A_331 = arith.constant 10 : i32
      %sub3A_332 = arith.subi %add3A_182, %sub3A_331 : i32
      %get3A_333 = arith.index_cast %sub3A_332 : i32 to index
      %get3A_334 = arith.index_cast %sub3A_176 : i32 to index
      %get3A_335 = tpu.vector_load %arg5[%get3A_333, %get3A_334] {strides = array<i32>} : memref<63x64xf32, #tpu.memory_space<vmem>>, vector<16xf32>,
      %swap3A_336 = arith.index_cast %scan3A_172 : i32 to index
      %swap3A_337 = arith.constant 240 : index
      %swap3A_338 = tpu.vector_load %arg6[%swap3A_336, %swap3A_337] {strides = array<i32>} : memref<64x1024xf32, #tpu.memory_space<vmem>>, vector<16xf32>,
      tpu.vector_store %arg6[%swap3A_336, %swap3A_337], %get3A_287 {strides = array<i32>} : memref<64x1024xf32, #tpu.memory_space<vmem>>, vector<16xf32>,
      %sub3A_339 = arith.constant 11 : i32
      %sub3A_340 = arith.subi %add3A_182, %sub3A_339 : i32
      %get3A_341 = arith.index_cast %sub3A_340 : i32 to index
      %get3A_342 = arith.index_cast %sub3A_174 : i32 to index
      %get3A_343 = tpu.vector_load %arg5[%get3A_341, %get3A_342] {strides = array<i32>} : memref<63x64xf32, #tpu.memory_space<vmem>>, vector<16xf32>,
      %swap3A_344 = arith.index_cast %scan3A_172 : i32 to index
      %swap3A_345 = arith.constant 256 : index
      %swap3A_346 = tpu.vector_load %arg6[%swap3A_344, %swap3A_345] {strides = array<i32>} : memref<64x1024xf32, #tpu.memory_space<vmem>>, vector<16xf32>,
      tpu.vector_store %arg6[%swap3A_344, %swap3A_345], %get3A_295 {strides = array<i32>} : memref<64x1024xf32, #tpu.memory_space<vmem>>, vector<16xf32>,
      %sub3A_347 = arith.constant 11 : i32
      %sub3A_348 = arith.subi %add3A_182, %sub3A_347 : i32
      %get3A_349 = arith.index_cast %sub3A_348 : i32 to index
      %get3A_350 = arith.index_cast %sub3A_176 : i32 to index
      %get3A_351 = tpu.vector_load %arg5[%get3A_349, %get3A_350] {strides = array<i32>} : memref<63x64xf32, #tpu.memory_space<vmem>>, vector<16xf32>,
      %swap3A_352 = arith.index_cast %scan3A_172 : i32 to index
      %swap3A_353 = arith.constant 272 : index
      %swap3A_354 = tpu.vector_load %arg6[%swap3A_352, %swap3A_353] {strides = array<i32>} : memref<64x1024xf32, #tpu.memory_space<vmem>>, vector<16xf32>,
      tpu.vector_store %arg6[%swap3A_352, %swap3A_353], %get3A_303 {strides = array<i32>} : memref<64x1024xf32, #tpu.memory_space<vmem>>, vector<16xf32>,
      %sub3A_355 = arith.constant 12 : i32
      %sub3A_356 = arith.subi %add3A_182, %sub3A_355 : i32
      %get3A_357 = arith.index_cast %sub3A_356 : i32 to index
      %get3A_358 = arith.index_cast %sub3A_174 : i32 to index
      %get3A_359 = tpu.vector_load %arg5[%get3A_357, %get3A_358] {strides = array<i32>} : memref<63x64xf32, #tpu.memory_space<vmem>>, vector<16xf32>,
      %swap3A_360 = arith.index_cast %scan3A_172 : i32 to index
      %swap3A_361 = arith.constant 288 : index
      %swap3A_362 = tpu.vector_load %arg6[%swap3A_360, %swap3A_361] {strides = array<i32>} : memref<64x1024xf32, #tpu.memory_space<vmem>>, vector<16xf32>,
      tpu.vector_store %arg6[%swap3A_360, %swap3A_361], %get3A_311 {strides = array<i32>} : memref<64x1024xf32, #tpu.memory_space<vmem>>, vector<16xf32>,
      %sub3A_363 = arith.constant 12 : i32
      %sub3A_364 = arith.subi %add3A_182, %sub3A_363 : i32
      %get3A_365 = arith.index_cast %sub3A_364 : i32 to index
      %get3A_366 = arith.index_cast %sub3A_176 : i32 to index
      %get3A_367 = tpu.vector_load %arg5[%get3A_365, %get3A_366] {strides = array<i32>} : memref<63x64xf32, #tpu.memory_space<vmem>>, vector<16xf32>,
      %swap3A_368 = arith.index_cast %scan3A_172 : i32 to index
      %swap3A_369 = arith.constant 304 : index
      %swap3A_370 = tpu.vector_load %arg6[%swap3A_368, %swap3A_369] {strides = array<i32>} : memref<64x1024xf32, #tpu.memory_space<vmem>>, vector<16xf32>,
      tpu.vector_store %arg6[%swap3A_368, %swap3A_369], %get3A_319 {strides = array<i32>} : memref<64x1024xf32, #tpu.memory_space<vmem>>, vector<16xf32>,
      %sub3A_371 = arith.constant 13 : i32
      %sub3A_372 = arith.subi %add3A_182, %sub3A_371 : i32
      %get3A_373 = arith.index_cast %sub3A_372 : i32 to index
      %get3A_374 = arith.index_cast %sub3A_174 : i32 to index
      %get3A_375 = tpu.vector_load %arg5[%get3A_373, %get3A_374] {strides = array<i32>} : memref<63x64xf32, #tpu.memory_space<vmem>>, vector<16xf32>,
      %swap3A_376 = arith.index_cast %scan3A_172 : i32 to index
      %swap3A_377 = arith.constant 320 : index
      %swap3A_378 = tpu.vector_load %arg6[%swap3A_376, %swap3A_377] {strides = array<i32>} : memref<64x1024xf32, #tpu.memory_space<vmem>>, vector<16xf32>,
      tpu.vector_store %arg6[%swap3A_376, %swap3A_377], %get3A_327 {strides = array<i32>} : memref<64x1024xf32, #tpu.memory_space<vmem>>, vector<16xf32>,
      %sub3A_379 = arith.constant 13 : i32
      %sub3A_380 = arith.subi %add3A_182, %sub3A_379 : i32
      %get3A_381 = arith.index_cast %sub3A_380 : i32 to index
      %get3A_382 = arith.index_cast %sub3A_176 : i32 to index
      %get3A_383 = tpu.vector_load %arg5[%get3A_381, %get3A_382] {strides = array<i32>} : memref<63x64xf32, #tpu.memory_space<vmem>>, vector<16xf32>,
      %swap3A_384 = arith.index_cast %scan3A_172 : i32 to index
      %swap3A_385 = arith.constant 336 : index
      %swap3A_386 = tpu.vector_load %arg6[%swap3A_384, %swap3A_385] {strides = array<i32>} : memref<64x1024xf32, #tpu.memory_space<vmem>>, vector<16xf32>,
      tpu.vector_store %arg6[%swap3A_384, %swap3A_385], %get3A_335 {strides = array<i32>} : memref<64x1024xf32, #tpu.memory_space<vmem>>, vector<16xf32>,
      %sub3A_387 = arith.constant 14 : i32
      %sub3A_388 = arith.subi %add3A_182, %sub3A_387 : i32
      %get3A_389 = arith.index_cast %sub3A_388 : i32 to index
      %get3A_390 = arith.index_cast %sub3A_174 : i32 to index
      %get3A_391 = tpu.vector_load %arg5[%get3A_389, %get3A_390] {strides = array<i32>} : memref<63x64xf32, #tpu.memory_space<vmem>>, vector<16xf32>,
      %swap3A_392 = arith.index_cast %scan3A_172 : i32 to index
      %swap3A_393 = arith.constant 352 : index
      %swap3A_394 = tpu.vector_load %arg6[%swap3A_392, %swap3A_393] {strides = array<i32>} : memref<64x1024xf32, #tpu.memory_space<vmem>>, vector<16xf32>,
      tpu.vector_store %arg6[%swap3A_392, %swap3A_393], %get3A_343 {strides = array<i32>} : memref<64x1024xf32, #tpu.memory_space<vmem>>, vector<16xf32>,
      %sub3A_395 = arith.constant 14 : i32
      %sub3A_396 = arith.subi %add3A_182, %sub3A_395 : i32
      %get3A_397 = arith.index_cast %sub3A_396 : i32 to index
      %get3A_398 = arith.index_cast %sub3A_176 : i32 to index
      %get3A_399 = tpu.vector_load %arg5[%get3A_397, %get3A_398] {strides = array<i32>} : memref<63x64xf32, #tpu.memory_space<vmem>>, vector<16xf32>,
      %swap3A_400 = arith.index_cast %scan3A_172 : i32 to index
      %swap3A_401 = arith.constant 368 : index
      %swap3A_402 = tpu.vector_load %arg6[%swap3A_400, %swap3A_401] {strides = array<i32>} : memref<64x1024xf32, #tpu.memory_space<vmem>>, vector<16xf32>,
      tpu.vector_store %arg6[%swap3A_400, %swap3A_401], %get3A_351 {strides = array<i32>} : memref<64x1024xf32, #tpu.memory_space<vmem>>, vector<16xf32>,
      %sub3A_403 = arith.constant 15 : i32
      %sub3A_404 = arith.subi %add3A_182, %sub3A_403 : i32
      %get3A_405 = arith.index_cast %sub3A_404 : i32 to index
      %get3A_406 = arith.index_cast %sub3A_174 : i32 to index
      %get3A_407 = tpu.vector_load %arg5[%get3A_405, %get3A_406] {strides = array<i32>} : memref<63x64xf32, #tpu.memory_space<vmem>>, vector<16xf32>,
      %swap3A_408 = arith.index_cast %scan3A_172 : i32 to index
      %swap3A_409 = arith.constant 384 : index
      %swap3A_410 = tpu.vector_load %arg6[%swap3A_408, %swap3A_409] {strides = array<i32>} : memref<64x1024xf32, #tpu.memory_space<vmem>>, vector<16xf32>,
      tpu.vector_store %arg6[%swap3A_408, %swap3A_409], %get3A_359 {strides = array<i32>} : memref<64x1024xf32, #tpu.memory_space<vmem>>, vector<16xf32>,
      %sub3A_411 = arith.constant 15 : i32
      %sub3A_412 = arith.subi %add3A_182, %sub3A_411 : i32
      %get3A_413 = arith.index_cast %sub3A_412 : i32 to index
      %get3A_414 = arith.index_cast %sub3A_176 : i32 to index
      %get3A_415 = tpu.vector_load %arg5[%get3A_413, %get3A_414] {strides = array<i32>} : memref<63x64xf32, #tpu.memory_space<vmem>>, vector<16xf32>,
      %swap3A_416 = arith.index_cast %scan3A_172 : i32 to index
      %swap3A_417 = arith.constant 400 : index
      %swap3A_418 = tpu.vector_load %arg6[%swap3A_416, %swap3A_417] {strides = array<i32>} : memref<64x1024xf32, #tpu.memory_space<vmem>>, vector<16xf32>,
      tpu.vector_store %arg6[%swap3A_416, %swap3A_417], %get3A_367 {strides = array<i32>} : memref<64x1024xf32, #tpu.memory_space<vmem>>, vector<16xf32>,
      %sub3A_419 = arith.constant 16 : i32
      %sub3A_420 = arith.subi %add3A_182, %sub3A_419 : i32
      %get3A_421 = arith.index_cast %sub3A_420 : i32 to index
      %get3A_422 = arith.index_cast %sub3A_174 : i32 to index
      %get3A_423 = tpu.vector_load %arg5[%get3A_421, %get3A_422] {strides = array<i32>} : memref<63x64xf32, #tpu.memory_space<vmem>>, vector<16xf32>,
      %swap3A_424 = arith.index_cast %scan3A_172 : i32 to index
      %swap3A_425 = arith.constant 416 : index
      %swap3A_426 = tpu.vector_load %arg6[%swap3A_424, %swap3A_425] {strides = array<i32>} : memref<64x1024xf32, #tpu.memory_space<vmem>>, vector<16xf32>,
      tpu.vector_store %arg6[%swap3A_424, %swap3A_425], %get3A_375 {strides = array<i32>} : memref<64x1024xf32, #tpu.memory_space<vmem>>, vector<16xf32>,
      %sub3A_427 = arith.constant 16 : i32
      %sub3A_428 = arith.subi %add3A_182, %sub3A_427 : i32
      %get3A_429 = arith.index_cast %sub3A_428 : i32 to index
      %get3A_430 = arith.index_cast %sub3A_176 : i32 to index
      %get3A_431 = tpu.vector_load %arg5[%get3A_429, %get3A_430] {strides = array<i32>} : memref<63x64xf32, #tpu.memory_space<vmem>>, vector<16xf32>,
      %swap3A_432 = arith.index_cast %scan3A_172 : i32 to index
      %swap3A_433 = arith.constant 432 : index
      %swap3A_434 = tpu.vector_load %arg6[%swap3A_432, %swap3A_433] {strides = array<i32>} : memref<64x1024xf32, #tpu.memory_space<vmem>>, vector<16xf32>,
      tpu.vector_store %arg6[%swap3A_432, %swap3A_433], %get3A_383 {strides = array<i32>} : memref<64x1024xf32, #tpu.memory_space<vmem>>, vector<16xf32>,
      %sub3A_435 = arith.constant 17 : i32
      %sub3A_436 = arith.subi %add3A_182, %sub3A_435 : i32
      %get3A_437 = arith.index_cast %sub3A_436 : i32 to index
      %get3A_438 = arith.index_cast %sub3A_174 : i32 to index
      %get3A_439 = tpu.vector_load %arg5[%get3A_437, %get3A_438] {strides = array<i32>} : memref<63x64xf32, #tpu.memory_space<vmem>>, vector<16xf32>,
      %swap3A_440 = arith.index_cast %scan3A_172 : i32 to index
      %swap3A_441 = arith.constant 448 : index
      %swap3A_442 = tpu.vector_load %arg6[%swap3A_440, %swap3A_441] {strides = array<i32>} : memref<64x1024xf32, #tpu.memory_space<vmem>>, vector<16xf32>,
      tpu.vector_store %arg6[%swap3A_440, %swap3A_441], %get3A_391 {strides = array<i32>} : memref<64x1024xf32, #tpu.memory_space<vmem>>, vector<16xf32>,
      %sub3A_443 = arith.constant 17 : i32
      %sub3A_444 = arith.subi %add3A_182, %sub3A_443 : i32
      %get3A_445 = arith.index_cast %sub3A_444 : i32 to index
      %get3A_446 = arith.index_cast %sub3A_176 : i32 to index
      %get3A_447 = tpu.vector_load %arg5[%get3A_445, %get3A_446] {strides = array<i32>} : memref<63x64xf32, #tpu.memory_space<vmem>>, vector<16xf32>,
      %swap3A_448 = arith.index_cast %scan3A_172 : i32 to index
      %swap3A_449 = arith.constant 464 : index
      %swap3A_450 = tpu.vector_load %arg6[%swap3A_448, %swap3A_449] {strides = array<i32>} : memref<64x1024xf32, #tpu.memory_space<vmem>>, vector<16xf32>,
      tpu.vector_store %arg6[%swap3A_448, %swap3A_449], %get3A_399 {strides = array<i32>} : memref<64x1024xf32, #tpu.memory_space<vmem>>, vector<16xf32>,
      %sub3A_451 = arith.constant 18 : i32
      %sub3A_452 = arith.subi %add3A_182, %sub3A_451 : i32
      %get3A_453 = arith.index_cast %sub3A_452 : i32 to index
      %get3A_454 = arith.index_cast %sub3A_174 : i32 to index
      %get3A_455 = tpu.vector_load %arg5[%get3A_453, %get3A_454] {strides = array<i32>} : memref<63x64xf32, #tpu.memory_space<vmem>>, vector<16xf32>,
      %swap3A_456 = arith.index_cast %scan3A_172 : i32 to index
      %swap3A_457 = arith.constant 480 : index
      %swap3A_458 = tpu.vector_load %arg6[%swap3A_456, %swap3A_457] {strides = array<i32>} : memref<64x1024xf32, #tpu.memory_space<vmem>>, vector<16xf32>,
      tpu.vector_store %arg6[%swap3A_456, %swap3A_457], %get3A_407 {strides = array<i32>} : memref<64x1024xf32, #tpu.memory_space<vmem>>, vector<16xf32>,
      %sub3A_459 = arith.constant 18 : i32
      %sub3A_460 = arith.subi %add3A_182, %sub3A_459 : i32
      %get3A_461 = arith.index_cast %sub3A_460 : i32 to index
      %get3A_462 = arith.index_cast %sub3A_176 : i32 to index
      %get3A_463 = tpu.vector_load %arg5[%get3A_461, %get3A_462] {strides = array<i32>} : memref<63x64xf32, #tpu.memory_space<vmem>>, vector<16xf32>,
      %swap3A_464 = arith.index_cast %scan3A_172 : i32 to index
      %swap3A_465 = arith.constant 496 : index
      %swap3A_466 = tpu.vector_load %arg6[%swap3A_464, %swap3A_465] {strides = array<i32>} : memref<64x1024xf32, #tpu.memory_space<vmem>>, vector<16xf32>,
      tpu.vector_store %arg6[%swap3A_464, %swap3A_465], %get3A_415 {strides = array<i32>} : memref<64x1024xf32, #tpu.memory_space<vmem>>, vector<16xf32>,
      %sub3A_467 = arith.constant 19 : i32
      %sub3A_468 = arith.subi %add3A_182, %sub3A_467 : i32
      %get3A_469 = arith.index_cast %sub3A_468 : i32 to index
      %get3A_470 = arith.index_cast %sub3A_174 : i32 to index
      %get3A_471 = tpu.vector_load %arg5[%get3A_469, %get3A_470] {strides = array<i32>} : memref<63x64xf32, #tpu.memory_space<vmem>>, vector<16xf32>,
      %swap3A_472 = arith.index_cast %scan3A_172 : i32 to index
      %swap3A_473 = arith.constant 512 : index
      %swap3A_474 = tpu.vector_load %arg6[%swap3A_472, %swap3A_473] {strides = array<i32>} : memref<64x1024xf32, #tpu.memory_space<vmem>>, vector<16xf32>,
      tpu.vector_store %arg6[%swap3A_472, %swap3A_473], %get3A_423 {strides = array<i32>} : memref<64x1024xf32, #tpu.memory_space<vmem>>, vector<16xf32>,
      %sub3A_475 = arith.constant 19 : i32
      %sub3A_476 = arith.subi %add3A_182, %sub3A_475 : i32
      %get3A_477 = arith.index_cast %sub3A_476 : i32 to index
      %get3A_478 = arith.index_cast %sub3A_176 : i32 to index
      %get3A_479 = tpu.vector_load %arg5[%get3A_477, %get3A_478] {strides = array<i32>} : memref<63x64xf32, #tpu.memory_space<vmem>>, vector<16xf32>,
      %swap3A_480 = arith.index_cast %scan3A_172 : i32 to index
      %swap3A_481 = arith.constant 528 : index
      %swap3A_482 = tpu.vector_load %arg6[%swap3A_480, %swap3A_481] {strides = array<i32>} : memref<64x1024xf32, #tpu.memory_space<vmem>>, vector<16xf32>,
      tpu.vector_store %arg6[%swap3A_480, %swap3A_481], %get3A_431 {strides = array<i32>} : memref<64x1024xf32, #tpu.memory_space<vmem>>, vector<16xf32>,
      %sub3A_483 = arith.constant 20 : i32
      %sub3A_484 = arith.subi %add3A_182, %sub3A_483 : i32
      %get3A_485 = arith.index_cast %sub3A_484 : i32 to index
      %get3A_486 = arith.index_cast %sub3A_174 : i32 to index
      %get3A_487 = tpu.vector_load %arg5[%get3A_485, %get3A_486] {strides = array<i32>} : memref<63x64xf32, #tpu.memory_space<vmem>>, vector<16xf32>,
      %swap3A_488 = arith.index_cast %scan3A_172 : i32 to index
      %swap3A_489 = arith.constant 544 : index
      %swap3A_490 = tpu.vector_load %arg6[%swap3A_488, %swap3A_489] {strides = array<i32>} : memref<64x1024xf32, #tpu.memory_space<vmem>>, vector<16xf32>,
      tpu.vector_store %arg6[%swap3A_488, %swap3A_489], %get3A_439 {strides = array<i32>} : memref<64x1024xf32, #tpu.memory_space<vmem>>, vector<16xf32>,
      %sub3A_491 = arith.constant 20 : i32
      %sub3A_492 = arith.subi %add3A_182, %sub3A_491 : i32
      %get3A_493 = arith.index_cast %sub3A_492 : i32 to index
      %get3A_494 = arith.index_cast %sub3A_176 : i32 to index
      %get3A_495 = tpu.vector_load %arg5[%get3A_493, %get3A_494] {strides = array<i32>} : memref<63x64xf32, #tpu.memory_space<vmem>>, vector<16xf32>,
      %swap3A_496 = arith.index_cast %scan3A_172 : i32 to index
      %swap3A_497 = arith.constant 560 : index
      %swap3A_498 = tpu.vector_load %arg6[%swap3A_496, %swap3A_497] {strides = array<i32>} : memref<64x1024xf32, #tpu.memory_space<vmem>>, vector<16xf32>,
      tpu.vector_store %arg6[%swap3A_496, %swap3A_497], %get3A_447 {strides = array<i32>} : memref<64x1024xf32, #tpu.memory_space<vmem>>, vector<16xf32>,
      %sub3A_499 = arith.constant 21 : i32
      %sub3A_500 = arith.subi %add3A_182, %sub3A_499 : i32
      %get3A_501 = arith.index_cast %sub3A_500 : i32 to index
      %get3A_502 = arith.index_cast %sub3A_174 : i32 to index
      %get3A_503 = tpu.vector_load %arg5[%get3A_501, %get3A_502] {strides = array<i32>} : memref<63x64xf32, #tpu.memory_space<vmem>>, vector<16xf32>,
      %swap3A_504 = arith.index_cast %scan3A_172 : i32 to index
      %swap3A_505 = arith.constant 576 : index
      %swap3A_506 = tpu.vector_load %arg6[%swap3A_504, %swap3A_505] {strides = array<i32>} : memref<64x1024xf32, #tpu.memory_space<vmem>>, vector<16xf32>,
      tpu.vector_store %arg6[%swap3A_504, %swap3A_505], %get3A_455 {strides = array<i32>} : memref<64x1024xf32, #tpu.memory_space<vmem>>, vector<16xf32>,
      %sub3A_507 = arith.constant 21 : i32
      %sub3A_508 = arith.subi %add3A_182, %sub3A_507 : i32
      %get3A_509 = arith.index_cast %sub3A_508 : i32 to index
      %get3A_510 = arith.index_cast %sub3A_176 : i32 to index
      %get3A_511 = tpu.vector_load %arg5[%get3A_509, %get3A_510] {strides = array<i32>} : memref<63x64xf32, #tpu.memory_space<vmem>>, vector<16xf32>,
      %swap3A_512 = arith.index_cast %scan3A_172 : i32 to index
      %swap3A_513 = arith.constant 592 : index
      %swap3A_514 = tpu.vector_load %arg6[%swap3A_512, %swap3A_513] {strides = array<i32>} : memref<64x1024xf32, #tpu.memory_space<vmem>>, vector<16xf32>,
      tpu.vector_store %arg6[%swap3A_512, %swap3A_513], %get3A_463 {strides = array<i32>} : memref<64x1024xf32, #tpu.memory_space<vmem>>, vector<16xf32>,
      %sub3A_515 = arith.constant 22 : i32
      %sub3A_516 = arith.subi %add3A_182, %sub3A_515 : i32
      %get3A_517 = arith.index_cast %sub3A_516 : i32 to index
      %get3A_518 = arith.index_cast %sub3A_174 : i32 to index
      %get3A_519 = tpu.vector_load %arg5[%get3A_517, %get3A_518] {strides = array<i32>} : memref<63x64xf32, #tpu.memory_space<vmem>>, vector<16xf32>,
      %swap3A_520 = arith.index_cast %scan3A_172 : i32 to index
      %swap3A_521 = arith.constant 608 : index
      %swap3A_522 = tpu.vector_load %arg6[%swap3A_520, %swap3A_521] {strides = array<i32>} : memref<64x1024xf32, #tpu.memory_space<vmem>>, vector<16xf32>,
      tpu.vector_store %arg6[%swap3A_520, %swap3A_521], %get3A_471 {strides = array<i32>} : memref<64x1024xf32, #tpu.memory_space<vmem>>, vector<16xf32>,
      %sub3A_523 = arith.constant 22 : i32
      %sub3A_524 = arith.subi %add3A_182, %sub3A_523 : i32
      %get3A_525 = arith.index_cast %sub3A_524 : i32 to index
      %get3A_526 = arith.index_cast %sub3A_176 : i32 to index
      %get3A_527 = tpu.vector_load %arg5[%get3A_525, %get3A_526] {strides = array<i32>} : memref<63x64xf32, #tpu.memory_space<vmem>>, vector<16xf32>,
      %swap3A_528 = arith.index_cast %scan3A_172 : i32 to index
      %swap3A_529 = arith.constant 624 : index
      %swap3A_530 = tpu.vector_load %arg6[%swap3A_528, %swap3A_529] {strides = array<i32>} : memref<64x1024xf32, #tpu.memory_space<vmem>>, vector<16xf32>,
      tpu.vector_store %arg6[%swap3A_528, %swap3A_529], %get3A_479 {strides = array<i32>} : memref<64x1024xf32, #tpu.memory_space<vmem>>, vector<16xf32>,
      %sub3A_531 = arith.constant 23 : i32
      %sub3A_532 = arith.subi %add3A_182, %sub3A_531 : i32
      %get3A_533 = arith.index_cast %sub3A_532 : i32 to index
      %get3A_534 = arith.index_cast %sub3A_174 : i32 to index
      %get3A_535 = tpu.vector_load %arg5[%get3A_533, %get3A_534] {strides = array<i32>} : memref<63x64xf32, #tpu.memory_space<vmem>>, vector<16xf32>,
      %swap3A_536 = arith.index_cast %scan3A_172 : i32 to index
      %swap3A_537 = arith.constant 640 : index
      %swap3A_538 = tpu.vector_load %arg6[%swap3A_536, %swap3A_537] {strides = array<i32>} : memref<64x1024xf32, #tpu.memory_space<vmem>>, vector<16xf32>,
      tpu.vector_store %arg6[%swap3A_536, %swap3A_537], %get3A_487 {strides = array<i32>} : memref<64x1024xf32, #tpu.memory_space<vmem>>, vector<16xf32>,
      %sub3A_539 = arith.constant 23 : i32
      %sub3A_540 = arith.subi %add3A_182, %sub3A_539 : i32
      %get3A_541 = arith.index_cast %sub3A_540 : i32 to index
      %get3A_542 = arith.index_cast %sub3A_176 : i32 to index
      %get3A_543 = tpu.vector_load %arg5[%get3A_541, %get3A_542] {strides = array<i32>} : memref<63x64xf32, #tpu.memory_space<vmem>>, vector<16xf32>,
      %swap3A_544 = arith.index_cast %scan3A_172 : i32 to index
      %swap3A_545 = arith.constant 656 : index
      %swap3A_546 = tpu.vector_load %arg6[%swap3A_544, %swap3A_545] {strides = array<i32>} : memref<64x1024xf32, #tpu.memory_space<vmem>>, vector<16xf32>,
      tpu.vector_store %arg6[%swap3A_544, %swap3A_545], %get3A_495 {strides = array<i32>} : memref<64x1024xf32, #tpu.memory_space<vmem>>, vector<16xf32>,
      %sub3A_547 = arith.constant 24 : i32
      %sub3A_548 = arith.subi %add3A_182, %sub3A_547 : i32
      %get3A_549 = arith.index_cast %sub3A_548 : i32 to index
      %get3A_550 = arith.index_cast %sub3A_174 : i32 to index
      %get3A_551 = tpu.vector_load %arg5[%get3A_549, %get3A_550] {strides = array<i32>} : memref<63x64xf32, #tpu.memory_space<vmem>>, vector<16xf32>,
      %swap3A_552 = arith.index_cast %scan3A_172 : i32 to index
      %swap3A_553 = arith.constant 672 : index
      %swap3A_554 = tpu.vector_load %arg6[%swap3A_552, %swap3A_553] {strides = array<i32>} : memref<64x1024xf32, #tpu.memory_space<vmem>>, vector<16xf32>,
      tpu.vector_store %arg6[%swap3A_552, %swap3A_553], %get3A_503 {strides = array<i32>} : memref<64x1024xf32, #tpu.memory_space<vmem>>, vector<16xf32>,
      %sub3A_555 = arith.constant 24 : i32
      %sub3A_556 = arith.subi %add3A_182, %sub3A_555 : i32
      %get3A_557 = arith.index_cast %sub3A_556 : i32 to index
      %get3A_558 = arith.index_cast %sub3A_176 : i32 to index
      %get3A_559 = tpu.vector_load %arg5[%get3A_557, %get3A_558] {strides = array<i32>} : memref<63x64xf32, #tpu.memory_space<vmem>>, vector<16xf32>,
      %swap3A_560 = arith.index_cast %scan3A_172 : i32 to index
      %swap3A_561 = arith.constant 688 : index
      %swap3A_562 = tpu.vector_load %arg6[%swap3A_560, %swap3A_561] {strides = array<i32>} : memref<64x1024xf32, #tpu.memory_space<vmem>>, vector<16xf32>,
      tpu.vector_store %arg6[%swap3A_560, %swap3A_561], %get3A_511 {strides = array<i32>} : memref<64x1024xf32, #tpu.memory_space<vmem>>, vector<16xf32>,
      %sub3A_563 = arith.constant 25 : i32
      %sub3A_564 = arith.subi %add3A_182, %sub3A_563 : i32
      %get3A_565 = arith.index_cast %sub3A_564 : i32 to index
      %get3A_566 = arith.index_cast %sub3A_174 : i32 to index
      %get3A_567 = tpu.vector_load %arg5[%get3A_565, %get3A_566] {strides = array<i32>} : memref<63x64xf32, #tpu.memory_space<vmem>>, vector<16xf32>,
      %swap3A_568 = arith.index_cast %scan3A_172 : i32 to index
      %swap3A_569 = arith.constant 704 : index
      %swap3A_570 = tpu.vector_load %arg6[%swap3A_568, %swap3A_569] {strides = array<i32>} : memref<64x1024xf32, #tpu.memory_space<vmem>>, vector<16xf32>,
      tpu.vector_store %arg6[%swap3A_568, %swap3A_569], %get3A_519 {strides = array<i32>} : memref<64x1024xf32, #tpu.memory_space<vmem>>, vector<16xf32>,
      %sub3A_571 = arith.constant 25 : i32
      %sub3A_572 = arith.subi %add3A_182, %sub3A_571 : i32
      %get3A_573 = arith.index_cast %sub3A_572 : i32 to index
      %get3A_574 = arith.index_cast %sub3A_176 : i32 to index
      %get3A_575 = tpu.vector_load %arg5[%get3A_573, %get3A_574] {strides = array<i32>} : memref<63x64xf32, #tpu.memory_space<vmem>>, vector<16xf32>,
      %swap3A_576 = arith.index_cast %scan3A_172 : i32 to index
      %swap3A_577 = arith.constant 720 : index
      %swap3A_578 = tpu.vector_load %arg6[%swap3A_576, %swap3A_577] {strides = array<i32>} : memref<64x1024xf32, #tpu.memory_space<vmem>>, vector<16xf32>,
      tpu.vector_store %arg6[%swap3A_576, %swap3A_577], %get3A_527 {strides = array<i32>} : memref<64x1024xf32, #tpu.memory_space<vmem>>, vector<16xf32>,
      %sub3A_579 = arith.constant 26 : i32
      %sub3A_580 = arith.subi %add3A_182, %sub3A_579 : i32
      %get3A_581 = arith.index_cast %sub3A_580 : i32 to index
      %get3A_582 = arith.index_cast %sub3A_174 : i32 to index
      %get3A_583 = tpu.vector_load %arg5[%get3A_581, %get3A_582] {strides = array<i32>} : memref<63x64xf32, #tpu.memory_space<vmem>>, vector<16xf32>,
      %swap3A_584 = arith.index_cast %scan3A_172 : i32 to index
      %swap3A_585 = arith.constant 736 : index
      %swap3A_586 = tpu.vector_load %arg6[%swap3A_584, %swap3A_585] {strides = array<i32>} : memref<64x1024xf32, #tpu.memory_space<vmem>>, vector<16xf32>,
      tpu.vector_store %arg6[%swap3A_584, %swap3A_585], %get3A_535 {strides = array<i32>} : memref<64x1024xf32, #tpu.memory_space<vmem>>, vector<16xf32>,
      %sub3A_587 = arith.constant 26 : i32
      %sub3A_588 = arith.subi %add3A_182, %sub3A_587 : i32
      %get3A_589 = arith.index_cast %sub3A_588 : i32 to index
      %get3A_590 = arith.index_cast %sub3A_176 : i32 to index
      %get3A_591 = tpu.vector_load %arg5[%get3A_589, %get3A_590] {strides = array<i32>} : memref<63x64xf32, #tpu.memory_space<vmem>>, vector<16xf32>,
      %swap3A_592 = arith.index_cast %scan3A_172 : i32 to index
      %swap3A_593 = arith.constant 752 : index
      %swap3A_594 = tpu.vector_load %arg6[%swap3A_592, %swap3A_593] {strides = array<i32>} : memref<64x1024xf32, #tpu.memory_space<vmem>>, vector<16xf32>,
      tpu.vector_store %arg6[%swap3A_592, %swap3A_593], %get3A_543 {strides = array<i32>} : memref<64x1024xf32, #tpu.memory_space<vmem>>, vector<16xf32>,
      %sub3A_595 = arith.constant 27 : i32
      %sub3A_596 = arith.subi %add3A_182, %sub3A_595 : i32
      %get3A_597 = arith.index_cast %sub3A_596 : i32 to index
      %get3A_598 = arith.index_cast %sub3A_174 : i32 to index
      %get3A_599 = tpu.vector_load %arg5[%get3A_597, %get3A_598] {strides = array<i32>} : memref<63x64xf32, #tpu.memory_space<vmem>>, vector<16xf32>,
      %swap3A_600 = arith.index_cast %scan3A_172 : i32 to index
      %swap3A_601 = arith.constant 768 : index
      %swap3A_602 = tpu.vector_load %arg6[%swap3A_600, %swap3A_601] {strides = array<i32>} : memref<64x1024xf32, #tpu.memory_space<vmem>>, vector<16xf32>,
      tpu.vector_store %arg6[%swap3A_600, %swap3A_601], %get3A_551 {strides = array<i32>} : memref<64x1024xf32, #tpu.memory_space<vmem>>, vector<16xf32>,
      %sub3A_603 = arith.constant 27 : i32
      %sub3A_604 = arith.subi %add3A_182, %sub3A_603 : i32
      %get3A_605 = arith.index_cast %sub3A_604 : i32 to index
      %get3A_606 = arith.index_cast %sub3A_176 : i32 to index
      %get3A_607 = tpu.vector_load %arg5[%get3A_605, %get3A_606] {strides = array<i32>} : memref<63x64xf32, #tpu.memory_space<vmem>>, vector<16xf32>,
      %swap3A_608 = arith.index_cast %scan3A_172 : i32 to index
      %swap3A_609 = arith.constant 784 : index
      %swap3A_610 = tpu.vector_load %arg6[%swap3A_608, %swap3A_609] {strides = array<i32>} : memref<64x1024xf32, #tpu.memory_space<vmem>>, vector<16xf32>,
      tpu.vector_store %arg6[%swap3A_608, %swap3A_609], %get3A_559 {strides = array<i32>} : memref<64x1024xf32, #tpu.memory_space<vmem>>, vector<16xf32>,
      %sub3A_611 = arith.constant 28 : i32
      %sub3A_612 = arith.subi %add3A_182, %sub3A_611 : i32
      %get3A_613 = arith.index_cast %sub3A_612 : i32 to index
      %get3A_614 = arith.index_cast %sub3A_174 : i32 to index
      %get3A_615 = tpu.vector_load %arg5[%get3A_613, %get3A_614] {strides = array<i32>} : memref<63x64xf32, #tpu.memory_space<vmem>>, vector<16xf32>,
      %swap3A_616 = arith.index_cast %scan3A_172 : i32 to index
      %swap3A_617 = arith.constant 800 : index
      %swap3A_618 = tpu.vector_load %arg6[%swap3A_616, %swap3A_617] {strides = array<i32>} : memref<64x1024xf32, #tpu.memory_space<vmem>>, vector<16xf32>,
      tpu.vector_store %arg6[%swap3A_616, %swap3A_617], %get3A_567 {strides = array<i32>} : memref<64x1024xf32, #tpu.memory_space<vmem>>, vector<16xf32>,
      %sub3A_619 = arith.constant 28 : i32
      %sub3A_620 = arith.subi %add3A_182, %sub3A_619 : i32
      %get3A_621 = arith.index_cast %sub3A_620 : i32 to index
      %get3A_622 = arith.index_cast %sub3A_176 : i32 to index
      %get3A_623 = tpu.vector_load %arg5[%get3A_621, %get3A_622] {strides = array<i32>} : memref<63x64xf32, #tpu.memory_space<vmem>>, vector<16xf32>,
      %swap3A_624 = arith.index_cast %scan3A_172 : i32 to index
      %swap3A_625 = arith.constant 816 : index
      %swap3A_626 = tpu.vector_load %arg6[%swap3A_624, %swap3A_625] {strides = array<i32>} : memref<64x1024xf32, #tpu.memory_space<vmem>>, vector<16xf32>,
      tpu.vector_store %arg6[%swap3A_624, %swap3A_625], %get3A_575 {strides = array<i32>} : memref<64x1024xf32, #tpu.memory_space<vmem>>, vector<16xf32>,
      %sub3A_627 = arith.constant 29 : i32
      %sub3A_628 = arith.subi %add3A_182, %sub3A_627 : i32
      %get3A_629 = arith.index_cast %sub3A_628 : i32 to index
      %get3A_630 = arith.index_cast %sub3A_174 : i32 to index
      %get3A_631 = tpu.vector_load %arg5[%get3A_629, %get3A_630] {strides = array<i32>} : memref<63x64xf32, #tpu.memory_space<vmem>>, vector<16xf32>,
      %swap3A_632 = arith.index_cast %scan3A_172 : i32 to index
      %swap3A_633 = arith.constant 832 : index
      %swap3A_634 = tpu.vector_load %arg6[%swap3A_632, %swap3A_633] {strides = array<i32>} : memref<64x1024xf32, #tpu.memory_space<vmem>>, vector<16xf32>,
      tpu.vector_store %arg6[%swap3A_632, %swap3A_633], %get3A_583 {strides = array<i32>} : memref<64x1024xf32, #tpu.memory_space<vmem>>, vector<16xf32>,
      %sub3A_635 = arith.constant 29 : i32
      %sub3A_636 = arith.subi %add3A_182, %sub3A_635 : i32
      %get3A_637 = arith.index_cast %sub3A_636 : i32 to index
      %get3A_638 = arith.index_cast %sub3A_176 : i32 to index
      %get3A_639 = tpu.vector_load %arg5[%get3A_637, %get3A_638] {strides = array<i32>} : memref<63x64xf32, #tpu.memory_space<vmem>>, vector<16xf32>,
      %swap3A_640 = arith.index_cast %scan3A_172 : i32 to index
      %swap3A_641 = arith.constant 848 : index
      %swap3A_642 = tpu.vector_load %arg6[%swap3A_640, %swap3A_641] {strides = array<i32>} : memref<64x1024xf32, #tpu.memory_space<vmem>>, vector<16xf32>,
      tpu.vector_store %arg6[%swap3A_640, %swap3A_641], %get3A_591 {strides = array<i32>} : memref<64x1024xf32, #tpu.memory_space<vmem>>, vector<16xf32>,
      %sub3A_643 = arith.constant 30 : i32
      %sub3A_644 = arith.subi %add3A_182, %sub3A_643 : i32
      %get3A_645 = arith.index_cast %sub3A_644 : i32 to index
      %get3A_646 = arith.index_cast %sub3A_174 : i32 to index
      %get3A_647 = tpu.vector_load %arg5[%get3A_645, %get3A_646] {strides = array<i32>} : memref<63x64xf32, #tpu.memory_space<vmem>>, vector<16xf32>,
      %swap3A_648 = arith.index_cast %scan3A_172 : i32 to index
      %swap3A_649 = arith.constant 864 : index
      %swap3A_650 = tpu.vector_load %arg6[%swap3A_648, %swap3A_649] {strides = array<i32>} : memref<64x1024xf32, #tpu.memory_space<vmem>>, vector<16xf32>,
      tpu.vector_store %arg6[%swap3A_648, %swap3A_649], %get3A_599 {strides = array<i32>} : memref<64x1024xf32, #tpu.memory_space<vmem>>, vector<16xf32>,
      %sub3A_651 = arith.constant 30 : i32
      %sub3A_652 = arith.subi %add3A_182, %sub3A_651 : i32
      %get3A_653 = arith.index_cast %sub3A_652 : i32 to index
      %get3A_654 = arith.index_cast %sub3A_176 : i32 to index
      %get3A_655 = tpu.vector_load %arg5[%get3A_653, %get3A_654] {strides = array<i32>} : memref<63x64xf32, #tpu.memory_space<vmem>>, vector<16xf32>,
      %swap3A_656 = arith.index_cast %scan3A_172 : i32 to index
      %swap3A_657 = arith.constant 880 : index
      %swap3A_658 = tpu.vector_load %arg6[%swap3A_656, %swap3A_657] {strides = array<i32>} : memref<64x1024xf32, #tpu.memory_space<vmem>>, vector<16xf32>,
      tpu.vector_store %arg6[%swap3A_656, %swap3A_657], %get3A_607 {strides = array<i32>} : memref<64x1024xf32, #tpu.memory_space<vmem>>, vector<16xf32>,
      %sub3A_659 = arith.constant 31 : i32
      %sub3A_660 = arith.subi %add3A_182, %sub3A_659 : i32
      %get3A_661 = arith.index_cast %sub3A_660 : i32 to index
      %get3A_662 = arith.index_cast %sub3A_174 : i32 to index
      %get3A_663 = tpu.vector_load %arg5[%get3A_661, %get3A_662] {strides = array<i32>} : memref<63x64xf32, #tpu.memory_space<vmem>>, vector<16xf32>,
      %swap3A_664 = arith.index_cast %scan3A_172 : i32 to index
      %swap3A_665 = arith.constant 896 : index
      %swap3A_666 = tpu.vector_load %arg6[%swap3A_664, %swap3A_665] {strides = array<i32>} : memref<64x1024xf32, #tpu.memory_space<vmem>>, vector<16xf32>,
      tpu.vector_store %arg6[%swap3A_664, %swap3A_665], %get3A_615 {strides = array<i32>} : memref<64x1024xf32, #tpu.memory_space<vmem>>, vector<16xf32>,
      %sub3A_667 = arith.constant 31 : i32
      %sub3A_668 = arith.subi %add3A_182, %sub3A_667 : i32
      %get3A_669 = arith.index_cast %sub3A_668 : i32 to index
      %get3A_670 = arith.index_cast %sub3A_176 : i32 to index
      %get3A_671 = tpu.vector_load %arg5[%get3A_669, %get3A_670] {strides = array<i32>} : memref<63x64xf32, #tpu.memory_space<vmem>>, vector<16xf32>,
      %swap3A_672 = arith.index_cast %scan3A_172 : i32 to index
      %swap3A_673 = arith.constant 912 : index
      %swap3A_674 = tpu.vector_load %arg6[%swap3A_672, %swap3A_673] {strides = array<i32>} : memref<64x1024xf32, #tpu.memory_space<vmem>>, vector<16xf32>,
      tpu.vector_store %arg6[%swap3A_672, %swap3A_673], %get3A_623 {strides = array<i32>} : memref<64x1024xf32, #tpu.memory_space<vmem>>, vector<16xf32>,
      %swap3A_675 = arith.index_cast %scan3A_172 : i32 to index
      %swap3A_676 = arith.constant 928 : index
      %swap3A_677 = tpu.vector_load %arg6[%swap3A_675, %swap3A_676] {strides = array<i32>} : memref<64x1024xf32, #tpu.memory_space<vmem>>, vector<16xf32>,
      tpu.vector_store %arg6[%swap3A_675, %swap3A_676], %get3A_631 {strides = array<i32>} : memref<64x1024xf32, #tpu.memory_space<vmem>>, vector<16xf32>,
      %swap3A_678 = arith.index_cast %scan3A_172 : i32 to index
      %swap3A_679 = arith.constant 944 : index
      %swap3A_680 = tpu.vector_load %arg6[%swap3A_678, %swap3A_679] {strides = array<i32>} : memref<64x1024xf32, #tpu.memory_space<vmem>>, vector<16xf32>,
      tpu.vector_store %arg6[%swap3A_678, %swap3A_679], %get3A_639 {strides = array<i32>} : memref<64x1024xf32, #tpu.memory_space<vmem>>, vector<16xf32>,
      %swap3A_681 = arith.index_cast %scan3A_172 : i32 to index
      %swap3A_682 = arith.constant 960 : index
      %swap3A_683 = tpu.vector_load %arg6[%swap3A_681, %swap3A_682] {strides = array<i32>} : memref<64x1024xf32, #tpu.memory_space<vmem>>, vector<16xf32>,
      tpu.vector_store %arg6[%swap3A_681, %swap3A_682], %get3A_647 {strides = array<i32>} : memref<64x1024xf32, #tpu.memory_space<vmem>>, vector<16xf32>,
      %swap3A_684 = arith.index_cast %scan3A_172 : i32 to index
      %swap3A_685 = arith.constant 976 : index
      %swap3A_686 = tpu.vector_load %arg6[%swap3A_684, %swap3A_685] {strides = array<i32>} : memref<64x1024xf32, #tpu.memory_space<vmem>>, vector<16xf32>,
      tpu.vector_store %arg6[%swap3A_684, %swap3A_685], %get3A_655 {strides = array<i32>} : memref<64x1024xf32, #tpu.memory_space<vmem>>, vector<16xf32>,
      %swap3A_687 = arith.index_cast %scan3A_172 : i32 to index
      %swap3A_688 = arith.constant 992 : index
      %swap3A_689 = tpu.vector_load %arg6[%swap3A_687, %swap3A_688] {strides = array<i32>} : memref<64x1024xf32, #tpu.memory_space<vmem>>, vector<16xf32>,
      tpu.vector_store %arg6[%swap3A_687, %swap3A_688], %get3A_663 {strides = array<i32>} : memref<64x1024xf32, #tpu.memory_space<vmem>>, vector<16xf32>,
      %swap3A_690 = arith.index_cast %scan3A_172 : i32 to index
      %swap3A_691 = arith.constant 1008 : index
      %swap3A_692 = tpu.vector_load %arg6[%swap3A_690, %swap3A_691] {strides = array<i32>} : memref<64x1024xf32, #tpu.memory_space<vmem>>, vector<16xf32>,
      tpu.vector_store %arg6[%swap3A_690, %swap3A_691], %get3A_671 {strides = array<i32>} : memref<64x1024xf32, #tpu.memory_space<vmem>>, vector<16xf32>,
    }
    %scan3A_98 = arith.constant 16 : i32
    %mul3A_99 = arith.constant 64 : i32
    %mul3A_100 = arith.muli %add3A, %mul3A_99 : i32
    %add3A_101 = arith.constant 32 : i32
    %add3A_102 = arith.addi %mul3A_100, %add3A_101 : i32
    %dma_start3A_103 = arith.constant 32 : i32
    %dma_start3A_104 = arith.constant 0 : i32
    %dma_start3A_105 = tpu.memref_slice %arg6[%dma_start3A_103, %dma_start3A_104] : memref<64x1024xf32, #tpu.memory_space<vmem>> -> memref<16x1024xf32, #tpu.memory_space<vmem>>
    %dma_start3A_106 = arith.constant 0 : i32
    %dma_start3A_107 = tpu.memref_slice %arg3[%add3A_102, %dma_start3A_106] : memref<1024x1024xf32, #tpu.memory_space<hbm>> -> memref<16x1024xf32, #tpu.memory_space<hbm>>
    %dma_start3A_108 = arith.constant 0 : i32
    %dma_start3A_109 = tpu.memref_slice %arg3[%add3A_102, %dma_start3A_108] : memref<1024x1024xf32, #tpu.memory_space<hbm>> -> memref<16x1024xf32, #tpu.memory_space<hbm>>
    %dma_start3A_110 = arith.constant 32 : i32
    %dma_start3A_111 = arith.constant 0 : i32
    %dma_start3A_112 = tpu.memref_slice %arg6[%dma_start3A_110, %dma_start3A_111] : memref<64x1024xf32, #tpu.memory_space<vmem>> -> memref<16x1024xf32, #tpu.memory_space<vmem>>
    tpu.enqueue_dma source(%dma_start3A_112 : memref<16x1024xf32, #tpu.memory_space<vmem>>) target(%dma_start3A_109 : memref<16x1024xf32, #tpu.memory_space<hbm>>) target_semaphore(%arg7 : memref<!tpu.dma_semaphore, #tpu.memory_space<semaphore_mem>>)
    %scan3A_113 = arith.constant 48 : i32
    %scan3A_114 = arith.constant 16 : i32
    %scan3A_115 = arith.addi %scan3A_113, %scan3A_114 : i32
    %scan3A_116 = arith.constant 1 : i32
    scf.for %scan3A_172 = %scan3A_113 to %scan3A_115 step %scan3A_116  : i32 {
      %and3A = arith.constant 31 : i32
      %and3A_173 = arith.andi %scan3A_172, %and3A : i32
      %sub3A = arith.constant 31 : i32
      %sub3A_174 = arith.subi %sub3A, %and3A_173 : i32
      %sub3A_175 = arith.constant 47 : i32
      %sub3A_176 = arith.subi %sub3A_175, %and3A_173 : i32
      %mul3A_177 = arith.constant 2 : i32
      %mul3A_178 = arith.muli %mul3A_177, %add3A : i32
      %add3A_179 = arith.constant 31 : i32
      %add3A_180 = arith.addi %add3A_179, %mul3A_178 : i32
      %shift_right_arithmetic3A = arith.constant 5 : i32
      %shift_right_arithmetic3A_181 = arith.shrsi %scan3A_172, %shift_right_arithmetic3A : i32
      %add3A_182 = arith.addi %add3A_180, %shift_right_arithmetic3A_181 : i32
      %sub3A_183 = arith.constant 0 : i32
      %sub3A_184 = arith.subi %add3A_182, %sub3A_183 : i32
      %get3A = arith.index_cast %sub3A_184 : i32 to index
      %get3A_185 = arith.index_cast %sub3A_174 : i32 to index
      %get3A_186 = tpu.vector_load %arg5[%get3A, %get3A_185] {strides = array<i32>} : memref<63x64xf32, #tpu.memory_space<vmem>>, vector<16xf32>,
      %sub3A_187 = arith.constant 0 : i32
      %sub3A_188 = arith.subi %add3A_182, %sub3A_187 : i32
      %get3A_189 = arith.index_cast %sub3A_188 : i32 to index
      %get3A_190 = arith.index_cast %sub3A_176 : i32 to index
      %get3A_191 = tpu.vector_load %arg5[%get3A_189, %get3A_190] {strides = array<i32>} : memref<63x64xf32, #tpu.memory_space<vmem>>, vector<16xf32>,
      %sub3A_192 = arith.constant 1 : i32
      %sub3A_193 = arith.subi %add3A_182, %sub3A_192 : i32
      %get3A_194 = arith.index_cast %sub3A_193 : i32 to index
      %get3A_195 = arith.index_cast %sub3A_174 : i32 to index
      %get3A_196 = tpu.vector_load %arg5[%get3A_194, %get3A_195] {strides = array<i32>} : memref<63x64xf32, #tpu.memory_space<vmem>>, vector<16xf32>,
      %sub3A_197 = arith.constant 1 : i32
      %sub3A_198 = arith.subi %add3A_182, %sub3A_197 : i32
      %get3A_199 = arith.index_cast %sub3A_198 : i32 to index
      %get3A_200 = arith.index_cast %sub3A_176 : i32 to index
      %get3A_201 = tpu.vector_load %arg5[%get3A_199, %get3A_200] {strides = array<i32>} : memref<63x64xf32, #tpu.memory_space<vmem>>, vector<16xf32>,
      %sub3A_202 = arith.constant 2 : i32
      %sub3A_203 = arith.subi %add3A_182, %sub3A_202 : i32
      %get3A_204 = arith.index_cast %sub3A_203 : i32 to index
      %get3A_205 = arith.index_cast %sub3A_174 : i32 to index
      %get3A_206 = tpu.vector_load %arg5[%get3A_204, %get3A_205] {strides = array<i32>} : memref<63x64xf32, #tpu.memory_space<vmem>>, vector<16xf32>,
      %sub3A_207 = arith.constant 2 : i32
      %sub3A_208 = arith.subi %add3A_182, %sub3A_207 : i32
      %get3A_209 = arith.index_cast %sub3A_208 : i32 to index
      %get3A_210 = arith.index_cast %sub3A_176 : i32 to index
      %get3A_211 = tpu.vector_load %arg5[%get3A_209, %get3A_210] {strides = array<i32>} : memref<63x64xf32, #tpu.memory_space<vmem>>, vector<16xf32>,
      %sub3A_212 = arith.constant 3 : i32
      %sub3A_213 = arith.subi %add3A_182, %sub3A_212 : i32
      %get3A_214 = arith.index_cast %sub3A_213 : i32 to index
      %get3A_215 = arith.index_cast %sub3A_174 : i32 to index
      %get3A_216 = tpu.vector_load %arg5[%get3A_214, %get3A_215] {strides = array<i32>} : memref<63x64xf32, #tpu.memory_space<vmem>>, vector<16xf32>,
      %swap3A = arith.index_cast %scan3A_172 : i32 to index
      %swap3A_217 = arith.constant 0 : index
      %swap3A_218 = tpu.vector_load %arg6[%swap3A, %swap3A_217] {strides = array<i32>} : memref<64x1024xf32, #tpu.memory_space<vmem>>, vector<16xf32>,
      tpu.vector_store %arg6[%swap3A, %swap3A_217], %get3A_186 {strides = array<i32>} : memref<64x1024xf32, #tpu.memory_space<vmem>>, vector<16xf32>,
      %sub3A_219 = arith.constant 3 : i32
      %sub3A_220 = arith.subi %add3A_182, %sub3A_219 : i32
      %get3A_221 = arith.index_cast %sub3A_220 : i32 to index
      %get3A_222 = arith.index_cast %sub3A_176 : i32 to index
      %get3A_223 = tpu.vector_load %arg5[%get3A_221, %get3A_222] {strides = array<i32>} : memref<63x64xf32, #tpu.memory_space<vmem>>, vector<16xf32>,
      %swap3A_224 = arith.index_cast %scan3A_172 : i32 to index
      %swap3A_225 = arith.constant 16 : index
      %swap3A_226 = tpu.vector_load %arg6[%swap3A_224, %swap3A_225] {strides = array<i32>} : memref<64x1024xf32, #tpu.memory_space<vmem>>, vector<16xf32>,
      tpu.vector_store %arg6[%swap3A_224, %swap3A_225], %get3A_191 {strides = array<i32>} : memref<64x1024xf32, #tpu.memory_space<vmem>>, vector<16xf32>,
      %sub3A_227 = arith.constant 4 : i32
      %sub3A_228 = arith.subi %add3A_182, %sub3A_227 : i32
      %get3A_229 = arith.index_cast %sub3A_228 : i32 to index
      %get3A_230 = arith.index_cast %sub3A_174 : i32 to index
      %get3A_231 = tpu.vector_load %arg5[%get3A_229, %get3A_230] {strides = array<i32>} : memref<63x64xf32, #tpu.memory_space<vmem>>, vector<16xf32>,
      %swap3A_232 = arith.index_cast %scan3A_172 : i32 to index
      %swap3A_233 = arith.constant 32 : index
      %swap3A_234 = tpu.vector_load %arg6[%swap3A_232, %swap3A_233] {strides = array<i32>} : memref<64x1024xf32, #tpu.memory_space<vmem>>, vector<16xf32>,
      tpu.vector_store %arg6[%swap3A_232, %swap3A_233], %get3A_196 {strides = array<i32>} : memref<64x1024xf32, #tpu.memory_space<vmem>>, vector<16xf32>,
      %sub3A_235 = arith.constant 4 : i32
      %sub3A_236 = arith.subi %add3A_182, %sub3A_235 : i32
      %get3A_237 = arith.index_cast %sub3A_236 : i32 to index
      %get3A_238 = arith.index_cast %sub3A_176 : i32 to index
      %get3A_239 = tpu.vector_load %arg5[%get3A_237, %get3A_238] {strides = array<i32>} : memref<63x64xf32, #tpu.memory_space<vmem>>, vector<16xf32>,
      %swap3A_240 = arith.index_cast %scan3A_172 : i32 to index
      %swap3A_241 = arith.constant 48 : index
      %swap3A_242 = tpu.vector_load %arg6[%swap3A_240, %swap3A_241] {strides = array<i32>} : memref<64x1024xf32, #tpu.memory_space<vmem>>, vector<16xf32>,
      tpu.vector_store %arg6[%swap3A_240, %swap3A_241], %get3A_201 {strides = array<i32>} : memref<64x1024xf32, #tpu.memory_space<vmem>>, vector<16xf32>,
      %sub3A_243 = arith.constant 5 : i32
      %sub3A_244 = arith.subi %add3A_182, %sub3A_243 : i32
      %get3A_245 = arith.index_cast %sub3A_244 : i32 to index
      %get3A_246 = arith.index_cast %sub3A_174 : i32 to index
      %get3A_247 = tpu.vector_load %arg5[%get3A_245, %get3A_246] {strides = array<i32>} : memref<63x64xf32, #tpu.memory_space<vmem>>, vector<16xf32>,
      %swap3A_248 = arith.index_cast %scan3A_172 : i32 to index
      %swap3A_249 = arith.constant 64 : index
      %swap3A_250 = tpu.vector_load %arg6[%swap3A_248, %swap3A_249] {strides = array<i32>} : memref<64x1024xf32, #tpu.memory_space<vmem>>, vector<16xf32>,
      tpu.vector_store %arg6[%swap3A_248, %swap3A_249], %get3A_206 {strides = array<i32>} : memref<64x1024xf32, #tpu.memory_space<vmem>>, vector<16xf32>,
      %sub3A_251 = arith.constant 5 : i32
      %sub3A_252 = arith.subi %add3A_182, %sub3A_251 : i32
      %get3A_253 = arith.index_cast %sub3A_252 : i32 to index
      %get3A_254 = arith.index_cast %sub3A_176 : i32 to index
      %get3A_255 = tpu.vector_load %arg5[%get3A_253, %get3A_254] {strides = array<i32>} : memref<63x64xf32, #tpu.memory_space<vmem>>, vector<16xf32>,
      %swap3A_256 = arith.index_cast %scan3A_172 : i32 to index
      %swap3A_257 = arith.constant 80 : index
      %swap3A_258 = tpu.vector_load %arg6[%swap3A_256, %swap3A_257] {strides = array<i32>} : memref<64x1024xf32, #tpu.memory_space<vmem>>, vector<16xf32>,
      tpu.vector_store %arg6[%swap3A_256, %swap3A_257], %get3A_211 {strides = array<i32>} : memref<64x1024xf32, #tpu.memory_space<vmem>>, vector<16xf32>,
      %sub3A_259 = arith.constant 6 : i32
      %sub3A_260 = arith.subi %add3A_182, %sub3A_259 : i32
      %get3A_261 = arith.index_cast %sub3A_260 : i32 to index
      %get3A_262 = arith.index_cast %sub3A_174 : i32 to index
      %get3A_263 = tpu.vector_load %arg5[%get3A_261, %get3A_262] {strides = array<i32>} : memref<63x64xf32, #tpu.memory_space<vmem>>, vector<16xf32>,
      %swap3A_264 = arith.index_cast %scan3A_172 : i32 to index
      %swap3A_265 = arith.constant 96 : index
      %swap3A_266 = tpu.vector_load %arg6[%swap3A_264, %swap3A_265] {strides = array<i32>} : memref<64x1024xf32, #tpu.memory_space<vmem>>, vector<16xf32>,
      tpu.vector_store %arg6[%swap3A_264, %swap3A_265], %get3A_216 {strides = array<i32>} : memref<64x1024xf32, #tpu.memory_space<vmem>>, vector<16xf32>,
      %sub3A_267 = arith.constant 6 : i32
      %sub3A_268 = arith.subi %add3A_182, %sub3A_267 : i32
      %get3A_269 = arith.index_cast %sub3A_268 : i32 to index
      %get3A_270 = arith.index_cast %sub3A_176 : i32 to index
      %get3A_271 = tpu.vector_load %arg5[%get3A_269, %get3A_270] {strides = array<i32>} : memref<63x64xf32, #tpu.memory_space<vmem>>, vector<16xf32>,
      %swap3A_272 = arith.index_cast %scan3A_172 : i32 to index
      %swap3A_273 = arith.constant 112 : index
      %swap3A_274 = tpu.vector_load %arg6[%swap3A_272, %swap3A_273] {strides = array<i32>} : memref<64x1024xf32, #tpu.memory_space<vmem>>, vector<16xf32>,
      tpu.vector_store %arg6[%swap3A_272, %swap3A_273], %get3A_223 {strides = array<i32>} : memref<64x1024xf32, #tpu.memory_space<vmem>>, vector<16xf32>,
      %sub3A_275 = arith.constant 7 : i32
      %sub3A_276 = arith.subi %add3A_182, %sub3A_275 : i32
      %get3A_277 = arith.index_cast %sub3A_276 : i32 to index
      %get3A_278 = arith.index_cast %sub3A_174 : i32 to index
      %get3A_279 = tpu.vector_load %arg5[%get3A_277, %get3A_278] {strides = array<i32>} : memref<63x64xf32, #tpu.memory_space<vmem>>, vector<16xf32>,
      %swap3A_280 = arith.index_cast %scan3A_172 : i32 to index
      %swap3A_281 = arith.constant 128 : index
      %swap3A_282 = tpu.vector_load %arg6[%swap3A_280, %swap3A_281] {strides = array<i32>} : memref<64x1024xf32, #tpu.memory_space<vmem>>, vector<16xf32>,
      tpu.vector_store %arg6[%swap3A_280, %swap3A_281], %get3A_231 {strides = array<i32>} : memref<64x1024xf32, #tpu.memory_space<vmem>>, vector<16xf32>,
      %sub3A_283 = arith.constant 7 : i32
      %sub3A_284 = arith.subi %add3A_182, %sub3A_283 : i32
      %get3A_285 = arith.index_cast %sub3A_284 : i32 to index
      %get3A_286 = arith.index_cast %sub3A_176 : i32 to index
      %get3A_287 = tpu.vector_load %arg5[%get3A_285, %get3A_286] {strides = array<i32>} : memref<63x64xf32, #tpu.memory_space<vmem>>, vector<16xf32>,
      %swap3A_288 = arith.index_cast %scan3A_172 : i32 to index
      %swap3A_289 = arith.constant 144 : index
      %swap3A_290 = tpu.vector_load %arg6[%swap3A_288, %swap3A_289] {strides = array<i32>} : memref<64x1024xf32, #tpu.memory_space<vmem>>, vector<16xf32>,
      tpu.vector_store %arg6[%swap3A_288, %swap3A_289], %get3A_239 {strides = array<i32>} : memref<64x1024xf32, #tpu.memory_space<vmem>>, vector<16xf32>,
      %sub3A_291 = arith.constant 8 : i32
      %sub3A_292 = arith.subi %add3A_182, %sub3A_291 : i32
      %get3A_293 = arith.index_cast %sub3A_292 : i32 to index
      %get3A_294 = arith.index_cast %sub3A_174 : i32 to index
      %get3A_295 = tpu.vector_load %arg5[%get3A_293, %get3A_294] {strides = array<i32>} : memref<63x64xf32, #tpu.memory_space<vmem>>, vector<16xf32>,
      %swap3A_296 = arith.index_cast %scan3A_172 : i32 to index
      %swap3A_297 = arith.constant 160 : index
      %swap3A_298 = tpu.vector_load %arg6[%swap3A_296, %swap3A_297] {strides = array<i32>} : memref<64x1024xf32, #tpu.memory_space<vmem>>, vector<16xf32>,
      tpu.vector_store %arg6[%swap3A_296, %swap3A_297], %get3A_247 {strides = array<i32>} : memref<64x1024xf32, #tpu.memory_space<vmem>>, vector<16xf32>,
      %sub3A_299 = arith.constant 8 : i32
      %sub3A_300 = arith.subi %add3A_182, %sub3A_299 : i32
      %get3A_301 = arith.index_cast %sub3A_300 : i32 to index
      %get3A_302 = arith.index_cast %sub3A_176 : i32 to index
      %get3A_303 = tpu.vector_load %arg5[%get3A_301, %get3A_302] {strides = array<i32>} : memref<63x64xf32, #tpu.memory_space<vmem>>, vector<16xf32>,
      %swap3A_304 = arith.index_cast %scan3A_172 : i32 to index
      %swap3A_305 = arith.constant 176 : index
      %swap3A_306 = tpu.vector_load %arg6[%swap3A_304, %swap3A_305] {strides = array<i32>} : memref<64x1024xf32, #tpu.memory_space<vmem>>, vector<16xf32>,
      tpu.vector_store %arg6[%swap3A_304, %swap3A_305], %get3A_255 {strides = array<i32>} : memref<64x1024xf32, #tpu.memory_space<vmem>>, vector<16xf32>,
      %sub3A_307 = arith.constant 9 : i32
      %sub3A_308 = arith.subi %add3A_182, %sub3A_307 : i32
      %get3A_309 = arith.index_cast %sub3A_308 : i32 to index
      %get3A_310 = arith.index_cast %sub3A_174 : i32 to index
      %get3A_311 = tpu.vector_load %arg5[%get3A_309, %get3A_310] {strides = array<i32>} : memref<63x64xf32, #tpu.memory_space<vmem>>, vector<16xf32>,
      %swap3A_312 = arith.index_cast %scan3A_172 : i32 to index
      %swap3A_313 = arith.constant 192 : index
      %swap3A_314 = tpu.vector_load %arg6[%swap3A_312, %swap3A_313] {strides = array<i32>} : memref<64x1024xf32, #tpu.memory_space<vmem>>, vector<16xf32>,
      tpu.vector_store %arg6[%swap3A_312, %swap3A_313], %get3A_263 {strides = array<i32>} : memref<64x1024xf32, #tpu.memory_space<vmem>>, vector<16xf32>,
      %sub3A_315 = arith.constant 9 : i32
      %sub3A_316 = arith.subi %add3A_182, %sub3A_315 : i32
      %get3A_317 = arith.index_cast %sub3A_316 : i32 to index
      %get3A_318 = arith.index_cast %sub3A_176 : i32 to index
      %get3A_319 = tpu.vector_load %arg5[%get3A_317, %get3A_318] {strides = array<i32>} : memref<63x64xf32, #tpu.memory_space<vmem>>, vector<16xf32>,
      %swap3A_320 = arith.index_cast %scan3A_172 : i32 to index
      %swap3A_321 = arith.constant 208 : index
      %swap3A_322 = tpu.vector_load %arg6[%swap3A_320, %swap3A_321] {strides = array<i32>} : memref<64x1024xf32, #tpu.memory_space<vmem>>, vector<16xf32>,
      tpu.vector_store %arg6[%swap3A_320, %swap3A_321], %get3A_271 {strides = array<i32>} : memref<64x1024xf32, #tpu.memory_space<vmem>>, vector<16xf32>,
      %sub3A_323 = arith.constant 10 : i32
      %sub3A_324 = arith.subi %add3A_182, %sub3A_323 : i32
      %get3A_325 = arith.index_cast %sub3A_324 : i32 to index
      %get3A_326 = arith.index_cast %sub3A_174 : i32 to index
      %get3A_327 = tpu.vector_load %arg5[%get3A_325, %get3A_326] {strides = array<i32>} : memref<63x64xf32, #tpu.memory_space<vmem>>, vector<16xf32>,
      %swap3A_328 = arith.index_cast %scan3A_172 : i32 to index
      %swap3A_329 = arith.constant 224 : index
      %swap3A_330 = tpu.vector_load %arg6[%swap3A_328, %swap3A_329] {strides = array<i32>} : memref<64x1024xf32, #tpu.memory_space<vmem>>, vector<16xf32>,
      tpu.vector_store %arg6[%swap3A_328, %swap3A_329], %get3A_279 {strides = array<i32>} : memref<64x1024xf32, #tpu.memory_space<vmem>>, vector<16xf32>,
      %sub3A_331 = arith.constant 10 : i32
      %sub3A_332 = arith.subi %add3A_182, %sub3A_331 : i32
      %get3A_333 = arith.index_cast %sub3A_332 : i32 to index
      %get3A_334 = arith.index_cast %sub3A_176 : i32 to index
      %get3A_335 = tpu.vector_load %arg5[%get3A_333, %get3A_334] {strides = array<i32>} : memref<63x64xf32, #tpu.memory_space<vmem>>, vector<16xf32>,
      %swap3A_336 = arith.index_cast %scan3A_172 : i32 to index
      %swap3A_337 = arith.constant 240 : index
      %swap3A_338 = tpu.vector_load %arg6[%swap3A_336, %swap3A_337] {strides = array<i32>} : memref<64x1024xf32, #tpu.memory_space<vmem>>, vector<16xf32>,
      tpu.vector_store %arg6[%swap3A_336, %swap3A_337], %get3A_287 {strides = array<i32>} : memref<64x1024xf32, #tpu.memory_space<vmem>>, vector<16xf32>,
      %sub3A_339 = arith.constant 11 : i32
      %sub3A_340 = arith.subi %add3A_182, %sub3A_339 : i32
      %get3A_341 = arith.index_cast %sub3A_340 : i32 to index
      %get3A_342 = arith.index_cast %sub3A_174 : i32 to index
      %get3A_343 = tpu.vector_load %arg5[%get3A_341, %get3A_342] {strides = array<i32>} : memref<63x64xf32, #tpu.memory_space<vmem>>, vector<16xf32>,
      %swap3A_344 = arith.index_cast %scan3A_172 : i32 to index
      %swap3A_345 = arith.constant 256 : index
      %swap3A_346 = tpu.vector_load %arg6[%swap3A_344, %swap3A_345] {strides = array<i32>} : memref<64x1024xf32, #tpu.memory_space<vmem>>, vector<16xf32>,
      tpu.vector_store %arg6[%swap3A_344, %swap3A_345], %get3A_295 {strides = array<i32>} : memref<64x1024xf32, #tpu.memory_space<vmem>>, vector<16xf32>,
      %sub3A_347 = arith.constant 11 : i32
      %sub3A_348 = arith.subi %add3A_182, %sub3A_347 : i32
      %get3A_349 = arith.index_cast %sub3A_348 : i32 to index
      %get3A_350 = arith.index_cast %sub3A_176 : i32 to index
      %get3A_351 = tpu.vector_load %arg5[%get3A_349, %get3A_350] {strides = array<i32>} : memref<63x64xf32, #tpu.memory_space<vmem>>, vector<16xf32>,
      %swap3A_352 = arith.index_cast %scan3A_172 : i32 to index
      %swap3A_353 = arith.constant 272 : index
      %swap3A_354 = tpu.vector_load %arg6[%swap3A_352, %swap3A_353] {strides = array<i32>} : memref<64x1024xf32, #tpu.memory_space<vmem>>, vector<16xf32>,
      tpu.vector_store %arg6[%swap3A_352, %swap3A_353], %get3A_303 {strides = array<i32>} : memref<64x1024xf32, #tpu.memory_space<vmem>>, vector<16xf32>,
      %sub3A_355 = arith.constant 12 : i32
      %sub3A_356 = arith.subi %add3A_182, %sub3A_355 : i32
      %get3A_357 = arith.index_cast %sub3A_356 : i32 to index
      %get3A_358 = arith.index_cast %sub3A_174 : i32 to index
      %get3A_359 = tpu.vector_load %arg5[%get3A_357, %get3A_358] {strides = array<i32>} : memref<63x64xf32, #tpu.memory_space<vmem>>, vector<16xf32>,
      %swap3A_360 = arith.index_cast %scan3A_172 : i32 to index
      %swap3A_361 = arith.constant 288 : index
      %swap3A_362 = tpu.vector_load %arg6[%swap3A_360, %swap3A_361] {strides = array<i32>} : memref<64x1024xf32, #tpu.memory_space<vmem>>, vector<16xf32>,
      tpu.vector_store %arg6[%swap3A_360, %swap3A_361], %get3A_311 {strides = array<i32>} : memref<64x1024xf32, #tpu.memory_space<vmem>>, vector<16xf32>,
      %sub3A_363 = arith.constant 12 : i32
      %sub3A_364 = arith.subi %add3A_182, %sub3A_363 : i32
      %get3A_365 = arith.index_cast %sub3A_364 : i32 to index
      %get3A_366 = arith.index_cast %sub3A_176 : i32 to index
      %get3A_367 = tpu.vector_load %arg5[%get3A_365, %get3A_366] {strides = array<i32>} : memref<63x64xf32, #tpu.memory_space<vmem>>, vector<16xf32>,
      %swap3A_368 = arith.index_cast %scan3A_172 : i32 to index
      %swap3A_369 = arith.constant 304 : index
      %swap3A_370 = tpu.vector_load %arg6[%swap3A_368, %swap3A_369] {strides = array<i32>} : memref<64x1024xf32, #tpu.memory_space<vmem>>, vector<16xf32>,
      tpu.vector_store %arg6[%swap3A_368, %swap3A_369], %get3A_319 {strides = array<i32>} : memref<64x1024xf32, #tpu.memory_space<vmem>>, vector<16xf32>,
      %sub3A_371 = arith.constant 13 : i32
      %sub3A_372 = arith.subi %add3A_182, %sub3A_371 : i32
      %get3A_373 = arith.index_cast %sub3A_372 : i32 to index
      %get3A_374 = arith.index_cast %sub3A_174 : i32 to index
      %get3A_375 = tpu.vector_load %arg5[%get3A_373, %get3A_374] {strides = array<i32>} : memref<63x64xf32, #tpu.memory_space<vmem>>, vector<16xf32>,
      %swap3A_376 = arith.index_cast %scan3A_172 : i32 to index
      %swap3A_377 = arith.constant 320 : index
      %swap3A_378 = tpu.vector_load %arg6[%swap3A_376, %swap3A_377] {strides = array<i32>} : memref<64x1024xf32, #tpu.memory_space<vmem>>, vector<16xf32>,
      tpu.vector_store %arg6[%swap3A_376, %swap3A_377], %get3A_327 {strides = array<i32>} : memref<64x1024xf32, #tpu.memory_space<vmem>>, vector<16xf32>,
      %sub3A_379 = arith.constant 13 : i32
      %sub3A_380 = arith.subi %add3A_182, %sub3A_379 : i32
      %get3A_381 = arith.index_cast %sub3A_380 : i32 to index
      %get3A_382 = arith.index_cast %sub3A_176 : i32 to index
      %get3A_383 = tpu.vector_load %arg5[%get3A_381, %get3A_382] {strides = array<i32>} : memref<63x64xf32, #tpu.memory_space<vmem>>, vector<16xf32>,
      %swap3A_384 = arith.index_cast %scan3A_172 : i32 to index
      %swap3A_385 = arith.constant 336 : index
      %swap3A_386 = tpu.vector_load %arg6[%swap3A_384, %swap3A_385] {strides = array<i32>} : memref<64x1024xf32, #tpu.memory_space<vmem>>, vector<16xf32>,
      tpu.vector_store %arg6[%swap3A_384, %swap3A_385], %get3A_335 {strides = array<i32>} : memref<64x1024xf32, #tpu.memory_space<vmem>>, vector<16xf32>,
      %sub3A_387 = arith.constant 14 : i32
      %sub3A_388 = arith.subi %add3A_182, %sub3A_387 : i32
      %get3A_389 = arith.index_cast %sub3A_388 : i32 to index
      %get3A_390 = arith.index_cast %sub3A_174 : i32 to index
      %get3A_391 = tpu.vector_load %arg5[%get3A_389, %get3A_390] {strides = array<i32>} : memref<63x64xf32, #tpu.memory_space<vmem>>, vector<16xf32>,
      %swap3A_392 = arith.index_cast %scan3A_172 : i32 to index
      %swap3A_393 = arith.constant 352 : index
      %swap3A_394 = tpu.vector_load %arg6[%swap3A_392, %swap3A_393] {strides = array<i32>} : memref<64x1024xf32, #tpu.memory_space<vmem>>, vector<16xf32>,
      tpu.vector_store %arg6[%swap3A_392, %swap3A_393], %get3A_343 {strides = array<i32>} : memref<64x1024xf32, #tpu.memory_space<vmem>>, vector<16xf32>,
      %sub3A_395 = arith.constant 14 : i32
      %sub3A_396 = arith.subi %add3A_182, %sub3A_395 : i32
      %get3A_397 = arith.index_cast %sub3A_396 : i32 to index
      %get3A_398 = arith.index_cast %sub3A_176 : i32 to index
      %get3A_399 = tpu.vector_load %arg5[%get3A_397, %get3A_398] {strides = array<i32>} : memref<63x64xf32, #tpu.memory_space<vmem>>, vector<16xf32>,
      %swap3A_400 = arith.index_cast %scan3A_172 : i32 to index
      %swap3A_401 = arith.constant 368 : index
      %swap3A_402 = tpu.vector_load %arg6[%swap3A_400, %swap3A_401] {strides = array<i32>} : memref<64x1024xf32, #tpu.memory_space<vmem>>, vector<16xf32>,
      tpu.vector_store %arg6[%swap3A_400, %swap3A_401], %get3A_351 {strides = array<i32>} : memref<64x1024xf32, #tpu.memory_space<vmem>>, vector<16xf32>,
      %sub3A_403 = arith.constant 15 : i32
      %sub3A_404 = arith.subi %add3A_182, %sub3A_403 : i32
      %get3A_405 = arith.index_cast %sub3A_404 : i32 to index
      %get3A_406 = arith.index_cast %sub3A_174 : i32 to index
      %get3A_407 = tpu.vector_load %arg5[%get3A_405, %get3A_406] {strides = array<i32>} : memref<63x64xf32, #tpu.memory_space<vmem>>, vector<16xf32>,
      %swap3A_408 = arith.index_cast %scan3A_172 : i32 to index
      %swap3A_409 = arith.constant 384 : index
      %swap3A_410 = tpu.vector_load %arg6[%swap3A_408, %swap3A_409] {strides = array<i32>} : memref<64x1024xf32, #tpu.memory_space<vmem>>, vector<16xf32>,
      tpu.vector_store %arg6[%swap3A_408, %swap3A_409], %get3A_359 {strides = array<i32>} : memref<64x1024xf32, #tpu.memory_space<vmem>>, vector<16xf32>,
      %sub3A_411 = arith.constant 15 : i32
      %sub3A_412 = arith.subi %add3A_182, %sub3A_411 : i32
      %get3A_413 = arith.index_cast %sub3A_412 : i32 to index
      %get3A_414 = arith.index_cast %sub3A_176 : i32 to index
      %get3A_415 = tpu.vector_load %arg5[%get3A_413, %get3A_414] {strides = array<i32>} : memref<63x64xf32, #tpu.memory_space<vmem>>, vector<16xf32>,
      %swap3A_416 = arith.index_cast %scan3A_172 : i32 to index
      %swap3A_417 = arith.constant 400 : index
      %swap3A_418 = tpu.vector_load %arg6[%swap3A_416, %swap3A_417] {strides = array<i32>} : memref<64x1024xf32, #tpu.memory_space<vmem>>, vector<16xf32>,
      tpu.vector_store %arg6[%swap3A_416, %swap3A_417], %get3A_367 {strides = array<i32>} : memref<64x1024xf32, #tpu.memory_space<vmem>>, vector<16xf32>,
      %sub3A_419 = arith.constant 16 : i32
      %sub3A_420 = arith.subi %add3A_182, %sub3A_419 : i32
      %get3A_421 = arith.index_cast %sub3A_420 : i32 to index
      %get3A_422 = arith.index_cast %sub3A_174 : i32 to index
      %get3A_423 = tpu.vector_load %arg5[%get3A_421, %get3A_422] {strides = array<i32>} : memref<63x64xf32, #tpu.memory_space<vmem>>, vector<16xf32>,
      %swap3A_424 = arith.index_cast %scan3A_172 : i32 to index
      %swap3A_425 = arith.constant 416 : index
      %swap3A_426 = tpu.vector_load %arg6[%swap3A_424, %swap3A_425] {strides = array<i32>} : memref<64x1024xf32, #tpu.memory_space<vmem>>, vector<16xf32>,
      tpu.vector_store %arg6[%swap3A_424, %swap3A_425], %get3A_375 {strides = array<i32>} : memref<64x1024xf32, #tpu.memory_space<vmem>>, vector<16xf32>,
      %sub3A_427 = arith.constant 16 : i32
      %sub3A_428 = arith.subi %add3A_182, %sub3A_427 : i32
      %get3A_429 = arith.index_cast %sub3A_428 : i32 to index
      %get3A_430 = arith.index_cast %sub3A_176 : i32 to index
      %get3A_431 = tpu.vector_load %arg5[%get3A_429, %get3A_430] {strides = array<i32>} : memref<63x64xf32, #tpu.memory_space<vmem>>, vector<16xf32>,
      %swap3A_432 = arith.index_cast %scan3A_172 : i32 to index
      %swap3A_433 = arith.constant 432 : index
      %swap3A_434 = tpu.vector_load %arg6[%swap3A_432, %swap3A_433] {strides = array<i32>} : memref<64x1024xf32, #tpu.memory_space<vmem>>, vector<16xf32>,
      tpu.vector_store %arg6[%swap3A_432, %swap3A_433], %get3A_383 {strides = array<i32>} : memref<64x1024xf32, #tpu.memory_space<vmem>>, vector<16xf32>,
      %sub3A_435 = arith.constant 17 : i32
      %sub3A_436 = arith.subi %add3A_182, %sub3A_435 : i32
      %get3A_437 = arith.index_cast %sub3A_436 : i32 to index
      %get3A_438 = arith.index_cast %sub3A_174 : i32 to index
      %get3A_439 = tpu.vector_load %arg5[%get3A_437, %get3A_438] {strides = array<i32>} : memref<63x64xf32, #tpu.memory_space<vmem>>, vector<16xf32>,
      %swap3A_440 = arith.index_cast %scan3A_172 : i32 to index
      %swap3A_441 = arith.constant 448 : index
      %swap3A_442 = tpu.vector_load %arg6[%swap3A_440, %swap3A_441] {strides = array<i32>} : memref<64x1024xf32, #tpu.memory_space<vmem>>, vector<16xf32>,
      tpu.vector_store %arg6[%swap3A_440, %swap3A_441], %get3A_391 {strides = array<i32>} : memref<64x1024xf32, #tpu.memory_space<vmem>>, vector<16xf32>,
      %sub3A_443 = arith.constant 17 : i32
      %sub3A_444 = arith.subi %add3A_182, %sub3A_443 : i32
      %get3A_445 = arith.index_cast %sub3A_444 : i32 to index
      %get3A_446 = arith.index_cast %sub3A_176 : i32 to index
      %get3A_447 = tpu.vector_load %arg5[%get3A_445, %get3A_446] {strides = array<i32>} : memref<63x64xf32, #tpu.memory_space<vmem>>, vector<16xf32>,
      %swap3A_448 = arith.index_cast %scan3A_172 : i32 to index
      %swap3A_449 = arith.constant 464 : index
      %swap3A_450 = tpu.vector_load %arg6[%swap3A_448, %swap3A_449] {strides = array<i32>} : memref<64x1024xf32, #tpu.memory_space<vmem>>, vector<16xf32>,
      tpu.vector_store %arg6[%swap3A_448, %swap3A_449], %get3A_399 {strides = array<i32>} : memref<64x1024xf32, #tpu.memory_space<vmem>>, vector<16xf32>,
      %sub3A_451 = arith.constant 18 : i32
      %sub3A_452 = arith.subi %add3A_182, %sub3A_451 : i32
      %get3A_453 = arith.index_cast %sub3A_452 : i32 to index
      %get3A_454 = arith.index_cast %sub3A_174 : i32 to index
      %get3A_455 = tpu.vector_load %arg5[%get3A_453, %get3A_454] {strides = array<i32>} : memref<63x64xf32, #tpu.memory_space<vmem>>, vector<16xf32>,
      %swap3A_456 = arith.index_cast %scan3A_172 : i32 to index
      %swap3A_457 = arith.constant 480 : index
      %swap3A_458 = tpu.vector_load %arg6[%swap3A_456, %swap3A_457] {strides = array<i32>} : memref<64x1024xf32, #tpu.memory_space<vmem>>, vector<16xf32>,
      tpu.vector_store %arg6[%swap3A_456, %swap3A_457], %get3A_407 {strides = array<i32>} : memref<64x1024xf32, #tpu.memory_space<vmem>>, vector<16xf32>,
      %sub3A_459 = arith.constant 18 : i32
      %sub3A_460 = arith.subi %add3A_182, %sub3A_459 : i32
      %get3A_461 = arith.index_cast %sub3A_460 : i32 to index
      %get3A_462 = arith.index_cast %sub3A_176 : i32 to index
      %get3A_463 = tpu.vector_load %arg5[%get3A_461, %get3A_462] {strides = array<i32>} : memref<63x64xf32, #tpu.memory_space<vmem>>, vector<16xf32>,
      %swap3A_464 = arith.index_cast %scan3A_172 : i32 to index
      %swap3A_465 = arith.constant 496 : index
      %swap3A_466 = tpu.vector_load %arg6[%swap3A_464, %swap3A_465] {strides = array<i32>} : memref<64x1024xf32, #tpu.memory_space<vmem>>, vector<16xf32>,
      tpu.vector_store %arg6[%swap3A_464, %swap3A_465], %get3A_415 {strides = array<i32>} : memref<64x1024xf32, #tpu.memory_space<vmem>>, vector<16xf32>,
      %sub3A_467 = arith.constant 19 : i32
      %sub3A_468 = arith.subi %add3A_182, %sub3A_467 : i32
      %get3A_469 = arith.index_cast %sub3A_468 : i32 to index
      %get3A_470 = arith.index_cast %sub3A_174 : i32 to index
      %get3A_471 = tpu.vector_load %arg5[%get3A_469, %get3A_470] {strides = array<i32>} : memref<63x64xf32, #tpu.memory_space<vmem>>, vector<16xf32>,
      %swap3A_472 = arith.index_cast %scan3A_172 : i32 to index
      %swap3A_473 = arith.constant 512 : index
      %swap3A_474 = tpu.vector_load %arg6[%swap3A_472, %swap3A_473] {strides = array<i32>} : memref<64x1024xf32, #tpu.memory_space<vmem>>, vector<16xf32>,
      tpu.vector_store %arg6[%swap3A_472, %swap3A_473], %get3A_423 {strides = array<i32>} : memref<64x1024xf32, #tpu.memory_space<vmem>>, vector<16xf32>,
      %sub3A_475 = arith.constant 19 : i32
      %sub3A_476 = arith.subi %add3A_182, %sub3A_475 : i32
      %get3A_477 = arith.index_cast %sub3A_476 : i32 to index
      %get3A_478 = arith.index_cast %sub3A_176 : i32 to index
      %get3A_479 = tpu.vector_load %arg5[%get3A_477, %get3A_478] {strides = array<i32>} : memref<63x64xf32, #tpu.memory_space<vmem>>, vector<16xf32>,
      %swap3A_480 = arith.index_cast %scan3A_172 : i32 to index
      %swap3A_481 = arith.constant 528 : index
      %swap3A_482 = tpu.vector_load %arg6[%swap3A_480, %swap3A_481] {strides = array<i32>} : memref<64x1024xf32, #tpu.memory_space<vmem>>, vector<16xf32>,
      tpu.vector_store %arg6[%swap3A_480, %swap3A_481], %get3A_431 {strides = array<i32>} : memref<64x1024xf32, #tpu.memory_space<vmem>>, vector<16xf32>,
      %sub3A_483 = arith.constant 20 : i32
      %sub3A_484 = arith.subi %add3A_182, %sub3A_483 : i32
      %get3A_485 = arith.index_cast %sub3A_484 : i32 to index
      %get3A_486 = arith.index_cast %sub3A_174 : i32 to index
      %get3A_487 = tpu.vector_load %arg5[%get3A_485, %get3A_486] {strides = array<i32>} : memref<63x64xf32, #tpu.memory_space<vmem>>, vector<16xf32>,
      %swap3A_488 = arith.index_cast %scan3A_172 : i32 to index
      %swap3A_489 = arith.constant 544 : index
      %swap3A_490 = tpu.vector_load %arg6[%swap3A_488, %swap3A_489] {strides = array<i32>} : memref<64x1024xf32, #tpu.memory_space<vmem>>, vector<16xf32>,
      tpu.vector_store %arg6[%swap3A_488, %swap3A_489], %get3A_439 {strides = array<i32>} : memref<64x1024xf32, #tpu.memory_space<vmem>>, vector<16xf32>,
      %sub3A_491 = arith.constant 20 : i32
      %sub3A_492 = arith.subi %add3A_182, %sub3A_491 : i32
      %get3A_493 = arith.index_cast %sub3A_492 : i32 to index
      %get3A_494 = arith.index_cast %sub3A_176 : i32 to index
      %get3A_495 = tpu.vector_load %arg5[%get3A_493, %get3A_494] {strides = array<i32>} : memref<63x64xf32, #tpu.memory_space<vmem>>, vector<16xf32>,
      %swap3A_496 = arith.index_cast %scan3A_172 : i32 to index
      %swap3A_497 = arith.constant 560 : index
      %swap3A_498 = tpu.vector_load %arg6[%swap3A_496, %swap3A_497] {strides = array<i32>} : memref<64x1024xf32, #tpu.memory_space<vmem>>, vector<16xf32>,
      tpu.vector_store %arg6[%swap3A_496, %swap3A_497], %get3A_447 {strides = array<i32>} : memref<64x1024xf32, #tpu.memory_space<vmem>>, vector<16xf32>,
      %sub3A_499 = arith.constant 21 : i32
      %sub3A_500 = arith.subi %add3A_182, %sub3A_499 : i32
      %get3A_501 = arith.index_cast %sub3A_500 : i32 to index
      %get3A_502 = arith.index_cast %sub3A_174 : i32 to index
      %get3A_503 = tpu.vector_load %arg5[%get3A_501, %get3A_502] {strides = array<i32>} : memref<63x64xf32, #tpu.memory_space<vmem>>, vector<16xf32>,
      %swap3A_504 = arith.index_cast %scan3A_172 : i32 to index
      %swap3A_505 = arith.constant 576 : index
      %swap3A_506 = tpu.vector_load %arg6[%swap3A_504, %swap3A_505] {strides = array<i32>} : memref<64x1024xf32, #tpu.memory_space<vmem>>, vector<16xf32>,
      tpu.vector_store %arg6[%swap3A_504, %swap3A_505], %get3A_455 {strides = array<i32>} : memref<64x1024xf32, #tpu.memory_space<vmem>>, vector<16xf32>,
      %sub3A_507 = arith.constant 21 : i32
      %sub3A_508 = arith.subi %add3A_182, %sub3A_507 : i32
      %get3A_509 = arith.index_cast %sub3A_508 : i32 to index
      %get3A_510 = arith.index_cast %sub3A_176 : i32 to index
      %get3A_511 = tpu.vector_load %arg5[%get3A_509, %get3A_510] {strides = array<i32>} : memref<63x64xf32, #tpu.memory_space<vmem>>, vector<16xf32>,
      %swap3A_512 = arith.index_cast %scan3A_172 : i32 to index
      %swap3A_513 = arith.constant 592 : index
      %swap3A_514 = tpu.vector_load %arg6[%swap3A_512, %swap3A_513] {strides = array<i32>} : memref<64x1024xf32, #tpu.memory_space<vmem>>, vector<16xf32>,
      tpu.vector_store %arg6[%swap3A_512, %swap3A_513], %get3A_463 {strides = array<i32>} : memref<64x1024xf32, #tpu.memory_space<vmem>>, vector<16xf32>,
      %sub3A_515 = arith.constant 22 : i32
      %sub3A_516 = arith.subi %add3A_182, %sub3A_515 : i32
      %get3A_517 = arith.index_cast %sub3A_516 : i32 to index
      %get3A_518 = arith.index_cast %sub3A_174 : i32 to index
      %get3A_519 = tpu.vector_load %arg5[%get3A_517, %get3A_518] {strides = array<i32>} : memref<63x64xf32, #tpu.memory_space<vmem>>, vector<16xf32>,
      %swap3A_520 = arith.index_cast %scan3A_172 : i32 to index
      %swap3A_521 = arith.constant 608 : index
      %swap3A_522 = tpu.vector_load %arg6[%swap3A_520, %swap3A_521] {strides = array<i32>} : memref<64x1024xf32, #tpu.memory_space<vmem>>, vector<16xf32>,
      tpu.vector_store %arg6[%swap3A_520, %swap3A_521], %get3A_471 {strides = array<i32>} : memref<64x1024xf32, #tpu.memory_space<vmem>>, vector<16xf32>,
      %sub3A_523 = arith.constant 22 : i32
      %sub3A_524 = arith.subi %add3A_182, %sub3A_523 : i32
      %get3A_525 = arith.index_cast %sub3A_524 : i32 to index
      %get3A_526 = arith.index_cast %sub3A_176 : i32 to index
      %get3A_527 = tpu.vector_load %arg5[%get3A_525, %get3A_526] {strides = array<i32>} : memref<63x64xf32, #tpu.memory_space<vmem>>, vector<16xf32>,
      %swap3A_528 = arith.index_cast %scan3A_172 : i32 to index
      %swap3A_529 = arith.constant 624 : index
      %swap3A_530 = tpu.vector_load %arg6[%swap3A_528, %swap3A_529] {strides = array<i32>} : memref<64x1024xf32, #tpu.memory_space<vmem>>, vector<16xf32>,
      tpu.vector_store %arg6[%swap3A_528, %swap3A_529], %get3A_479 {strides = array<i32>} : memref<64x1024xf32, #tpu.memory_space<vmem>>, vector<16xf32>,
      %sub3A_531 = arith.constant 23 : i32
      %sub3A_532 = arith.subi %add3A_182, %sub3A_531 : i32
      %get3A_533 = arith.index_cast %sub3A_532 : i32 to index
      %get3A_534 = arith.index_cast %sub3A_174 : i32 to index
      %get3A_535 = tpu.vector_load %arg5[%get3A_533, %get3A_534] {strides = array<i32>} : memref<63x64xf32, #tpu.memory_space<vmem>>, vector<16xf32>,
      %swap3A_536 = arith.index_cast %scan3A_172 : i32 to index
      %swap3A_537 = arith.constant 640 : index
      %swap3A_538 = tpu.vector_load %arg6[%swap3A_536, %swap3A_537] {strides = array<i32>} : memref<64x1024xf32, #tpu.memory_space<vmem>>, vector<16xf32>,
      tpu.vector_store %arg6[%swap3A_536, %swap3A_537], %get3A_487 {strides = array<i32>} : memref<64x1024xf32, #tpu.memory_space<vmem>>, vector<16xf32>,
      %sub3A_539 = arith.constant 23 : i32
      %sub3A_540 = arith.subi %add3A_182, %sub3A_539 : i32
      %get3A_541 = arith.index_cast %sub3A_540 : i32 to index
      %get3A_542 = arith.index_cast %sub3A_176 : i32 to index
      %get3A_543 = tpu.vector_load %arg5[%get3A_541, %get3A_542] {strides = array<i32>} : memref<63x64xf32, #tpu.memory_space<vmem>>, vector<16xf32>,
      %swap3A_544 = arith.index_cast %scan3A_172 : i32 to index
      %swap3A_545 = arith.constant 656 : index
      %swap3A_546 = tpu.vector_load %arg6[%swap3A_544, %swap3A_545] {strides = array<i32>} : memref<64x1024xf32, #tpu.memory_space<vmem>>, vector<16xf32>,
      tpu.vector_store %arg6[%swap3A_544, %swap3A_545], %get3A_495 {strides = array<i32>} : memref<64x1024xf32, #tpu.memory_space<vmem>>, vector<16xf32>,
      %sub3A_547 = arith.constant 24 : i32
      %sub3A_548 = arith.subi %add3A_182, %sub3A_547 : i32
      %get3A_549 = arith.index_cast %sub3A_548 : i32 to index
      %get3A_550 = arith.index_cast %sub3A_174 : i32 to index
      %get3A_551 = tpu.vector_load %arg5[%get3A_549, %get3A_550] {strides = array<i32>} : memref<63x64xf32, #tpu.memory_space<vmem>>, vector<16xf32>,
      %swap3A_552 = arith.index_cast %scan3A_172 : i32 to index
      %swap3A_553 = arith.constant 672 : index
      %swap3A_554 = tpu.vector_load %arg6[%swap3A_552, %swap3A_553] {strides = array<i32>} : memref<64x1024xf32, #tpu.memory_space<vmem>>, vector<16xf32>,
      tpu.vector_store %arg6[%swap3A_552, %swap3A_553], %get3A_503 {strides = array<i32>} : memref<64x1024xf32, #tpu.memory_space<vmem>>, vector<16xf32>,
      %sub3A_555 = arith.constant 24 : i32
      %sub3A_556 = arith.subi %add3A_182, %sub3A_555 : i32
      %get3A_557 = arith.index_cast %sub3A_556 : i32 to index
      %get3A_558 = arith.index_cast %sub3A_176 : i32 to index
      %get3A_559 = tpu.vector_load %arg5[%get3A_557, %get3A_558] {strides = array<i32>} : memref<63x64xf32, #tpu.memory_space<vmem>>, vector<16xf32>,
      %swap3A_560 = arith.index_cast %scan3A_172 : i32 to index
      %swap3A_561 = arith.constant 688 : index
      %swap3A_562 = tpu.vector_load %arg6[%swap3A_560, %swap3A_561] {strides = array<i32>} : memref<64x1024xf32, #tpu.memory_space<vmem>>, vector<16xf32>,
      tpu.vector_store %arg6[%swap3A_560, %swap3A_561], %get3A_511 {strides = array<i32>} : memref<64x1024xf32, #tpu.memory_space<vmem>>, vector<16xf32>,
      %sub3A_563 = arith.constant 25 : i32
      %sub3A_564 = arith.subi %add3A_182, %sub3A_563 : i32
      %get3A_565 = arith.index_cast %sub3A_564 : i32 to index
      %get3A_566 = arith.index_cast %sub3A_174 : i32 to index
      %get3A_567 = tpu.vector_load %arg5[%get3A_565, %get3A_566] {strides = array<i32>} : memref<63x64xf32, #tpu.memory_space<vmem>>, vector<16xf32>,
      %swap3A_568 = arith.index_cast %scan3A_172 : i32 to index
      %swap3A_569 = arith.constant 704 : index
      %swap3A_570 = tpu.vector_load %arg6[%swap3A_568, %swap3A_569] {strides = array<i32>} : memref<64x1024xf32, #tpu.memory_space<vmem>>, vector<16xf32>,
      tpu.vector_store %arg6[%swap3A_568, %swap3A_569], %get3A_519 {strides = array<i32>} : memref<64x1024xf32, #tpu.memory_space<vmem>>, vector<16xf32>,
      %sub3A_571 = arith.constant 25 : i32
      %sub3A_572 = arith.subi %add3A_182, %sub3A_571 : i32
      %get3A_573 = arith.index_cast %sub3A_572 : i32 to index
      %get3A_574 = arith.index_cast %sub3A_176 : i32 to index
      %get3A_575 = tpu.vector_load %arg5[%get3A_573, %get3A_574] {strides = array<i32>} : memref<63x64xf32, #tpu.memory_space<vmem>>, vector<16xf32>,
      %swap3A_576 = arith.index_cast %scan3A_172 : i32 to index
      %swap3A_577 = arith.constant 720 : index
      %swap3A_578 = tpu.vector_load %arg6[%swap3A_576, %swap3A_577] {strides = array<i32>} : memref<64x1024xf32, #tpu.memory_space<vmem>>, vector<16xf32>,
      tpu.vector_store %arg6[%swap3A_576, %swap3A_577], %get3A_527 {strides = array<i32>} : memref<64x1024xf32, #tpu.memory_space<vmem>>, vector<16xf32>,
      %sub3A_579 = arith.constant 26 : i32
      %sub3A_580 = arith.subi %add3A_182, %sub3A_579 : i32
      %get3A_581 = arith.index_cast %sub3A_580 : i32 to index
      %get3A_582 = arith.index_cast %sub3A_174 : i32 to index
      %get3A_583 = tpu.vector_load %arg5[%get3A_581, %get3A_582] {strides = array<i32>} : memref<63x64xf32, #tpu.memory_space<vmem>>, vector<16xf32>,
      %swap3A_584 = arith.index_cast %scan3A_172 : i32 to index
      %swap3A_585 = arith.constant 736 : index
      %swap3A_586 = tpu.vector_load %arg6[%swap3A_584, %swap3A_585] {strides = array<i32>} : memref<64x1024xf32, #tpu.memory_space<vmem>>, vector<16xf32>,
      tpu.vector_store %arg6[%swap3A_584, %swap3A_585], %get3A_535 {strides = array<i32>} : memref<64x1024xf32, #tpu.memory_space<vmem>>, vector<16xf32>,
      %sub3A_587 = arith.constant 26 : i32
      %sub3A_588 = arith.subi %add3A_182, %sub3A_587 : i32
      %get3A_589 = arith.index_cast %sub3A_588 : i32 to index
      %get3A_590 = arith.index_cast %sub3A_176 : i32 to index
      %get3A_591 = tpu.vector_load %arg5[%get3A_589, %get3A_590] {strides = array<i32>} : memref<63x64xf32, #tpu.memory_space<vmem>>, vector<16xf32>,
      %swap3A_592 = arith.index_cast %scan3A_172 : i32 to index
      %swap3A_593 = arith.constant 752 : index
      %swap3A_594 = tpu.vector_load %arg6[%swap3A_592, %swap3A_593] {strides = array<i32>} : memref<64x1024xf32, #tpu.memory_space<vmem>>, vector<16xf32>,
      tpu.vector_store %arg6[%swap3A_592, %swap3A_593], %get3A_543 {strides = array<i32>} : memref<64x1024xf32, #tpu.memory_space<vmem>>, vector<16xf32>,
      %sub3A_595 = arith.constant 27 : i32
      %sub3A_596 = arith.subi %add3A_182, %sub3A_595 : i32
      %get3A_597 = arith.index_cast %sub3A_596 : i32 to index
      %get3A_598 = arith.index_cast %sub3A_174 : i32 to index
      %get3A_599 = tpu.vector_load %arg5[%get3A_597, %get3A_598] {strides = array<i32>} : memref<63x64xf32, #tpu.memory_space<vmem>>, vector<16xf32>,
      %swap3A_600 = arith.index_cast %scan3A_172 : i32 to index
      %swap3A_601 = arith.constant 768 : index
      %swap3A_602 = tpu.vector_load %arg6[%swap3A_600, %swap3A_601] {strides = array<i32>} : memref<64x1024xf32, #tpu.memory_space<vmem>>, vector<16xf32>,
      tpu.vector_store %arg6[%swap3A_600, %swap3A_601], %get3A_551 {strides = array<i32>} : memref<64x1024xf32, #tpu.memory_space<vmem>>, vector<16xf32>,
      %sub3A_603 = arith.constant 27 : i32
      %sub3A_604 = arith.subi %add3A_182, %sub3A_603 : i32
      %get3A_605 = arith.index_cast %sub3A_604 : i32 to index
      %get3A_606 = arith.index_cast %sub3A_176 : i32 to index
      %get3A_607 = tpu.vector_load %arg5[%get3A_605, %get3A_606] {strides = array<i32>} : memref<63x64xf32, #tpu.memory_space<vmem>>, vector<16xf32>,
      %swap3A_608 = arith.index_cast %scan3A_172 : i32 to index
      %swap3A_609 = arith.constant 784 : index
      %swap3A_610 = tpu.vector_load %arg6[%swap3A_608, %swap3A_609] {strides = array<i32>} : memref<64x1024xf32, #tpu.memory_space<vmem>>, vector<16xf32>,
      tpu.vector_store %arg6[%swap3A_608, %swap3A_609], %get3A_559 {strides = array<i32>} : memref<64x1024xf32, #tpu.memory_space<vmem>>, vector<16xf32>,
      %sub3A_611 = arith.constant 28 : i32
      %sub3A_612 = arith.subi %add3A_182, %sub3A_611 : i32
      %get3A_613 = arith.index_cast %sub3A_612 : i32 to index
      %get3A_614 = arith.index_cast %sub3A_174 : i32 to index
      %get3A_615 = tpu.vector_load %arg5[%get3A_613, %get3A_614] {strides = array<i32>} : memref<63x64xf32, #tpu.memory_space<vmem>>, vector<16xf32>,
      %swap3A_616 = arith.index_cast %scan3A_172 : i32 to index
      %swap3A_617 = arith.constant 800 : index
      %swap3A_618 = tpu.vector_load %arg6[%swap3A_616, %swap3A_617] {strides = array<i32>} : memref<64x1024xf32, #tpu.memory_space<vmem>>, vector<16xf32>,
      tpu.vector_store %arg6[%swap3A_616, %swap3A_617], %get3A_567 {strides = array<i32>} : memref<64x1024xf32, #tpu.memory_space<vmem>>, vector<16xf32>,
      %sub3A_619 = arith.constant 28 : i32
      %sub3A_620 = arith.subi %add3A_182, %sub3A_619 : i32
      %get3A_621 = arith.index_cast %sub3A_620 : i32 to index
      %get3A_622 = arith.index_cast %sub3A_176 : i32 to index
      %get3A_623 = tpu.vector_load %arg5[%get3A_621, %get3A_622] {strides = array<i32>} : memref<63x64xf32, #tpu.memory_space<vmem>>, vector<16xf32>,
      %swap3A_624 = arith.index_cast %scan3A_172 : i32 to index
      %swap3A_625 = arith.constant 816 : index
      %swap3A_626 = tpu.vector_load %arg6[%swap3A_624, %swap3A_625] {strides = array<i32>} : memref<64x1024xf32, #tpu.memory_space<vmem>>, vector<16xf32>,
      tpu.vector_store %arg6[%swap3A_624, %swap3A_625], %get3A_575 {strides = array<i32>} : memref<64x1024xf32, #tpu.memory_space<vmem>>, vector<16xf32>,
      %sub3A_627 = arith.constant 29 : i32
      %sub3A_628 = arith.subi %add3A_182, %sub3A_627 : i32
      %get3A_629 = arith.index_cast %sub3A_628 : i32 to index
      %get3A_630 = arith.index_cast %sub3A_174 : i32 to index
      %get3A_631 = tpu.vector_load %arg5[%get3A_629, %get3A_630] {strides = array<i32>} : memref<63x64xf32, #tpu.memory_space<vmem>>, vector<16xf32>,
      %swap3A_632 = arith.index_cast %scan3A_172 : i32 to index
      %swap3A_633 = arith.constant 832 : index
      %swap3A_634 = tpu.vector_load %arg6[%swap3A_632, %swap3A_633] {strides = array<i32>} : memref<64x1024xf32, #tpu.memory_space<vmem>>, vector<16xf32>,
      tpu.vector_store %arg6[%swap3A_632, %swap3A_633], %get3A_583 {strides = array<i32>} : memref<64x1024xf32, #tpu.memory_space<vmem>>, vector<16xf32>,
      %sub3A_635 = arith.constant 29 : i32
      %sub3A_636 = arith.subi %add3A_182, %sub3A_635 : i32
      %get3A_637 = arith.index_cast %sub3A_636 : i32 to index
      %get3A_638 = arith.index_cast %sub3A_176 : i32 to index
      %get3A_639 = tpu.vector_load %arg5[%get3A_637, %get3A_638] {strides = array<i32>} : memref<63x64xf32, #tpu.memory_space<vmem>>, vector<16xf32>,
      %swap3A_640 = arith.index_cast %scan3A_172 : i32 to index
      %swap3A_641 = arith.constant 848 : index
      %swap3A_642 = tpu.vector_load %arg6[%swap3A_640, %swap3A_641] {strides = array<i32>} : memref<64x1024xf32, #tpu.memory_space<vmem>>, vector<16xf32>,
      tpu.vector_store %arg6[%swap3A_640, %swap3A_641], %get3A_591 {strides = array<i32>} : memref<64x1024xf32, #tpu.memory_space<vmem>>, vector<16xf32>,
      %sub3A_643 = arith.constant 30 : i32
      %sub3A_644 = arith.subi %add3A_182, %sub3A_643 : i32
      %get3A_645 = arith.index_cast %sub3A_644 : i32 to index
      %get3A_646 = arith.index_cast %sub3A_174 : i32 to index
      %get3A_647 = tpu.vector_load %arg5[%get3A_645, %get3A_646] {strides = array<i32>} : memref<63x64xf32, #tpu.memory_space<vmem>>, vector<16xf32>,
      %swap3A_648 = arith.index_cast %scan3A_172 : i32 to index
      %swap3A_649 = arith.constant 864 : index
      %swap3A_650 = tpu.vector_load %arg6[%swap3A_648, %swap3A_649] {strides = array<i32>} : memref<64x1024xf32, #tpu.memory_space<vmem>>, vector<16xf32>,
      tpu.vector_store %arg6[%swap3A_648, %swap3A_649], %get3A_599 {strides = array<i32>} : memref<64x1024xf32, #tpu.memory_space<vmem>>, vector<16xf32>,
      %sub3A_651 = arith.constant 30 : i32
      %sub3A_652 = arith.subi %add3A_182, %sub3A_651 : i32
      %get3A_653 = arith.index_cast %sub3A_652 : i32 to index
      %get3A_654 = arith.index_cast %sub3A_176 : i32 to index
      %get3A_655 = tpu.vector_load %arg5[%get3A_653, %get3A_654] {strides = array<i32>} : memref<63x64xf32, #tpu.memory_space<vmem>>, vector<16xf32>,
      %swap3A_656 = arith.index_cast %scan3A_172 : i32 to index
      %swap3A_657 = arith.constant 880 : index
      %swap3A_658 = tpu.vector_load %arg6[%swap3A_656, %swap3A_657] {strides = array<i32>} : memref<64x1024xf32, #tpu.memory_space<vmem>>, vector<16xf32>,
      tpu.vector_store %arg6[%swap3A_656, %swap3A_657], %get3A_607 {strides = array<i32>} : memref<64x1024xf32, #tpu.memory_space<vmem>>, vector<16xf32>,
      %sub3A_659 = arith.constant 31 : i32
      %sub3A_660 = arith.subi %add3A_182, %sub3A_659 : i32
      %get3A_661 = arith.index_cast %sub3A_660 : i32 to index
      %get3A_662 = arith.index_cast %sub3A_174 : i32 to index
      %get3A_663 = tpu.vector_load %arg5[%get3A_661, %get3A_662] {strides = array<i32>} : memref<63x64xf32, #tpu.memory_space<vmem>>, vector<16xf32>,
      %swap3A_664 = arith.index_cast %scan3A_172 : i32 to index
      %swap3A_665 = arith.constant 896 : index
      %swap3A_666 = tpu.vector_load %arg6[%swap3A_664, %swap3A_665] {strides = array<i32>} : memref<64x1024xf32, #tpu.memory_space<vmem>>, vector<16xf32>,
      tpu.vector_store %arg6[%swap3A_664, %swap3A_665], %get3A_615 {strides = array<i32>} : memref<64x1024xf32, #tpu.memory_space<vmem>>, vector<16xf32>,
      %sub3A_667 = arith.constant 31 : i32
      %sub3A_668 = arith.subi %add3A_182, %sub3A_667 : i32
      %get3A_669 = arith.index_cast %sub3A_668 : i32 to index
      %get3A_670 = arith.index_cast %sub3A_176 : i32 to index
      %get3A_671 = tpu.vector_load %arg5[%get3A_669, %get3A_670] {strides = array<i32>} : memref<63x64xf32, #tpu.memory_space<vmem>>, vector<16xf32>,
      %swap3A_672 = arith.index_cast %scan3A_172 : i32 to index
      %swap3A_673 = arith.constant 912 : index
      %swap3A_674 = tpu.vector_load %arg6[%swap3A_672, %swap3A_673] {strides = array<i32>} : memref<64x1024xf32, #tpu.memory_space<vmem>>, vector<16xf32>,
      tpu.vector_store %arg6[%swap3A_672, %swap3A_673], %get3A_623 {strides = array<i32>} : memref<64x1024xf32, #tpu.memory_space<vmem>>, vector<16xf32>,
      %swap3A_675 = arith.index_cast %scan3A_172 : i32 to index
      %swap3A_676 = arith.constant 928 : index
      %swap3A_677 = tpu.vector_load %arg6[%swap3A_675, %swap3A_676] {strides = array<i32>} : memref<64x1024xf32, #tpu.memory_space<vmem>>, vector<16xf32>,
      tpu.vector_store %arg6[%swap3A_675, %swap3A_676], %get3A_631 {strides = array<i32>} : memref<64x1024xf32, #tpu.memory_space<vmem>>, vector<16xf32>,
      %swap3A_678 = arith.index_cast %scan3A_172 : i32 to index
      %swap3A_679 = arith.constant 944 : index
      %swap3A_680 = tpu.vector_load %arg6[%swap3A_678, %swap3A_679] {strides = array<i32>} : memref<64x1024xf32, #tpu.memory_space<vmem>>, vector<16xf32>,
      tpu.vector_store %arg6[%swap3A_678, %swap3A_679], %get3A_639 {strides = array<i32>} : memref<64x1024xf32, #tpu.memory_space<vmem>>, vector<16xf32>,
      %swap3A_681 = arith.index_cast %scan3A_172 : i32 to index
      %swap3A_682 = arith.constant 960 : index
      %swap3A_683 = tpu.vector_load %arg6[%swap3A_681, %swap3A_682] {strides = array<i32>} : memref<64x1024xf32, #tpu.memory_space<vmem>>, vector<16xf32>,
      tpu.vector_store %arg6[%swap3A_681, %swap3A_682], %get3A_647 {strides = array<i32>} : memref<64x1024xf32, #tpu.memory_space<vmem>>, vector<16xf32>,
      %swap3A_684 = arith.index_cast %scan3A_172 : i32 to index
      %swap3A_685 = arith.constant 976 : index
      %swap3A_686 = tpu.vector_load %arg6[%swap3A_684, %swap3A_685] {strides = array<i32>} : memref<64x1024xf32, #tpu.memory_space<vmem>>, vector<16xf32>,
      tpu.vector_store %arg6[%swap3A_684, %swap3A_685], %get3A_655 {strides = array<i32>} : memref<64x1024xf32, #tpu.memory_space<vmem>>, vector<16xf32>,
      %swap3A_687 = arith.index_cast %scan3A_172 : i32 to index
      %swap3A_688 = arith.constant 992 : index
      %swap3A_689 = tpu.vector_load %arg6[%swap3A_687, %swap3A_688] {strides = array<i32>} : memref<64x1024xf32, #tpu.memory_space<vmem>>, vector<16xf32>,
      tpu.vector_store %arg6[%swap3A_687, %swap3A_688], %get3A_663 {strides = array<i32>} : memref<64x1024xf32, #tpu.memory_space<vmem>>, vector<16xf32>,
      %swap3A_690 = arith.index_cast %scan3A_172 : i32 to index
      %swap3A_691 = arith.constant 1008 : index
      %swap3A_692 = tpu.vector_load %arg6[%swap3A_690, %swap3A_691] {strides = array<i32>} : memref<64x1024xf32, #tpu.memory_space<vmem>>, vector<16xf32>,
      tpu.vector_store %arg6[%swap3A_690, %swap3A_691], %get3A_671 {strides = array<i32>} : memref<64x1024xf32, #tpu.memory_space<vmem>>, vector<16xf32>,
    }
    %scan3A_117 = arith.constant 16 : i32
    %mul3A_118 = arith.constant 64 : i32
    %mul3A_119 = arith.muli %add3A, %mul3A_118 : i32
    %add3A_120 = arith.constant 48 : i32
    %add3A_121 = arith.addi %mul3A_119, %add3A_120 : i32
    %dma_start3A_122 = arith.constant 48 : i32
    %dma_start3A_123 = arith.constant 0 : i32
    %dma_start3A_124 = tpu.memref_slice %arg6[%dma_start3A_122, %dma_start3A_123] : memref<64x1024xf32, #tpu.memory_space<vmem>> -> memref<16x1024xf32, #tpu.memory_space<vmem>>
    %dma_start3A_125 = arith.constant 0 : i32
    %dma_start3A_126 = tpu.memref_slice %arg3[%add3A_121, %dma_start3A_125] : memref<1024x1024xf32, #tpu.memory_space<hbm>> -> memref<16x1024xf32, #tpu.memory_space<hbm>>
    %dma_start3A_127 = arith.constant 0 : i32
    %dma_start3A_128 = tpu.memref_slice %arg3[%add3A_121, %dma_start3A_127] : memref<1024x1024xf32, #tpu.memory_space<hbm>> -> memref<16x1024xf32, #tpu.memory_space<hbm>>
    %dma_start3A_129 = arith.constant 48 : i32
    %dma_start3A_130 = arith.constant 0 : i32
    %dma_start3A_131 = tpu.memref_slice %arg6[%dma_start3A_129, %dma_start3A_130] : memref<64x1024xf32, #tpu.memory_space<vmem>> -> memref<16x1024xf32, #tpu.memory_space<vmem>>
    tpu.enqueue_dma source(%dma_start3A_131 : memref<16x1024xf32, #tpu.memory_space<vmem>>) target(%dma_start3A_128 : memref<16x1024xf32, #tpu.memory_space<hbm>>) target_semaphore(%arg7 : memref<!tpu.dma_semaphore, #tpu.memory_space<semaphore_mem>>)
    %dma_wait3A_132 = arith.constant 0 : i32
    %dma_wait3A_133 = arith.constant 0 : i32
    %dma_wait3A_134 = tpu.memref_slice %arg6[%dma_wait3A_132, %dma_wait3A_133] : memref<64x1024xf32, #tpu.memory_space<vmem>> -> memref<16x1024xf32, #tpu.memory_space<vmem>>
    %dma_wait3A_135 = arith.constant 0 : i32
    %dma_wait3A_136 = tpu.memref_slice %arg3[%add3A_64, %dma_wait3A_135] : memref<1024x1024xf32, #tpu.memory_space<hbm>> -> memref<16x1024xf32, #tpu.memory_space<hbm>>
    %dma_wait3A_137 = arith.constant 0 : i32
    %dma_wait3A_138 = tpu.memref_slice %arg3[%add3A_64, %dma_wait3A_137] : memref<1024x1024xf32, #tpu.memory_space<hbm>> -> memref<16x1024xf32, #tpu.memory_space<hbm>>
    %dma_wait3A_139 = arith.constant 0 : i32
    %dma_wait3A_140 = arith.constant 0 : i32
    %dma_wait3A_141 = tpu.memref_slice %arg6[%dma_wait3A_139, %dma_wait3A_140] : memref<64x1024xf32, #tpu.memory_space<vmem>> -> memref<16x1024xf32, #tpu.memory_space<vmem>>
    tpu.wait_dma2 semaphore(%arg7 : memref<!tpu.dma_semaphore, #tpu.memory_space<semaphore_mem>>) src(%dma_wait3A_141 : memref<16x1024xf32, #tpu.memory_space<vmem>>) dst(%dma_wait3A_138 : memref<16x1024xf32, #tpu.memory_space<hbm>>)
    %dma_wait3A_142 = arith.constant 16 : i32
    %dma_wait3A_143 = arith.constant 0 : i32
    %dma_wait3A_144 = tpu.memref_slice %arg6[%dma_wait3A_142, %dma_wait3A_143] : memref<64x1024xf32, #tpu.memory_space<vmem>> -> memref<16x1024xf32, #tpu.memory_space<vmem>>
    %dma_wait3A_145 = arith.constant 0 : i32
    %dma_wait3A_146 = tpu.memref_slice %arg3[%add3A_83, %dma_wait3A_145] : memref<1024x1024xf32, #tpu.memory_space<hbm>> -> memref<16x1024xf32, #tpu.memory_space<hbm>>
    %dma_wait3A_147 = arith.constant 0 : i32
    %dma_wait3A_148 = tpu.memref_slice %arg3[%add3A_83, %dma_wait3A_147] : memref<1024x1024xf32, #tpu.memory_space<hbm>> -> memref<16x1024xf32, #tpu.memory_space<hbm>>
    %dma_wait3A_149 = arith.constant 16 : i32
    %dma_wait3A_150 = arith.constant 0 : i32
    %dma_wait3A_151 = tpu.memref_slice %arg6[%dma_wait3A_149, %dma_wait3A_150] : memref<64x1024xf32, #tpu.memory_space<vmem>> -> memref<16x1024xf32, #tpu.memory_space<vmem>>
    tpu.wait_dma2 semaphore(%arg7 : memref<!tpu.dma_semaphore, #tpu.memory_space<semaphore_mem>>) src(%dma_wait3A_151 : memref<16x1024xf32, #tpu.memory_space<vmem>>) dst(%dma_wait3A_148 : memref<16x1024xf32, #tpu.memory_space<hbm>>)
    %dma_wait3A_152 = arith.constant 32 : i32
    %dma_wait3A_153 = arith.constant 0 : i32
    %dma_wait3A_154 = tpu.memref_slice %arg6[%dma_wait3A_152, %dma_wait3A_153] : memref<64x1024xf32, #tpu.memory_space<vmem>> -> memref<16x1024xf32, #tpu.memory_space<vmem>>
    %dma_wait3A_155 = arith.constant 0 : i32
    %dma_wait3A_156 = tpu.memref_slice %arg3[%add3A_102, %dma_wait3A_155] : memref<1024x1024xf32, #tpu.memory_space<hbm>> -> memref<16x1024xf32, #tpu.memory_space<hbm>>
    %dma_wait3A_157 = arith.constant 0 : i32
    %dma_wait3A_158 = tpu.memref_slice %arg3[%add3A_102, %dma_wait3A_157] : memref<1024x1024xf32, #tpu.memory_space<hbm>> -> memref<16x1024xf32, #tpu.memory_space<hbm>>
    %dma_wait3A_159 = arith.constant 32 : i32
    %dma_wait3A_160 = arith.constant 0 : i32
    %dma_wait3A_161 = tpu.memref_slice %arg6[%dma_wait3A_159, %dma_wait3A_160] : memref<64x1024xf32, #tpu.memory_space<vmem>> -> memref<16x1024xf32, #tpu.memory_space<vmem>>
    tpu.wait_dma2 semaphore(%arg7 : memref<!tpu.dma_semaphore, #tpu.memory_space<semaphore_mem>>) src(%dma_wait3A_161 : memref<16x1024xf32, #tpu.memory_space<vmem>>) dst(%dma_wait3A_158 : memref<16x1024xf32, #tpu.memory_space<hbm>>)
    %dma_wait3A_162 = arith.constant 48 : i32
    %dma_wait3A_163 = arith.constant 0 : i32
    %dma_wait3A_164 = tpu.memref_slice %arg6[%dma_wait3A_162, %dma_wait3A_163] : memref<64x1024xf32, #tpu.memory_space<vmem>> -> memref<16x1024xf32, #tpu.memory_space<vmem>>
    %dma_wait3A_165 = arith.constant 0 : i32
    %dma_wait3A_166 = tpu.memref_slice %arg3[%add3A_121, %dma_wait3A_165] : memref<1024x1024xf32, #tpu.memory_space<hbm>> -> memref<16x1024xf32, #tpu.memory_space<hbm>>
    %dma_wait3A_167 = arith.constant 0 : i32
    %dma_wait3A_168 = tpu.memref_slice %arg3[%add3A_121, %dma_wait3A_167] : memref<1024x1024xf32, #tpu.memory_space<hbm>> -> memref<16x1024xf32, #tpu.memory_space<hbm>>
    %dma_wait3A_169 = arith.constant 48 : i32
    %dma_wait3A_170 = arith.constant 0 : i32
    %dma_wait3A_171 = tpu.memref_slice %arg6[%dma_wait3A_169, %dma_wait3A_170] : memref<64x1024xf32, #tpu.memory_space<vmem>> -> memref<16x1024xf32, #tpu.memory_space<vmem>>
    tpu.wait_dma2 semaphore(%arg7 : memref<!tpu.dma_semaphore, #tpu.memory_space<semaphore_mem>>) src(%dma_wait3A_171 : memref<16x1024xf32, #tpu.memory_space<vmem>>) dst(%dma_wait3A_168 : memref<16x1024xf32, #tpu.memory_space<hbm>>)
    return
  }
}

</mosaic_0001>

<sc_bundles>
// kernel: kernel.3.cloned.1.call-start
scs
__scs_entry_jumppad:
0x0: {  	(pc) =	sbr.rel $0x88, $3  }
0x1: {  	(tag) =	ssettag $0x0;
	lr =	simm.s32 $0x1  }
0x2: {  	[smem:$0x3FA0] =	sst lr;
	_ =	strace $0xD0000000  }
0x3: {  	_ = 	snop  }
0x4: {  	_ = 	snop  }
0x5: {  	_ = 	snop  }
0x6: {  	_ = 	snop  }
0x7: {  	_ = 	snop  }
__scs_overlays_trampoline_lowered:
0x8: {  	[smem:$0x3FAF] =	sst s0  }
0x9: {  	[smem:$0x3FB0] =	sst s1  }
0xa: {  	[smem:$0x3FB1] =	sst s2  }
0xb: {  	[smem:$0x3FB2] =	sst s3  }
0xc: {  	[smem:$0x3FB3] =	sst s4  }
0xd: {  	[smem:$0x3FB4] =	sst s5  }
0xe: {  	[smem:$0x3FB5] =	sst s6  }
0xf: {  	[smem:$0x3FB6] =	sst s7  }
0x10: {  	[smem:$0x3FB7] =	sst s8  }
0x11: {  	[smem:$0x3FB8] =	sst s9;
	s0 =	simm.s32 @!p0 $0x0  }
0x12: {  	s1 =	sld [smem:$0x3F9E];
	s0 =	simm.s32 @p0 $0x1  }
0x13: {  	[smem:$0x3FB9] =	sst s0;
	s0 =	simm.s32 @!p1 $0x0  }
0x14: {  	s2 =	sld [smem:$0x3F9D];
	s0 =	simm.s32 @p1 $0x1  }
0x15: {  	[smem:$0x3FBA] =	sst s0;
	s0 =	simm.s32 @!p2 $0x0  }
0x16: {  	s3 =	sld [smem:$0x3FDB];
	s0 =	simm.s32 @p2 $0x1  }
0x17: {  	s4 =	simm.s32 $0x1BF5;
	[smem:$0x3FBC] =	sst s0  }
0x18: {  	s0 =	sld [smem:$0x3F9F];
	_ =	swait.ge [sflag:s4], $0x0  }
0x19: {  	s7 =	sld [smem:$0x3FA0]  }
0x1a: {  	s8 =	sadd.s32 $0xFFFFE003, lr  }
0x1b: {  	s9 =	sadd.s32 $0xFFFFFEF7, lr;
	s5 =	simm.s32 $0xFFFFFFFF;
	p2 =	slt.u32 s8, $0xFFFFF086  }
0x1c: {  	p1 =	slt.u32 s9, $0xF7A;
	s5 =	simm.s32 @!p2 $0x0  }
0x1d: {  	s5 =	simm.s32 @p1 $0x1;
	p0 =	seq.s32 s7, s2  }
0x1e: {  	s7 =	smul.u32 @!p0 $0xF7A, s2;
	p2 =	seq.s32 @!p0 s5, $0x0  }
0x1f: {  	s9 =	smul.u32 $0xF7A, s1;
	s8 =	simm.s32 @!p0 $0x1BF5;
	p2 =	por !p2, p0  }
0x20: {  	[sflag:s8] =	ssyncset.s32 @!p0 $0xFFFFF086;
	s6 =	sadd.s32 @!p0 s3, s7;
	s7 =	simm.s32 @!p0 $0x108  }
0x21: {  	s3 =	sadd.s32 s3, s9;
	s6 =	sadd.s32 @!p0 $0x88, s6;
	s7 =	simm.s32 @p2 $0x1082  }
0x22: {  	[simem:s7], [sflag:s8] =	dma.local @!p0 [hbm:s6], $0xF7A  }
0x23: {  	s9 =	sor.u32 $0xD0000000, s2;
	s6 =	simm.s32 $0x108;
	_ =	swait.ge @!p0 [sflag:s8], $0x0  }
0x24: {  	s3 =	sadd.s32 $0x88, s3;
	s6 =	simm.s32 @!p1 $0x1082;
	[sflag:s4] =	ssyncset.s32 $0xFFFFF086  }
0x25: {  	[simem:s6], [sflag:s4] =	dma.local [hbm:s3], $0xF7A  }
0x26: {  	[smem:$0x3FA0] =	sst s1;
	(tag) =	ssettag s2;
	_ =	strace s9  }
0x27: {  	s1 =	sld [smem:$0x3FB0]  }
0x28: {  	s2 =	sld [smem:$0x3FB1]  }
0x29: {  	s4 =	sld [smem:$0x3FB3]  }
0x2a: {  	p0 =	seq.s32 s5, $0x0;
	s5 =	sld [smem:$0x3FB4]  }
0x2b: {  	s6 =	sld [smem:$0x3FB5]  }
0x2c: {  	s7 =	sld [smem:$0x3FB6]  }
0x2d: {  	s3 =	simm.s32 $0x108;
	s8 =	sld [smem:$0x3FB7]  }
0x2e: {  	s3 =	simm.s32 @!p0 $0x1082;
	s9 =	sld [smem:$0x3FB8]  }
0x2f: {  	lr =	sadd.s32 s0, s3;
	s0 =	sld [smem:$0x3FAF]  }
0x30: {  	s3 =	sld [smem:$0x3FB2]  }
0x31: {  	[smem:$0x3FBB] =	sst s10  }
0x32: {  	s10 =	sld [smem:$0x3FB9];
	_ =	sdelay $0x3  }
0x33: {  	p0 =	seq.s32 s10, $0x1;
	s10 =	sld [smem:$0x3FBB];
	_ =	sdelay $0x3  }
0x34: {  	[smem:$0x3FBB] =	sst s10  }
0x35: {  	s10 =	sld [smem:$0x3FBA];
	_ =	sdelay $0x3  }
0x36: {  	p1 =	seq.s32 s10, $0x1;
	s10 =	sld [smem:$0x3FBB];
	_ =	sdelay $0x3  }
0x37: {  	[smem:$0x3FBB] =	sst s10  }
0x38: {  	s10 =	sld [smem:$0x3FBC]  }
0x39: {  	_ = 	snop;
	(pc) =	sbr.ind lr, $3  }
0x3a: {  	_ = 	snop  }
0x3b: {  	_ = 	snop  }
0x3c: {  	p2 =	seq.s32 s10, $0x1;
	s10 =	sld [smem:$0x3FBB]  }
0x3d: {  	_ =	shalt  }
0x3e: {  	_ =	shalt  }
0x3f: {  	_ =	shalt  }
0x40: {  	_ =	shalt  }
0x41: {  	_ =	shalt  }
0x42: {  	_ =	shalt  }
0x43: {  	_ =	shalt  }
0x44: {  	_ =	shalt  }
0x45: {  	_ =	shalt  }
0x46: {  	_ =	shalt  }
0x47: {  	_ =	shalt  }
0x48: {  	_ =	shalt  }
0x49: {  	_ =	shalt  }
0x4a: {  	_ =	shalt  }
0x4b: {  	_ =	shalt  }
0x4c: {  	_ =	shalt  }
0x4d: {  	_ =	shalt  }
0x4e: {  	_ =	shalt  }
0x4f: {  	_ =	shalt  }
0x50: {  	_ =	shalt  }
0x51: {  	_ =	shalt  }
0x52: {  	_ =	shalt  }
0x53: {  	_ =	shalt  }
0x54: {  	_ =	shalt  }
0x55: {  	_ =	shalt  }
0x56: {  	_ =	shalt  }
0x57: {  	_ =	shalt  }
0x58: {  	_ =	shalt  }
0x59: {  	_ =	shalt  }
0x5a: {  	_ =	shalt  }
0x5b: {  	_ =	shalt  }
0x5c: {  	_ =	shalt  }
0x5d: {  	_ =	shalt  }
0x5e: {  	_ =	shalt  }
0x5f: {  	_ =	shalt  }
0x60: {  	_ =	shalt  }
0x61: {  	_ =	shalt  }
0x62: {  	_ =	shalt  }
0x63: {  	_ =	shalt  }
0x64: {  	_ =	shalt  }
0x65: {  	_ =	shalt  }
0x66: {  	_ =	shalt  }
0x67: {  	_ =	shalt  }
0x68: {  	_ =	shalt  }
0x69: {  	_ =	shalt  }
0x6a: {  	_ =	shalt  }
0x6b: {  	_ =	shalt  }
0x6c: {  	_ =	shalt  }
0x6d: {  	_ =	shalt  }
0x6e: {  	_ =	shalt  }
0x6f: {  	_ =	shalt  }
0x70: {  	_ =	shalt  }
0x71: {  	_ =	shalt  }
0x72: {  	_ =	shalt  }
0x73: {  	_ =	shalt  }
0x74: {  	_ =	shalt  }
0x75: {  	_ =	shalt  }
0x76: {  	_ =	shalt  }
0x77: {  	_ =	shalt  }
0x78: {  	_ =	shalt  }
0x79: {  	_ =	shalt  }
0x7a: {  	_ =	shalt  }
0x7b: {  	_ =	shalt  }
0x7c: {  	_ =	shalt  }
0x7d: {  	_ =	shalt  }
0x7e: {  	_ =	shalt  }
0x7f: {  	_ =	shalt  }
0x80: {  	_ =	shalt  }
0x81: {  	_ =	shalt  }
0x82: {  	_ =	shalt  }
0x83: {  	_ =	shalt  }
0x84: {  	_ =	shalt  }
0x85: {  	_ =	shalt  }
0x86: {  	_ =	shalt  }
0x87: {  	_ =	shalt  }
.Lfunc_end0:
.L_simem_size_0:
called_computation_lowered:
.L_overlay_start_0:
0x88: {  	s0 =	sld [smem:$0x3FD9]  }
0x89: {  	s1 =	sld [smem:$0x3FFE];
	_ =	sdelay $0x3  }
0x8a: {  	s0 =	sadd.s32 s1, s0  }
0x8b: {  	[smem:$0x3FC7] =	sst s0  }
0x8c: {  	_ = 	snop  }
0x8d: {  	s0 =	sld [smem:$0x3FC9]  }
0x8e: {  	s17 =	sld [smem:$0x3FD0];
	(tm) =	ssettm $0x1  }
0x8f: {  	s2 =	sld [smem:$0x3FFB];
	_ =	sdelay $0x3  }
0x90: {  	_ =	strace s2  }
0x91: {  	s2 =	sld [smem:$0x3FFC];
	_ =	sdelay $0x3  }
0x92: {  	_ =	strace s2  }
0x93: {  	s2 =	sld [smem:$0x3FFD];
	_ =	sdelay $0x3  }
0x94: {  	_ =	strace s2  }
0x95: {  	_ =	strace $0x8FFFFFFF  }
0x96: {  	s18 =	sld [smem:$0x3FDB];
	_ =	sdelay $0x1  }
0x97: {  	s3 =	simm.s32 $_scs_section_size  }
0x98: {  	s4 =	simm.s32 $_size__tile_overlayer_lowered;
	s5 =	simm.s32 $_tile_overlayer_lowered  }
0x99: {  	s21 =	simm.s32 $0x1BFF;
	s20 =	sshll.u32 s5, $0x1;
	s2 =	sadd.s32 s3, s18  }
0x9a: {  	s6 =	simm.s32 $0x0;
	s19 =	sshll.u32 s4, $0x1;
	s4 =	sadd.s32 s20, s2  }
0x9b: {  	[timem:s6], [sflag:s21] =	dma.local [hbm:s4], s19  }
0x9c: {  	_ =	swait.ge [sflag:s21], s19  }
0x9d: {  	s3 =	ssub.s32 $0x0, s19;
	[sflag:s21] =	ssyncset.done $0x0  }
0x9e: {  	[sflag:s21] =	ssyncadd.s32 s3;
	_ =	sdelay $0x1  }
0x9f: {  	s22 =	simm.s32 $0x1B8B  }
0xa0: {  	_ =	swait.ge [sflag:s22], $0x1  }
0xa1: {  	[sflag:s22] =	ssyncset.done $0x0  }
0xa2: {  	s23 =	simm.s32 $0x1B8E;
	[sflag:s22] =	ssyncadd.s32 $0xFFFFFFFF  }
0xa3: {  	s24 =	simm.s32 $execute0_lowered;
	[smem:$0x3FD2] =	sst s23  }
0xa4: {  	s3 =	sshll.u32 s24, $0x1;
	_ =	strace $0x80000046;
	[dreg:$0x1] =	wrdreg $0xFFFFFFFF  }
0xa5: {  	s25 =	simm.s32 $_size_execute0_lowered;
	s2 =	sadd.s32 s2, s3;
	[dreg:$0x0] =	wrdreg $0x0  }
0xa6: {  	s3 =	sshll.u32 s25, $0x1;
	[dreg:$0x2] =	wrdreg s2  }
0xa7: {  	[dreg:$0x3] =	wrdreg s3  }
0xa8: {  	[dreg:$0x4] =	wrdreg $0xC0  }
0xa9: {  	_ =	task [dreg:s6], $0x5FFFF  }
0xaa: {  	[dreg:$0x1] =	wrdreg $0xFFFFFFFF  }
0xab: {  	[dreg:$0x0] =	wrdreg $0x60  }
0xac: {  	[dreg:$0x2] =	wrdreg s0  }
0xad: {  	[dreg:$0x3] =	wrdreg s17  }
0xae: {  	[dreg:$0x4] =	wrdreg $0x9  }
0xaf: {  	_ =	task.clear_ibuf [dreg:s6], $0x5FFFF;
	_ =	strace $0x90000046  }
0xb0: {  	s26 =	simm.s32 $0x9;
	_ =	strace $0x80000048  }
0xb1: {  	_ =	swait.ge [sflag:s26], $0x1  }
0xb2: {  	[sflag:s26] =	ssyncadd.s32 $0xFFFFFFFF  }
0xb3: {  	_ =	strace $0x90000048  }
0xb4: {  	_ =	sfence  }
0xb5: {  	s28 =	sld [smem:$0x0];
	_ =	sdelay $0x1  }
0xb6: {  	s29 =	srdreg.scid  }
0xb7: {  	s30 =	sshll.u32 s29, $0xD;
	s31 =	sshrl.u32 s29, $0x2  }
0xb8: {  	s1 =	sand.u32 $0x1, s29;
	s2 =	sand.u32 $0x4000, s30;
	s0 =	sadd.s32 s31, s28  }
0xb9: {  	s1 =	sor.u32 s2, s1;
	s0 =	sshll.u32 s0, $0x11  }
0xba: {  	s0 =	sor.u32 s0, s1  }
0xbb: {  	s0 =	sadd.s32 $0x8F2B, s0  }
0xbc: {  	[sflag:s0] =	ssyncadd.remote.s32 $0x1  }
0xbd: {  	_ =	sfence.sel $0xFFFF  }
0xbe: {  	[dreg:$0x0] =	wrdreg $0xFFFFFFFF;
	(pc) =	sbr.abs _section_cstart, $3  }
0xbf: {  	[dreg:$0x1] =	wrdreg $0xFFFFFFFF  }
0xc0: {  	_ =	task.clear_ibuf [dreg:s6], $0x2FFFF;
	_ =	strace $0x9FFFFFFF  }
0xc1: {  	(tm) =	ssettm $0x7FFFFFFF  }
tec
execute0_lowered:
.L_overlay_start_1:
0x0: {  	(tag) =	ssettag $0x1  }
0x1: {  	s1 =	rddreg [dreg:$0x0]  }
0x2: {  	s3 =	rddreg [dreg:$0x1];
	s2 =	simm.s32 $0x0  }
0x3: {  	[smem:$0x7FF] =	sst s2  }
0x4: {  	s0 =	rddreg [dreg:$0x2];
	_ =	strace $0x80000047  }
0x5: {  	[tilespmem:s2], [sflag:$0x1] =	stream.linear.gather [hbm4b:s1+s2], $0x1000, $0x38;
	[tilespmem:$0x14000] =	vst v63  }
0x6: {  	s4 =	simm.s32 $0x1000;
	s31 =	simm.s32 $0x1;
	s1 =	sadd.s32 $0x200, s1  }
0x7: {  	[tilespmem:s4], [sflag:$0x1] =	stream.linear.gather [hbm4b:s1+s2], $0xF80, $0x38;
	[tilespmem:$0x14000] =	vst v63  }
0x8: {  	_ =	swait.ge [sflag:s31], $0x1000  }
0x9: {  	[sflag:s31] =	ssyncset.done $0x0  }
0xa: {  	s2 =	simm.s32 $0x0;
	[sflag:s31] =	ssyncadd.s32 $0xFFFFF000  }
0xb: {  	v1 =	vld [tilespmem:s2+$0xF]  }
0xc: {  	v0 =	vlaneseq.u32;
	v2 =	vld [tilespmem:s2+$0x0]  }
0xd: {  	v0 =	vmul.u32 $0xFFFFFFFF, v0;
	v3 =	vld [tilespmem:s2+$0x2F]  }
0xe: {  	v4 =	vld [tilespmem:s2+$0x1F]  }
0xf: {  	v0 =	vadd.s32 $0xF, v0;
	s1 =	stileid.u32;
	s4 =	simm.s32 $0x200  }
.LBB2_1:
0x10: {  	s5 =	sshra.s32 s4, $0x2;
	v5 =	vperm.xlane v1, v0;
	p0 =	sne.s32 s4, $0x3E00  }
.Ltmp0:
0x11: {  	s4 =	sadd.s32 $0x200, s4;
	v1 =	vld [tilespmem:s5+$0xF];
	v6 =	vperm.xlane v2, v0;
	(pc) =	sbr.rel @p0 .LBB2_1-.Ltmp0, $4  }
0x12: {  	v2 =	vld [tilespmem:s5+$0x0];
	v7 =	vperm.xlane v3, v0;
	[tilespmem:s2+$0x2020] =	vst v5  }
0x13: {  	v3 =	vld [tilespmem:s5+$0x2F];
	v5 =	vperm.xlane v4, v0;
	[tilespmem:s2+$0x202F] =	vst v6  }
0x14: {  	v4 =	vld [tilespmem:s5+$0x1F];
	[tilespmem:s2+$0x2000] =	vst v7  }
0x15: {  	[tilespmem:s2+$0x2010] =	vst v5;
	s2 =	smov.u32 s5  }
0x16: {  	v1 =	vperm.xlane v1, v0  }
0x17: {  	v2 =	vperm.xlane v2, v0  }
0x18: {  	v3 =	vperm.xlane v3, v0;
	[tilespmem:s2+$0x2020] =	vst v1  }
0x19: {  	v0 =	vperm.xlane v4, v0;
	[tilespmem:s2+$0x202F] =	vst v2  }
0x1a: {  	[tilespmem:s2+$0x2000] =	vst v3  }
0x1b: {  	s31 =	simm.s32 $0x1;
	[tilespmem:s2+$0x2010] =	vst v0  }
0x1c: {  	_ =	swait.ge [sflag:s31], $0xF80  }
0x1d: {  	[sflag:s31] =	ssyncset.done $0x0  }
0x1e: {  	s6 =	simm.s32 $0x0;
	[sflag:s31] =	ssyncadd.s32 $0xFFFFF080  }
0x1f: {  	v0 =	vlaneseq.u32;
	v2 =	vld [tilespmem:s6+$0x100F]  }
0x20: {  	v3 =	vmul.u32 $0xFFFFFFFF, v0;
	v0 =	vld [tilespmem:s6+$0x1000]  }
0x21: {  	v1 =	vld [tilespmem:s6+$0x102F]  }
0x22: {  	v25 =	vld [tilespmem:s6+$0x101F]  }
0x23: {  	s2 =	simm.s32 $0x200;
	v24 =	vadd.s32 $0xF, v3  }
.LBB2_3:
0x24: {  	s4 =	sshra.s32 s2, $0x2;
	v3 =	vperm.xlane v2, v24;
	p0 =	sne.s32 s2, $0x3C00  }
.Ltmp1:
0x25: {  	s2 =	sadd.s32 $0x200, s2;
	v2 =	vld [tilespmem:s4+$0x100F];
	v4 =	vperm.xlane v0, v24;
	(pc) =	sbr.rel @p0 .LBB2_3-.Ltmp1, $4  }
0x26: {  	v0 =	vld [tilespmem:s4+$0x1000];
	v5 =	vperm.xlane v1, v24;
	[tilespmem:s6+$0x3020] =	vst v3  }
0x27: {  	v1 =	vld [tilespmem:s4+$0x102F];
	v3 =	vperm.xlane v25, v24;
	[tilespmem:s6+$0x302F] =	vst v4  }
0x28: {  	v25 =	vld [tilespmem:s4+$0x101F];
	[tilespmem:s6+$0x3000] =	vst v5  }
0x29: {  	[tilespmem:s6+$0x3010] =	vst v3;
	s6 =	smov.u32 s4  }
0x2a: {  	s2 =	sshll.u32 s1, $0xA  }
0x2b: {  	s4 =	sshrl.u32 s2, $0x2  }
0x2c: {  	v21 =	vperm.xlane v2, v24;
	s7 =	sor.u32 $0x2000, s4;
	s5 =	sadd.s32 $0x2F80, s4;
	s8 =	sadd.s32 $0x2F00, s4  }
0x2d: {  	v26 =	vperm.xlane v0, v24;
	v28 =	vperm.xlane v1, v24;
	s9 =	sadd.s32 $0x2E80, s4;
	s10 =	sadd.s32 $0x2E00, s4;
	s11 =	sadd.s32 $0x2D80, s4  }
0x2e: {  	s23 =	sadd.s32 $0x2D00, s4;
	s24 =	sadd.s32 $0x2C80, s4;
	s25 =	sadd.s32 $0x2C00, s4;
	v0 =	vmov s5;
	v1 =	vmov s8;
	v2 =	vmov s9  }
0x2f: {  	s26 =	sadd.s32 $0x2B80, s4;
	s28 =	sadd.s32 $0x2B00, s4;
	s29 =	sadd.s32 $0x2A80, s4;
	v3 =	vmov s10;
	v4 =	vmov s11;
	v5 =	vmov s23  }
0x30: {  	s30 =	sadd.s32 $0x2A00, s4;
	s31 =	sadd.s32 $0x2980, s4;
	s12 =	sadd.s32 $0x2900, s4;
	v6 =	vmov s24;
	v7 =	vmov s25;
	v8 =	vmov s26  }
0x31: {  	s13 =	sadd.s32 $0x2880, s4;
	s14 =	sadd.s32 $0x2800, s4;
	s15 =	sadd.s32 $0x2780, s4;
	v9 =	vmov s28;
	v10 =	vmov s29;
	v11 =	vmov s30  }
0x32: {  	s16 =	sadd.s32 $0x2700, s4;
	s17 =	sadd.s32 $0x2680, s4;
	s18 =	sadd.s32 $0x2600, s4;
	v12 =	vmov s31;
	v13 =	vmov s12;
	v14 =	vmov s13  }
0x33: {  	s19 =	sadd.s32 $0x2580, s4;
	s20 =	sadd.s32 $0x2500, s4;
	s21 =	sadd.s32 $0x2480, s4;
	v15 =	vmov s14;
	v16 =	vmov s15;
	v17 =	vmov s16  }
0x34: {  	s22 =	sadd.s32 $0x2400, s4;
	v18 =	vmov s17;
	v19 =	vmov s18;
	s23 =	sadd.s32 $0x2380, s4;
	v20 =	vmov s19;
	s24 =	sadd.s32 $0x2300, s4  }
0x35: {  	[tilespmem:s6+$0x3020] =	vst v21;
	v21 =	vmov s20;
	s25 =	sadd.s32 $0x2280, s4;
	v22 =	vmov s21;
	s26 =	sadd.s32 $0x2200, s4;
	v23 =	vmov s22;
	s28 =	sadd.s32 $0x20BC, s2  }
0x36: {  	v29 =	vperm.xlane v25, v24;
	[tilespmem:s6+$0x302F] =	vst v26;
	s29 =	sadd.s32 $0x2180, s4;
	s12 =	sadd.s32 $0x2100, s4;
	s31 =	sor.u32 $0x2080, s4;
	v31 =	vmov s7;
	v24 =	vmov s23  }
0x37: {  	s5 =	simm.s32 $0x0;
	s7 =	simm.s32 $0x0;
	v25 =	vmov s24;
	s30 =	sshrl.u32 s28, $0x2;
	v26 =	vmov s25;
	v27 =	vmov s26;
	[tilespmem:s6+$0x3000] =	vst v28  }
0x38: {  	s8 =	simm.s32 $0x0;
	v28 =	vmov s29;
	v30 =	vmov s31;
	s4 =	sor.u32 $0x2000, s30;
	[tilespmem:s6+$0x3010] =	vst v29;
	v29 =	vmov s12;
	s6 =	simm.s32 $0x0  }
.LBB2_5:
0x39: {  	s9 =	sxor.u32 $0x1F, s8;
	v33 =	vld [tilespmem:s4+$0x780]  }
0x3a: {  	v32 =	vld.idx.msk [tilespmem:v0+s9+$0x0 ss:$0x1], $0xffff  }
0x3b: {  	v35 =	vld [tilespmem:s4+$0x700]  }
0x3c: {  	v34 =	vld.idx.msk [tilespmem:v1+s9+$0x0 ss:$0x1], $0xffff  }
0x3d: {  	v37 =	vld [tilespmem:s4+$0x680];
	s10 =	sand.u32 $0x2000, s6;
	s11 =	sand.u32 $0x380, s7  }
0x3e: {  	v36 =	vld.idx.msk [tilespmem:v2+s9+$0x0 ss:$0x1], $0xffff;
	s10 =	sor.u32 s11, s10  }
0x3f: {  	v38 =	vld.idx.msk [tilespmem:v3+s9+$0x0 ss:$0x1], $0xffff;
	[tilespmem:s10+$0x4000] =	vst v32  }
0x40: {  	v32 =	vld [tilespmem:s4+$0x600];
	[tilespmem:s10+$0x4010] =	vst v33  }
0x41: {  	v33 =	vld.idx.msk [tilespmem:v4+s9+$0x0 ss:$0x1], $0xffff;
	[tilespmem:s10+$0x4020] =	vst v34  }
0x42: {  	v34 =	vld [tilespmem:s4+$0x580];
	[tilespmem:s10+$0x4030] =	vst v35  }
0x43: {  	v35 =	vld.idx.msk [tilespmem:v5+s9+$0x0 ss:$0x1], $0xffff;
	[tilespmem:s10+$0x4040] =	vst v36  }
0x44: {  	v36 =	vld [tilespmem:s4+$0x500];
	[tilespmem:s10+$0x4050] =	vst v37  }
0x45: {  	v37 =	vld.idx.msk [tilespmem:v6+s9+$0x0 ss:$0x1], $0xffff;
	[tilespmem:s10+$0x4060] =	vst v38  }
0x46: {  	v38 =	vld [tilespmem:s4+$0x480];
	[tilespmem:s10+$0x4070] =	vst v32  }
0x47: {  	v32 =	vld.idx.msk [tilespmem:v7+s9+$0x0 ss:$0x1], $0xffff;
	[tilespmem:s10+$0x4400] =	vst v33  }
0x48: {  	v33 =	vld [tilespmem:s4+$0x400];
	[tilespmem:s10+$0x4410] =	vst v34  }
0x49: {  	v34 =	vld.idx.msk [tilespmem:v8+s9+$0x0 ss:$0x1], $0xffff;
	[tilespmem:s10+$0x4420] =	vst v35  }
0x4a: {  	v35 =	vld [tilespmem:s4+$0x380];
	[tilespmem:s10+$0x4430] =	vst v36  }
0x4b: {  	v36 =	vld.idx.msk [tilespmem:v9+s9+$0x0 ss:$0x1], $0xffff;
	[tilespmem:s10+$0x4440] =	vst v37  }
0x4c: {  	v37 =	vld [tilespmem:s4+$0x300];
	[tilespmem:s10+$0x4450] =	vst v38  }
0x4d: {  	v38 =	vld.idx.msk [tilespmem:v10+s9+$0x0 ss:$0x1], $0xffff;
	[tilespmem:s10+$0x4460] =	vst v32  }
0x4e: {  	v32 =	vld [tilespmem:s4+$0x280];
	[tilespmem:s10+$0x4470] =	vst v33  }
0x4f: {  	v33 =	vld.idx.msk [tilespmem:v11+s9+$0x0 ss:$0x1], $0xffff;
	[tilespmem:s10+$0x4800] =	vst v34  }
0x50: {  	v34 =	vld [tilespmem:s4+$0x200];
	[tilespmem:s10+$0x4810] =	vst v35  }
0x51: {  	v35 =	vld.idx.msk [tilespmem:v12+s9+$0x0 ss:$0x1], $0xffff;
	[tilespmem:s10+$0x4820] =	vst v36  }
0x52: {  	v36 =	vld [tilespmem:s4+$0x180];
	[tilespmem:s10+$0x4830] =	vst v37  }
0x53: {  	v37 =	vld.idx.msk [tilespmem:v13+s9+$0x0 ss:$0x1], $0xffff;
	[tilespmem:s10+$0x4840] =	vst v38  }
0x54: {  	v38 =	vld [tilespmem:s4+$0x100];
	[tilespmem:s10+$0x4850] =	vst v32  }
0x55: {  	v32 =	vld.idx.msk [tilespmem:v14+s9+$0x0 ss:$0x1], $0xffff;
	[tilespmem:s10+$0x4860] =	vst v33  }
0x56: {  	v33 =	vld [tilespmem:s4+$0x80];
	[tilespmem:s10+$0x4870] =	vst v34  }
0x57: {  	v34 =	vld.idx.msk [tilespmem:v15+s9+$0x0 ss:$0x1], $0xffff;
	[tilespmem:s10+$0x4C00] =	vst v35  }
0x58: {  	v35 =	vld [tilespmem:s4+$0x0];
	[tilespmem:s10+$0x4C10] =	vst v36  }
0x59: {  	v36 =	vld.idx.msk [tilespmem:v16+s9+$0x0 ss:$0x1], $0xffff;
	[tilespmem:s10+$0x4C20] =	vst v37  }
0x5a: {  	v37 =	vld [tilespmem:s4+$0xFFFFFF80];
	[tilespmem:s10+$0x4C30] =	vst v38  }
0x5b: {  	v38 =	vld.idx.msk [tilespmem:v17+s9+$0x0 ss:$0x1], $0xffff;
	[tilespmem:s10+$0x4C40] =	vst v32  }
0x5c: {  	v32 =	vld [tilespmem:s4+$0xFFFFFF00];
	[tilespmem:s10+$0x4C50] =	vst v33  }
0x5d: {  	v33 =	vld.idx.msk [tilespmem:v18+s9+$0x0 ss:$0x1], $0xffff;
	[tilespmem:s10+$0x4C60] =	vst v34  }
0x5e: {  	v34 =	vld [tilespmem:s4+$0xFFFFFE80];
	[tilespmem:s10+$0x4C70] =	vst v35  }
0x5f: {  	v35 =	vld.idx.msk [tilespmem:v19+s9+$0x0 ss:$0x1], $0xffff;
	[tilespmem:s10+$0x5000] =	vst v36  }
0x60: {  	v36 =	vld [tilespmem:s4+$0xFFFFFE00];
	[tilespmem:s10+$0x5010] =	vst v37  }
0x61: {  	v37 =	vld.idx.msk [tilespmem:v20+s9+$0x0 ss:$0x1], $0xffff;
	[tilespmem:s10+$0x5020] =	vst v38  }
0x62: {  	v38 =	vld [tilespmem:s4+$0xFFFFFD80];
	[tilespmem:s10+$0x5030] =	vst v32  }
0x63: {  	v32 =	vld.idx.msk [tilespmem:v21+s9+$0x0 ss:$0x1], $0xffff;
	[tilespmem:s10+$0x5040] =	vst v33  }
0x64: {  	v33 =	vld [tilespmem:s4+$0xFFFFFD00];
	[tilespmem:s10+$0x5050] =	vst v34  }
0x65: {  	v34 =	vld.idx.msk [tilespmem:v22+s9+$0x0 ss:$0x1], $0xffff;
	[tilespmem:s10+$0x5060] =	vst v35  }
0x66: {  	v35 =	vld [tilespmem:s4+$0xFFFFFC80];
	[tilespmem:s10+$0x5070] =	vst v36  }
0x67: {  	v36 =	vld.idx.msk [tilespmem:v23+s9+$0x0 ss:$0x1], $0xffff;
	[tilespmem:s10+$0x5400] =	vst v37  }
0x68: {  	v37 =	vld [tilespmem:s4+$0xFFFFFC00];
	[tilespmem:s10+$0x5410] =	vst v38  }
0x69: {  	v38 =	vld.idx.msk [tilespmem:v24+s9+$0x0 ss:$0x1], $0xffff;
	[tilespmem:s10+$0x5420] =	vst v32  }
0x6a: {  	v32 =	vld [tilespmem:s4+$0xFFFFFB80];
	[tilespmem:s10+$0x5430] =	vst v33  }
0x6b: {  	v33 =	vld.idx.msk [tilespmem:v25+s9+$0x0 ss:$0x1], $0xffff;
	[tilespmem:s10+$0x5440] =	vst v34  }
0x6c: {  	v34 =	vld [tilespmem:s4+$0xFFFFFB00];
	[tilespmem:s10+$0x5450] =	vst v35  }
0x6d: {  	v35 =	vld.idx.msk [tilespmem:v26+s9+$0x0 ss:$0x1], $0xffff;
	[tilespmem:s10+$0x5460] =	vst v36  }
0x6e: {  	v36 =	vld [tilespmem:s4+$0xFFFFFA80];
	[tilespmem:s10+$0x5470] =	vst v37  }
0x6f: {  	v37 =	vld.idx.msk [tilespmem:v27+s9+$0x0 ss:$0x1], $0xffff;
	[tilespmem:s10+$0x5800] =	vst v38  }
0x70: {  	v38 =	vld [tilespmem:s4+$0xFFFFFA00];
	[tilespmem:s10+$0x5810] =	vst v32  }
0x71: {  	v32 =	vld.idx.msk [tilespmem:v28+s9+$0x0 ss:$0x1], $0xffff;
	[tilespmem:s10+$0x5820] =	vst v33  }
0x72: {  	v33 =	vld [tilespmem:s4+$0xFFFFF980];
	[tilespmem:s10+$0x5830] =	vst v34  }
0x73: {  	s22 =	sand.u32 $0x7, s5;
	v34 =	vld.idx.msk [tilespmem:v29+s9+$0x0 ss:$0x1], $0xffff;
	[tilespmem:s10+$0x5840] =	vst v35  }
0x74: {  	s11 =	sshll.u32 s22, $0x7;
	v35 =	vld [tilespmem:s4+$0xFFFFF900];
	[tilespmem:s10+$0x5850] =	vst v36  }
0x75: {  	s11 =	sadd.s32 s11, s6;
	v36 =	vld.idx.msk [tilespmem:v30+s9+$0x0 ss:$0x1], $0xffff;
	[tilespmem:s10+$0x5860] =	vst v37  }
0x76: {  	s23 =	sor.u32 $0x1C00, s11;
	v37 =	vld [tilespmem:s4+$0xFFFFF880];
	[tilespmem:s10+$0x5870] =	vst v38  }
0x77: {  	s24 =	sor.u32 $0x1C10, s11;
	v38 =	vld.idx.msk [tilespmem:v31+s9+$0x0 ss:$0x1], $0xffff;
	[tilespmem:s23+$0x4000] =	vst v32  }
0x78: {  	s25 =	sor.u32 $0x1C20, s11;
	v32 =	vld [tilespmem:s4+$0xFFFFF800];
	[tilespmem:s24+$0x4000] =	vst v33  }
0x79: {  	p0 =	sne.s32 s8, $0xF;
	s26 =	sor.u32 $0x1C30, s11;
	[tilespmem:s25+$0x4000] =	vst v34  }
.Ltmp2:
0x7a: {  	s28 =	sor.u32 $0x1C40, s11;
	[tilespmem:s26+$0x4000] =	vst v35;
	(pc) =	sbr.rel @p0 .LBB2_5-.Ltmp2, $4  }
0x7b: {  	s29 =	sor.u32 $0x1C50, s11;
	[tilespmem:s28+$0x4000] =	vst v36  }
0x7c: {  	s30 =	sor.u32 $0x1C60, s11;
	[tilespmem:s29+$0x4000] =	vst v37  }
0x7d: {  	s7 =	sadd.s32 $0x80, s7;
	s5 =	sadd.s32 $0x1, s5;
	s31 =	sor.u32 $0x1C70, s11;
	[tilespmem:s30+$0x4000] =	vst v38  }
0x7e: {  	s8 =	sadd.s32 $0x1, s8;
	s6 =	sadd.s32 $0x400, s6;
	s4 =	sadd.s32 $0xFFFFFFFF, s4;
	[tilespmem:s31+$0x4000] =	vst v32  }
0x7f: {  	s4 =	sshll.u32 s1, $0xD;
	s5 =	simm.s32 $0x0  }
0x80: {  	s6 =	simm.s32 $0x4000;
	s31 =	sadd.s32 $0x207C, s2;
	s7 =	sadd.s32 s3, s4  }
0x81: {  	[hbm4b:s7+s5] =	stream.linear.scatter [tilespmem:s6], [sflag:$0x1], $0x4000, $0x38;
	[tilespmem:$0x14000] =	vst v63  }
0x82: {  	s7 =	sshrl.u32 s31, $0x2  }
0x83: {  	s8 =	simm.s32 $0x10;
	s9 =	simm.s32 $0x800;
	s7 =	sor.u32 $0x2000, s7  }
.LBB2_7:
0x84: {  	s10 =	sxor.u32 $0x1F, s8;
	v33 =	vld [tilespmem:s7+$0x780]  }
0x85: {  	v32 =	vld.idx.msk [tilespmem:v0+s10+$0x0 ss:$0x1], $0xffff  }
0x86: {  	v35 =	vld [tilespmem:s7+$0x700]  }
0x87: {  	v34 =	vld.idx.msk [tilespmem:v1+s10+$0x0 ss:$0x1], $0xffff  }
0x88: {  	v37 =	vld [tilespmem:s7+$0x680];
	s11 =	sand.u32 $0x6000, s6;
	s12 =	sand.u32 $0x380, s9  }
0x89: {  	v36 =	vld.idx.msk [tilespmem:v2+s10+$0x0 ss:$0x1], $0xffff;
	s11 =	sor.u32 s12, s11  }
0x8a: {  	v38 =	vld.idx.msk [tilespmem:v3+s10+$0x0 ss:$0x1], $0xffff;
	[tilespmem:s11+$0x4000] =	vst v32  }
0x8b: {  	v32 =	vld [tilespmem:s7+$0x600];
	[tilespmem:s11+$0x4010] =	vst v33  }
0x8c: {  	v33 =	vld.idx.msk [tilespmem:v4+s10+$0x0 ss:$0x1], $0xffff;
	[tilespmem:s11+$0x4020] =	vst v34  }
0x8d: {  	v34 =	vld [tilespmem:s7+$0x580];
	[tilespmem:s11+$0x4030] =	vst v35  }
0x8e: {  	v35 =	vld.idx.msk [tilespmem:v5+s10+$0x0 ss:$0x1], $0xffff;
	[tilespmem:s11+$0x4040] =	vst v36  }
0x8f: {  	v36 =	vld [tilespmem:s7+$0x500];
	[tilespmem:s11+$0x4050] =	vst v37  }
0x90: {  	v37 =	vld.idx.msk [tilespmem:v6+s10+$0x0 ss:$0x1], $0xffff;
	[tilespmem:s11+$0x4060] =	vst v38  }
0x91: {  	v38 =	vld [tilespmem:s7+$0x480];
	[tilespmem:s11+$0x4070] =	vst v32  }
0x92: {  	v32 =	vld.idx.msk [tilespmem:v7+s10+$0x0 ss:$0x1], $0xffff;
	[tilespmem:s11+$0x4400] =	vst v33  }
0x93: {  	v33 =	vld [tilespmem:s7+$0x400];
	[tilespmem:s11+$0x4410] =	vst v34  }
0x94: {  	v34 =	vld.idx.msk [tilespmem:v8+s10+$0x0 ss:$0x1], $0xffff;
	[tilespmem:s11+$0x4420] =	vst v35  }
0x95: {  	v35 =	vld [tilespmem:s7+$0x380];
	[tilespmem:s11+$0x4430] =	vst v36  }
0x96: {  	v36 =	vld.idx.msk [tilespmem:v9+s10+$0x0 ss:$0x1], $0xffff;
	[tilespmem:s11+$0x4440] =	vst v37  }
0x97: {  	v37 =	vld [tilespmem:s7+$0x300];
	[tilespmem:s11+$0x4450] =	vst v38  }
0x98: {  	v38 =	vld.idx.msk [tilespmem:v10+s10+$0x0 ss:$0x1], $0xffff;
	[tilespmem:s11+$0x4460] =	vst v32  }
0x99: {  	v32 =	vld [tilespmem:s7+$0x280];
	[tilespmem:s11+$0x4470] =	vst v33  }
0x9a: {  	v33 =	vld.idx.msk [tilespmem:v11+s10+$0x0 ss:$0x1], $0xffff;
	[tilespmem:s11+$0x4800] =	vst v34  }
0x9b: {  	v34 =	vld [tilespmem:s7+$0x200];
	[tilespmem:s11+$0x4810] =	vst v35  }
0x9c: {  	v35 =	vld.idx.msk [tilespmem:v12+s10+$0x0 ss:$0x1], $0xffff;
	[tilespmem:s11+$0x4820] =	vst v36  }
0x9d: {  	v36 =	vld [tilespmem:s7+$0x180];
	[tilespmem:s11+$0x4830] =	vst v37  }
0x9e: {  	v37 =	vld.idx.msk [tilespmem:v13+s10+$0x0 ss:$0x1], $0xffff;
	[tilespmem:s11+$0x4840] =	vst v38  }
0x9f: {  	v38 =	vld [tilespmem:s7+$0x100];
	[tilespmem:s11+$0x4850] =	vst v32  }
0xa0: {  	v32 =	vld.idx.msk [tilespmem:v14+s10+$0x0 ss:$0x1], $0xffff;
	[tilespmem:s11+$0x4860] =	vst v33  }
0xa1: {  	v33 =	vld [tilespmem:s7+$0x80];
	[tilespmem:s11+$0x4870] =	vst v34  }
0xa2: {  	v34 =	vld.idx.msk [tilespmem:v15+s10+$0x0 ss:$0x1], $0xffff;
	[tilespmem:s11+$0x4C00] =	vst v35  }
0xa3: {  	v35 =	vld [tilespmem:s7+$0x0];
	[tilespmem:s11+$0x4C10] =	vst v36  }
0xa4: {  	v36 =	vld.idx.msk [tilespmem:v16+s10+$0x0 ss:$0x1], $0xffff;
	[tilespmem:s11+$0x4C20] =	vst v37  }
0xa5: {  	v37 =	vld [tilespmem:s7+$0xFFFFFF80];
	[tilespmem:s11+$0x4C30] =	vst v38  }
0xa6: {  	v38 =	vld.idx.msk [tilespmem:v17+s10+$0x0 ss:$0x1], $0xffff;
	[tilespmem:s11+$0x4C40] =	vst v32  }
0xa7: {  	v32 =	vld [tilespmem:s7+$0xFFFFFF00];
	[tilespmem:s11+$0x4C50] =	vst v33  }
0xa8: {  	v33 =	vld.idx.msk [tilespmem:v18+s10+$0x0 ss:$0x1], $0xffff;
	[tilespmem:s11+$0x4C60] =	vst v34  }
0xa9: {  	v34 =	vld [tilespmem:s7+$0xFFFFFE80];
	[tilespmem:s11+$0x4C70] =	vst v35  }
0xaa: {  	v35 =	vld.idx.msk [tilespmem:v19+s10+$0x0 ss:$0x1], $0xffff;
	[tilespmem:s11+$0x5000] =	vst v36  }
0xab: {  	v36 =	vld [tilespmem:s7+$0xFFFFFE00];
	[tilespmem:s11+$0x5010] =	vst v37  }
0xac: {  	v37 =	vld.idx.msk [tilespmem:v20+s10+$0x0 ss:$0x1], $0xffff;
	[tilespmem:s11+$0x5020] =	vst v38  }
0xad: {  	v38 =	vld [tilespmem:s7+$0xFFFFFD80];
	[tilespmem:s11+$0x5030] =	vst v32  }
0xae: {  	v32 =	vld.idx.msk [tilespmem:v21+s10+$0x0 ss:$0x1], $0xffff;
	[tilespmem:s11+$0x5040] =	vst v33  }
0xaf: {  	v33 =	vld [tilespmem:s7+$0xFFFFFD00];
	[tilespmem:s11+$0x5050] =	vst v34  }
0xb0: {  	v34 =	vld.idx.msk [tilespmem:v22+s10+$0x0 ss:$0x1], $0xffff;
	[tilespmem:s11+$0x5060] =	vst v35  }
0xb1: {  	v35 =	vld [tilespmem:s7+$0xFFFFFC80];
	[tilespmem:s11+$0x5070] =	vst v36  }
0xb2: {  	v36 =	vld.idx.msk [tilespmem:v23+s10+$0x0 ss:$0x1], $0xffff;
	[tilespmem:s11+$0x5400] =	vst v37  }
0xb3: {  	v37 =	vld [tilespmem:s7+$0xFFFFFC00];
	[tilespmem:s11+$0x5410] =	vst v38  }
0xb4: {  	v38 =	vld.idx.msk [tilespmem:v24+s10+$0x0 ss:$0x1], $0xffff;
	[tilespmem:s11+$0x5420] =	vst v32  }
0xb5: {  	v32 =	vld [tilespmem:s7+$0xFFFFFB80];
	[tilespmem:s11+$0x5430] =	vst v33  }
0xb6: {  	v33 =	vld.idx.msk [tilespmem:v25+s10+$0x0 ss:$0x1], $0xffff;
	[tilespmem:s11+$0x5440] =	vst v34  }
0xb7: {  	v34 =	vld [tilespmem:s7+$0xFFFFFB00];
	[tilespmem:s11+$0x5450] =	vst v35  }
0xb8: {  	v35 =	vld.idx.msk [tilespmem:v26+s10+$0x0 ss:$0x1], $0xffff;
	[tilespmem:s11+$0x5460] =	vst v36  }
0xb9: {  	v36 =	vld [tilespmem:s7+$0xFFFFFA80];
	[tilespmem:s11+$0x5470] =	vst v37  }
0xba: {  	v37 =	vld.idx.msk [tilespmem:v27+s10+$0x0 ss:$0x1], $0xffff;
	[tilespmem:s11+$0x5800] =	vst v38  }
0xbb: {  	v38 =	vld [tilespmem:s7+$0xFFFFFA00];
	[tilespmem:s11+$0x5810] =	vst v32  }
0xbc: {  	v32 =	vld.idx.msk [tilespmem:v28+s10+$0x0 ss:$0x1], $0xffff;
	[tilespmem:s11+$0x5820] =	vst v33  }
0xbd: {  	v33 =	vld [tilespmem:s7+$0xFFFFF980];
	[tilespmem:s11+$0x5830] =	vst v34  }
0xbe: {  	s22 =	sand.u32 $0x7, s5;
	v34 =	vld.idx.msk [tilespmem:v29+s10+$0x0 ss:$0x1], $0xffff;
	[tilespmem:s11+$0x5840] =	vst v35  }
0xbf: {  	s12 =	sshll.u32 s22, $0x7;
	v35 =	vld [tilespmem:s7+$0xFFFFF900];
	[tilespmem:s11+$0x5850] =	vst v36  }
0xc0: {  	s12 =	sadd.s32 s12, s6;
	v36 =	vld.idx.msk [tilespmem:v30+s10+$0x0 ss:$0x1], $0xffff;
	[tilespmem:s11+$0x5860] =	vst v37  }
0xc1: {  	s23 =	sor.u32 $0x1C00, s12;
	v37 =	vld [tilespmem:s7+$0xFFFFF880];
	[tilespmem:s11+$0x5870] =	vst v38  }
0xc2: {  	s24 =	sor.u32 $0x1C10, s12;
	v38 =	vld.idx.msk [tilespmem:v31+s10+$0x0 ss:$0x1], $0xffff;
	[tilespmem:s23+$0x4000] =	vst v32  }
0xc3: {  	s25 =	sor.u32 $0x1C20, s12;
	v32 =	vld [tilespmem:s7+$0xFFFFF800];
	[tilespmem:s24+$0x4000] =	vst v33  }
0xc4: {  	p0 =	sne.s32 s8, $0x1F;
	s26 =	sor.u32 $0x1C30, s12;
	[tilespmem:s25+$0x4000] =	vst v34  }
.Ltmp3:
0xc5: {  	s28 =	sor.u32 $0x1C40, s12;
	[tilespmem:s26+$0x4000] =	vst v35;
	(pc) =	sbr.rel @p0 .LBB2_7-.Ltmp3, $4  }
0xc6: {  	s29 =	sor.u32 $0x1C50, s12;
	[tilespmem:s28+$0x4000] =	vst v36  }
0xc7: {  	s30 =	sor.u32 $0x1C60, s12;
	[tilespmem:s29+$0x4000] =	vst v37  }
0xc8: {  	s9 =	sadd.s32 $0x80, s9;
	s5 =	sadd.s32 $0x1, s5;
	s31 =	sor.u32 $0x1C70, s12;
	[tilespmem:s30+$0x4000] =	vst v38  }
0xc9: {  	s8 =	sadd.s32 $0x1, s8;
	s6 =	sadd.s32 $0x400, s6;
	s7 =	sadd.s32 $0xFFFFFFFF, s7;
	[tilespmem:s31+$0x4000] =	vst v32  }
0xca: {  	s3 =	sadd.s32 s4, s3  }
0xcb: {  	s4 =	sshll.u32 s1, $0x1;
	s6 =	simm.s32 $0x0;
	s7 =	simm.s32 $0x8000  }
0xcc: {  	s8 =	simm.s32 $0x20;
	s9 =	simm.s32 $0x1000;
	s5 =	sadd.s32 $0x800, s3  }
0xcd: {  	[hbm4b:s5+s6] =	stream.linear.scatter [tilespmem:s7], [sflag:$0x1], $0x4000, $0x38;
	[tilespmem:$0x14000] =	vst v63  }
0xce: {  	s10 =	simm.s32 $0x0;
	s11 =	simm.s32 $0x0;
	s5 =	sadd.s32 $0x1F, s4  }
.LBB2_9:
0xcf: {  	s12 =	sadd.s32 $0x20, s6  }
0xd0: {  	s14 =	sshrl.u32 s12, $0x5  }
0xd1: {  	s13 =	sshll.u32 s8, $0x2;
	s16 =	sadd.s32 s11, s2;
	s12 =	sadd.s32 s14, s5  }
0xd2: {  	s13 =	sand.u32 $0x3FFFFF80, s13;
	s16 =	sshra.s32 s16, $0x2;
	s15 =	sshll.u32 s12, $0x9  }
0xd3: {  	s20 =	sxor.u32 $0x1F, s6;
	s13 =	sadd.s32 s16, s13;
	s15 =	sshra.s32 s15, $0x2  }
0xd4: {  	v1 =	vld [tilespmem:s13+$0x2FAF];
	s15 =	sadd.s32 s20, s15  }
0xd5: {  	v0 =	vld [tilespmem:s15+$0x2000]  }
0xd6: {  	v3 =	vld [tilespmem:s13+$0x2F2F]  }
0xd7: {  	v2 =	vld [tilespmem:s15+$0x1F80]  }
0xd8: {  	s21 =	sand.u32 $0xE000, s7;
	s17 =	sand.u32 $0x380, s9;
	v5 =	vld [tilespmem:s13+$0x2EAF]  }
0xd9: {  	s16 =	sor.u32 s17, s21;
	v4 =	vld [tilespmem:s15+$0x1F00]  }
0xda: {  	v6 =	vld [tilespmem:s15+$0x1E80];
	[tilespmem:s16+$0x4000] =	vst v0  }
0xdb: {  	v0 =	vld [tilespmem:s13+$0x2E2F];
	[tilespmem:s16+$0x4010] =	vst v1  }
0xdc: {  	v1 =	vld [tilespmem:s15+$0x1E00];
	[tilespmem:s16+$0x4020] =	vst v2  }
0xdd: {  	v2 =	vld [tilespmem:s13+$0x2DAF];
	[tilespmem:s16+$0x4030] =	vst v3  }
0xde: {  	v3 =	vld [tilespmem:s15+$0x1D80];
	[tilespmem:s16+$0x4040] =	vst v4  }
0xdf: {  	v4 =	vld [tilespmem:s13+$0x2D2F];
	[tilespmem:s16+$0x4050] =	vst v5  }
0xe0: {  	v5 =	vld [tilespmem:s15+$0x1D00];
	[tilespmem:s16+$0x4060] =	vst v6  }
0xe1: {  	v6 =	vld [tilespmem:s13+$0x2CAF];
	[tilespmem:s16+$0x4070] =	vst v0  }
0xe2: {  	v0 =	vld [tilespmem:s15+$0x1C80];
	[tilespmem:s16+$0x4400] =	vst v1  }
0xe3: {  	v1 =	vld [tilespmem:s13+$0x2C2F];
	[tilespmem:s16+$0x4410] =	vst v2  }
0xe4: {  	v2 =	vld [tilespmem:s15+$0x1C00];
	[tilespmem:s16+$0x4420] =	vst v3  }
0xe5: {  	v3 =	vld [tilespmem:s13+$0x2BAF];
	[tilespmem:s16+$0x4430] =	vst v4  }
0xe6: {  	v4 =	vld [tilespmem:s15+$0x1B80];
	[tilespmem:s16+$0x4440] =	vst v5  }
0xe7: {  	v5 =	vld [tilespmem:s13+$0x2B2F];
	[tilespmem:s16+$0x4450] =	vst v6  }
0xe8: {  	v6 =	vld [tilespmem:s15+$0x1B00];
	[tilespmem:s16+$0x4460] =	vst v0  }
0xe9: {  	v0 =	vld [tilespmem:s13+$0x2AAF];
	[tilespmem:s16+$0x4470] =	vst v1  }
0xea: {  	v1 =	vld [tilespmem:s15+$0x1A80];
	[tilespmem:s16+$0x4800] =	vst v2  }
0xeb: {  	v2 =	vld [tilespmem:s13+$0x2A2F];
	[tilespmem:s16+$0x4810] =	vst v3  }
0xec: {  	v3 =	vld [tilespmem:s15+$0x1A00];
	[tilespmem:s16+$0x4820] =	vst v4  }
0xed: {  	v4 =	vld [tilespmem:s13+$0x29AF];
	[tilespmem:s16+$0x4830] =	vst v5  }
0xee: {  	v5 =	vld [tilespmem:s15+$0x1980];
	[tilespmem:s16+$0x4840] =	vst v6  }
0xef: {  	v6 =	vld [tilespmem:s13+$0x292F];
	[tilespmem:s16+$0x4850] =	vst v0  }
0xf0: {  	v0 =	vld [tilespmem:s15+$0x1900];
	[tilespmem:s16+$0x4860] =	vst v1  }
0xf1: {  	v1 =	vld [tilespmem:s13+$0x28AF];
	[tilespmem:s16+$0x4870] =	vst v2  }
0xf2: {  	v2 =	vld [tilespmem:s15+$0x1880];
	[tilespmem:s16+$0x4C00] =	vst v3  }
0xf3: {  	v3 =	vld [tilespmem:s13+$0x282F];
	[tilespmem:s16+$0x4C10] =	vst v4  }
0xf4: {  	v4 =	vld [tilespmem:s15+$0x1800];
	[tilespmem:s16+$0x4C20] =	vst v5  }
0xf5: {  	v5 =	vld [tilespmem:s13+$0x27AF];
	[tilespmem:s16+$0x4C30] =	vst v6  }
0xf6: {  	v6 =	vld [tilespmem:s15+$0x1780];
	[tilespmem:s16+$0x4C40] =	vst v0  }
0xf7: {  	v0 =	vld [tilespmem:s13+$0x272F];
	[tilespmem:s16+$0x4C50] =	vst v1  }
0xf8: {  	v1 =	vld [tilespmem:s15+$0x1700];
	[tilespmem:s16+$0x4C60] =	vst v2  }
0xf9: {  	v2 =	vld [tilespmem:s13+$0x26AF];
	[tilespmem:s16+$0x4C70] =	vst v3  }
0xfa: {  	v3 =	vld [tilespmem:s15+$0x1680];
	[tilespmem:s16+$0x5000] =	vst v4  }
0xfb: {  	v4 =	vld [tilespmem:s13+$0x262F];
	[tilespmem:s16+$0x5010] =	vst v5  }
0xfc: {  	v5 =	vld [tilespmem:s15+$0x1600];
	[tilespmem:s16+$0x5020] =	vst v6  }
0xfd: {  	v6 =	vld [tilespmem:s13+$0x25AF];
	[tilespmem:s16+$0x5030] =	vst v0  }
0xfe: {  	v0 =	vld [tilespmem:s15+$0x1580];
	[tilespmem:s16+$0x5040] =	vst v1  }
0xff: {  	v1 =	vld [tilespmem:s13+$0x252F];
	[tilespmem:s16+$0x5050] =	vst v2  }
0x100: {  	v2 =	vld [tilespmem:s15+$0x1500];
	[tilespmem:s16+$0x5060] =	vst v3  }
0x101: {  	v3 =	vld [tilespmem:s13+$0x24AF];
	[tilespmem:s16+$0x5070] =	vst v4  }
0x102: {  	v4 =	vld [tilespmem:s15+$0x1480];
	[tilespmem:s16+$0x5400] =	vst v5  }
0x103: {  	v5 =	vld [tilespmem:s13+$0x242F];
	[tilespmem:s16+$0x5410] =	vst v6  }
0x104: {  	v6 =	vld [tilespmem:s15+$0x1400];
	[tilespmem:s16+$0x5420] =	vst v0  }
0x105: {  	v0 =	vld [tilespmem:s13+$0x23AF];
	[tilespmem:s16+$0x5430] =	vst v1  }
0x106: {  	v1 =	vld [tilespmem:s15+$0x1380];
	[tilespmem:s16+$0x5440] =	vst v2  }
0x107: {  	v2 =	vld [tilespmem:s13+$0x232F];
	[tilespmem:s16+$0x5450] =	vst v3  }
0x108: {  	v3 =	vld [tilespmem:s15+$0x1300];
	[tilespmem:s16+$0x5460] =	vst v4  }
0x109: {  	v4 =	vld [tilespmem:s13+$0x22AF];
	[tilespmem:s16+$0x5470] =	vst v5  }
0x10a: {  	v5 =	vld [tilespmem:s15+$0x1280];
	[tilespmem:s16+$0x5800] =	vst v6  }
0x10b: {  	v6 =	vld [tilespmem:s13+$0x222F];
	[tilespmem:s16+$0x5810] =	vst v0  }
0x10c: {  	v0 =	vld [tilespmem:s15+$0x1200];
	[tilespmem:s16+$0x5820] =	vst v1  }
0x10d: {  	v1 =	vld [tilespmem:s13+$0x21AF];
	[tilespmem:s16+$0x5830] =	vst v2  }
0x10e: {  	v2 =	vld [tilespmem:s15+$0x1180];
	[tilespmem:s16+$0x5840] =	vst v3  }
0x10f: {  	s22 =	sand.u32 $0x7, s10;
	s14 =	sadd.s32 s4, s14;
	v3 =	vld [tilespmem:s13+$0x212F];
	[tilespmem:s16+$0x5850] =	vst v4  }
0x110: {  	s14 =	sshll.u32 s14, $0x7;
	v4 =	vld [tilespmem:s15+$0x1100];
	s15 =	sshll.u32 s22, $0x7  }
0x111: {  	s14 =	sand.u32 $0x3FFFFF80, s14;
	[tilespmem:s16+$0x5860] =	vst v5;
	s15 =	sadd.s32 s15, s7  }
0x112: {  	s12 =	sadd.s32 s20, s14;
	v5 =	vld [tilespmem:s13+$0x20AF];
	[tilespmem:s16+$0x5870] =	vst v6;
	s23 =	sor.u32 $0x1C00, s15  }
0x113: {  	v6 =	vld [tilespmem:s12+$0x2000];
	s24 =	sor.u32 $0x1C10, s15;
	[tilespmem:s23+$0x4000] =	vst v0  }
0x114: {  	s25 =	sor.u32 $0x1C20, s15;
	v0 =	vld [tilespmem:s13+$0x202F];
	[tilespmem:s24+$0x4000] =	vst v1  }
0x115: {  	p0 =	sne.s32 s11, $0xFFFFFFC4;
	s26 =	sor.u32 $0x1C30, s15;
	[tilespmem:s25+$0x4000] =	vst v2  }
.Ltmp4:
0x116: {  	s28 =	sor.u32 $0x1C40, s15;
	[tilespmem:s26+$0x4000] =	vst v3;
	(pc) =	sbr.rel @p0 .LBB2_9-.Ltmp4, $4  }
0x117: {  	s29 =	sor.u32 $0x1C50, s15;
	[tilespmem:s28+$0x4000] =	vst v4  }
0x118: {  	s8 =	sadd.s32 $0x1, s8;
	s30 =	sor.u32 $0x1C60, s15;
	[tilespmem:s29+$0x4000] =	vst v5  }
0x119: {  	s9 =	sadd.s32 $0x80, s9;
	s10 =	sadd.s32 $0x1, s10;
	s31 =	sor.u32 $0x1C70, s15;
	[tilespmem:s30+$0x4000] =	vst v6  }
0x11a: {  	s6 =	sadd.s32 $0x1, s6;
	s11 =	sadd.s32 $0xFFFFFFFC, s11;
	s7 =	sadd.s32 $0x400, s7;
	[tilespmem:s31+$0x4000] =	vst v0  }
0x11b: {  	s8 =	sadd.s32 $0x1000, s3  }
0x11c: {  	s6 =	simm.s32 $0x0;
	s7 =	simm.s32 $0xC000;
	s9 =	simm.s32 $0x1800  }
0x11d: {  	[hbm4b:s8+s6] =	stream.linear.scatter [tilespmem:s7], [sflag:$0x1], $0x4000, $0x38;
	[tilespmem:$0x14000] =	vst v63  }
0x11e: {  	s10 =	simm.s32 $0x10;
	s11 =	simm.s32 $0x0;
	s8 =	simm.s32 $0x30  }
.LBB2_11:
0x11f: {  	s12 =	sadd.s32 $0x20, s10  }
0x120: {  	s14 =	sshrl.u32 s12, $0x5  }
0x121: {  	s13 =	sshll.u32 s8, $0x2;
	s16 =	sadd.s32 s11, s2;
	s12 =	sadd.s32 s14, s5  }
0x122: {  	s13 =	sand.u32 $0x3FFFFF80, s13;
	s16 =	sshra.s32 s16, $0x2;
	s15 =	sshll.u32 s12, $0x9  }
0x123: {  	s20 =	sxor.u32 $0x1F, s10;
	s13 =	sadd.s32 s16, s13;
	s15 =	sshra.s32 s15, $0x2  }
0x124: {  	v1 =	vld [tilespmem:s13+$0x2F9F];
	s15 =	sadd.s32 s20, s15  }
0x125: {  	v0 =	vld [tilespmem:s15+$0x2000]  }
0x126: {  	v3 =	vld [tilespmem:s13+$0x2F1F]  }
0x127: {  	v2 =	vld [tilespmem:s15+$0x1F80]  }
0x128: {  	s21 =	sand.u32 $0xE000, s7;
	s17 =	sand.u32 $0x380, s9;
	v5 =	vld [tilespmem:s13+$0x2E9F]  }
0x129: {  	s16 =	sor.u32 s17, s21;
	v4 =	vld [tilespmem:s15+$0x1F00]  }
0x12a: {  	v6 =	vld [tilespmem:s15+$0x1E80];
	[tilespmem:s16+$0x4000] =	vst v0  }
0x12b: {  	v0 =	vld [tilespmem:s13+$0x2E1F];
	[tilespmem:s16+$0x4010] =	vst v1  }
0x12c: {  	v1 =	vld [tilespmem:s15+$0x1E00];
	[tilespmem:s16+$0x4020] =	vst v2  }
0x12d: {  	v2 =	vld [tilespmem:s13+$0x2D9F];
	[tilespmem:s16+$0x4030] =	vst v3  }
0x12e: {  	v3 =	vld [tilespmem:s15+$0x1D80];
	[tilespmem:s16+$0x4040] =	vst v4  }
0x12f: {  	v4 =	vld [tilespmem:s13+$0x2D1F];
	[tilespmem:s16+$0x4050] =	vst v5  }
0x130: {  	v5 =	vld [tilespmem:s15+$0x1D00];
	[tilespmem:s16+$0x4060] =	vst v6  }
0x131: {  	v6 =	vld [tilespmem:s13+$0x2C9F];
	[tilespmem:s16+$0x4070] =	vst v0  }
0x132: {  	v0 =	vld [tilespmem:s15+$0x1C80];
	[tilespmem:s16+$0x4400] =	vst v1  }
0x133: {  	v1 =	vld [tilespmem:s13+$0x2C1F];
	[tilespmem:s16+$0x4410] =	vst v2  }
0x134: {  	v2 =	vld [tilespmem:s15+$0x1C00];
	[tilespmem:s16+$0x4420] =	vst v3  }
0x135: {  	v3 =	vld [tilespmem:s13+$0x2B9F];
	[tilespmem:s16+$0x4430] =	vst v4  }
0x136: {  	v4 =	vld [tilespmem:s15+$0x1B80];
	[tilespmem:s16+$0x4440] =	vst v5  }
0x137: {  	v5 =	vld [tilespmem:s13+$0x2B1F];
	[tilespmem:s16+$0x4450] =	vst v6  }
0x138: {  	v6 =	vld [tilespmem:s15+$0x1B00];
	[tilespmem:s16+$0x4460] =	vst v0  }
0x139: {  	v0 =	vld [tilespmem:s13+$0x2A9F];
	[tilespmem:s16+$0x4470] =	vst v1  }
0x13a: {  	v1 =	vld [tilespmem:s15+$0x1A80];
	[tilespmem:s16+$0x4800] =	vst v2  }
0x13b: {  	v2 =	vld [tilespmem:s13+$0x2A1F];
	[tilespmem:s16+$0x4810] =	vst v3  }
0x13c: {  	v3 =	vld [tilespmem:s15+$0x1A00];
	[tilespmem:s16+$0x4820] =	vst v4  }
0x13d: {  	v4 =	vld [tilespmem:s13+$0x299F];
	[tilespmem:s16+$0x4830] =	vst v5  }
0x13e: {  	v5 =	vld [tilespmem:s15+$0x1980];
	[tilespmem:s16+$0x4840] =	vst v6  }
0x13f: {  	v6 =	vld [tilespmem:s13+$0x291F];
	[tilespmem:s16+$0x4850] =	vst v0  }
0x140: {  	v0 =	vld [tilespmem:s15+$0x1900];
	[tilespmem:s16+$0x4860] =	vst v1  }
0x141: {  	v1 =	vld [tilespmem:s13+$0x289F];
	[tilespmem:s16+$0x4870] =	vst v2  }
0x142: {  	v2 =	vld [tilespmem:s15+$0x1880];
	[tilespmem:s16+$0x4C00] =	vst v3  }
0x143: {  	v3 =	vld [tilespmem:s13+$0x281F];
	[tilespmem:s16+$0x4C10] =	vst v4  }
0x144: {  	v4 =	vld [tilespmem:s15+$0x1800];
	[tilespmem:s16+$0x4C20] =	vst v5  }
0x145: {  	v5 =	vld [tilespmem:s13+$0x279F];
	[tilespmem:s16+$0x4C30] =	vst v6  }
0x146: {  	v6 =	vld [tilespmem:s15+$0x1780];
	[tilespmem:s16+$0x4C40] =	vst v0  }
0x147: {  	v0 =	vld [tilespmem:s13+$0x271F];
	[tilespmem:s16+$0x4C50] =	vst v1  }
0x148: {  	v1 =	vld [tilespmem:s15+$0x1700];
	[tilespmem:s16+$0x4C60] =	vst v2  }
0x149: {  	v2 =	vld [tilespmem:s13+$0x269F];
	[tilespmem:s16+$0x4C70] =	vst v3  }
0x14a: {  	v3 =	vld [tilespmem:s15+$0x1680];
	[tilespmem:s16+$0x5000] =	vst v4  }
0x14b: {  	v4 =	vld [tilespmem:s13+$0x261F];
	[tilespmem:s16+$0x5010] =	vst v5  }
0x14c: {  	v5 =	vld [tilespmem:s15+$0x1600];
	[tilespmem:s16+$0x5020] =	vst v6  }
0x14d: {  	v6 =	vld [tilespmem:s13+$0x259F];
	[tilespmem:s16+$0x5030] =	vst v0  }
0x14e: {  	v0 =	vld [tilespmem:s15+$0x1580];
	[tilespmem:s16+$0x5040] =	vst v1  }
0x14f: {  	v1 =	vld [tilespmem:s13+$0x251F];
	[tilespmem:s16+$0x5050] =	vst v2  }
0x150: {  	v2 =	vld [tilespmem:s15+$0x1500];
	[tilespmem:s16+$0x5060] =	vst v3  }
0x151: {  	v3 =	vld [tilespmem:s13+$0x249F];
	[tilespmem:s16+$0x5070] =	vst v4  }
0x152: {  	v4 =	vld [tilespmem:s15+$0x1480];
	[tilespmem:s16+$0x5400] =	vst v5  }
0x153: {  	v5 =	vld [tilespmem:s13+$0x241F];
	[tilespmem:s16+$0x5410] =	vst v6  }
0x154: {  	v6 =	vld [tilespmem:s15+$0x1400];
	[tilespmem:s16+$0x5420] =	vst v0  }
0x155: {  	v0 =	vld [tilespmem:s13+$0x239F];
	[tilespmem:s16+$0x5430] =	vst v1  }
0x156: {  	v1 =	vld [tilespmem:s15+$0x1380];
	[tilespmem:s16+$0x5440] =	vst v2  }
0x157: {  	v2 =	vld [tilespmem:s13+$0x231F];
	[tilespmem:s16+$0x5450] =	vst v3  }
0x158: {  	v3 =	vld [tilespmem:s15+$0x1300];
	[tilespmem:s16+$0x5460] =	vst v4  }
0x159: {  	v4 =	vld [tilespmem:s13+$0x229F];
	[tilespmem:s16+$0x5470] =	vst v5  }
0x15a: {  	v5 =	vld [tilespmem:s15+$0x1280];
	[tilespmem:s16+$0x5800] =	vst v6  }
0x15b: {  	v6 =	vld [tilespmem:s13+$0x221F];
	[tilespmem:s16+$0x5810] =	vst v0  }
0x15c: {  	v0 =	vld [tilespmem:s15+$0x1200];
	[tilespmem:s16+$0x5820] =	vst v1  }
0x15d: {  	v1 =	vld [tilespmem:s13+$0x219F];
	[tilespmem:s16+$0x5830] =	vst v2  }
0x15e: {  	v2 =	vld [tilespmem:s15+$0x1180];
	[tilespmem:s16+$0x5840] =	vst v3  }
0x15f: {  	s22 =	sand.u32 $0x7, s6;
	s14 =	sadd.s32 s4, s14;
	v3 =	vld [tilespmem:s13+$0x211F];
	[tilespmem:s16+$0x5850] =	vst v4  }
0x160: {  	s14 =	sshll.u32 s14, $0x7;
	v4 =	vld [tilespmem:s15+$0x1100];
	s15 =	sshll.u32 s22, $0x7  }
0x161: {  	s14 =	sand.u32 $0x3FFFFF80, s14;
	[tilespmem:s16+$0x5860] =	vst v5;
	s15 =	sadd.s32 s15, s7  }
0x162: {  	s12 =	sadd.s32 s20, s14;
	v5 =	vld [tilespmem:s13+$0x209F];
	[tilespmem:s16+$0x5870] =	vst v6;
	s23 =	sor.u32 $0x1C00, s15  }
0x163: {  	v6 =	vld [tilespmem:s12+$0x2000];
	s24 =	sor.u32 $0x1C10, s15;
	[tilespmem:s23+$0x4000] =	vst v0  }
0x164: {  	s25 =	sor.u32 $0x1C20, s15;
	v0 =	vld [tilespmem:s13+$0x201F];
	[tilespmem:s24+$0x4000] =	vst v1  }
0x165: {  	p0 =	sne.s32 s11, $0xFFFFFFC4;
	s26 =	sor.u32 $0x1C30, s15;
	[tilespmem:s25+$0x4000] =	vst v2  }
.Ltmp5:
0x166: {  	s28 =	sor.u32 $0x1C40, s15;
	[tilespmem:s26+$0x4000] =	vst v3;
	(pc) =	sbr.rel @p0 .LBB2_11-.Ltmp5, $4  }
0x167: {  	s29 =	sor.u32 $0x1C50, s15;
	[tilespmem:s28+$0x4000] =	vst v4  }
0x168: {  	s8 =	sadd.s32 $0x1, s8;
	s30 =	sor.u32 $0x1C60, s15;
	[tilespmem:s29+$0x4000] =	vst v5  }
0x169: {  	s9 =	sadd.s32 $0x80, s9;
	s6 =	sadd.s32 $0x1, s6;
	s31 =	sor.u32 $0x1C70, s15;
	[tilespmem:s30+$0x4000] =	vst v6  }
0x16a: {  	s10 =	sadd.s32 $0x1, s10;
	s11 =	sadd.s32 $0xFFFFFFFC, s11;
	s7 =	sadd.s32 $0x400, s7;
	[tilespmem:s31+$0x4000] =	vst v0  }
0x16b: {  	s2 =	sadd.s32 $0x1800, s3  }
0x16c: {  	s30 =	simm.s32 $0x0;
	s4 =	simm.s32 $0x10000;
	s31 =	simm.s32 $0x1  }
0x16d: {  	[hbm4b:s2+s30] =	stream.linear.scatter [tilespmem:s4], [sflag:$0x1], $0x4000, $0x38;
	[tilespmem:$0x14000] =	vst v63  }
0x16e: {  	_ =	swait.ge [sflag:s31], $0x4000  }
0x16f: {  	[sflag:s31] =	ssyncset.done $0x0  }
0x170: {  	[sflag:s31] =	ssyncadd.s32 $0xFFFFC000  }
0x171: {  	_ =	swait.ge [sflag:s31], $0x4000  }
0x172: {  	[sflag:s31] =	ssyncset.done $0x0  }
0x173: {  	[sflag:s31] =	ssyncadd.s32 $0xFFFFC000  }
0x174: {  	_ =	swait.ge [sflag:s31], $0x4000  }
0x175: {  	[sflag:s31] =	ssyncset.done $0x0  }
0x176: {  	[sflag:s31] =	ssyncadd.s32 $0xFFFFC000  }
0x177: {  	_ =	swait.ge [sflag:s31], $0x4000  }
0x178: {  	[sflag:s31] =	ssyncset.done $0x0  }
0x179: {  	[sflag:s31] =	ssyncadd.s32 $0xFFFFC000  }
0x17a: {  	_ =	sfence.sel $0x180000  }
0x17b: {  	[bflag:$0x0] =	sbarrier.arrive $0xFFFF  }
0x17c: {  	p0 =	sne.s32 s1, $0x0;
	_ =	strace $0x90000047  }
0x17d: {  	s0 =	sadd.s32 @!p0 $0x100000, s0;
	[bflag:$0x2] =	sbarrier.arrive $0xFFFF  }
0x17e: {  	[sflag:s0] =	ssyncadd.tile.s32 @!p0 $0x1;
	_ =	shalt  }
.Lfunc_end2:
_tile_overlayer_lowered:
.L_overlay_start_2:
0x17f: {  	(tag) =	ssettag $0x2  }
0x180: {  	s0 =	rddreg [dreg:$0x0];
	s2 =	stileid.u32  }
0x181: {  	s1 =	rddreg [dreg:$0x1];
	p0 =	sne.s32 s2, $0x0  }
0x182: {  	s3 =	rddreg [dreg:$0x2];
	[bflag:$0x3] =	sbarrier.arrive $0xFFFF;
	s2 =	simm.s32 @!p0 $0x1C02  }
0x183: {  	[timem:s3], [sflag:s2] =	dma.local @!p0 [hbm:s0], s1  }
0x184: {  	s0 =	simm.s32 @!p0 $0x2  }
0x185: {  	_ =	swait.ge @!p0 [sflag:s0], s1  }
0x186: {  	s1 =	ssub.s32 @!p0 $0x0, s1;
	[sflag:s0] =	ssyncset.done @!p0 $0x0  }
0x187: {  	[sflag:s0] =	ssyncadd.s32 @!p0 s1  }
0x188: {  	[bflag:$0x3] =	sbarrier.arrive $0xFFFF  }
0x189: {  	_ =	shalt  }

</sc_bundles>
